<compile_context>
chip_gen: v7x
topology: tpu7x:2x2x1
jax: 0.10.2.dev20260603
libtpu: 0.0.44.dev20260713+nightly
codegen_flags: <defaults>
</compile_context>

<pallas_src>
import functools

import jax
import jax.numpy as jnp
from jax import lax
from jax.experimental import pallas as pl
from jax.experimental.pallas import tpu as pltpu
from jax.experimental.pallas import tpu_sc as plsc

BATCH = 4096
MAXLEN = 200
EMBED = 64

NC, NS = 2, 16
NW = NC * NS
SEQ_PER_W = BATCH // NW

SEQ_PER_CHUNK = 2
N_CHUNK = SEQ_PER_W // SEQ_PER_CHUNK
CHUNK = SEQ_PER_CHUNK * MAXLEN
SPLITS = ((0, 128), (128, 72))
LANES = 16
VPE = EMBED // LANES
NBUF = 4
LOOKAHEAD = 3


def _start_chunk(x_hbm, tab_hbm, idx_v, rows_v, gsem, seq0):
    pltpu.sync_copy(x_hbm.at[pl.ds(seq0, SEQ_PER_CHUNK)], idx_v)
    for s in range(SEQ_PER_CHUNK):
        for off, ln in SPLITS:
            pltpu.make_async_copy(
                tab_hbm.at[idx_v.at[s, pl.ds(off, ln)]],
                rows_v.at[pl.ds(s * MAXLEN + off, ln)],
                gsem,
            ).start()


def _wait_chunk(tab_hbm, idx_v, rows_v, gsem):
    for s in range(SEQ_PER_CHUNK):
        for off, ln in SPLITS:
            pltpu.make_async_copy(
                tab_hbm.at[idx_v.at[s, pl.ds(off, ln)]],
                rows_v.at[pl.ds(s * MAXLEN + off, ln)],
                gsem,
            ).wait()


def _add_pos(rows_v, pos_v):
    @pl.loop(0, MAXLEN)
    def pos_body(p):
        pv = [pos_v[p, pl.ds(j * LANES, LANES)] for j in range(VPE)]
        for s in range(SEQ_PER_CHUNK):
            r = s * MAXLEN + p
            for j in range(VPE):
                rows_v[r, pl.ds(j * LANES, LANES)] += pv[j]


def _store_chunk(rows_v, out_hbm, ssem, seq0, start):
    for s in range(SEQ_PER_CHUNK):
        cp = pltpu.make_async_copy(
            rows_v.at[pl.ds(s * MAXLEN, MAXLEN)],
            out_hbm.at[seq0 + s],
            ssem,
        )
        if start:
            cp.start()
        else:
            cp.wait()


def _body(x_hbm, tab_hbm, pos_hbm, out_hbm,
          idx0, idx1, idx2, idx3, rows0, rows1, rows2, rows3, pos_v,
          gsem0, gsem1, gsem2, gsem3, ssem0, ssem1, ssem2, ssem3):
    wid = lax.axis_index("s") * NC + lax.axis_index("c")
    base = wid * SEQ_PER_W
    idx = [idx0, idx1, idx2, idx3]
    rows = [rows0, rows1, rows2, rows3]
    gsem = [gsem0, gsem1, gsem2, gsem3]
    ssem = [ssem0, ssem1, ssem2, ssem3]

    pltpu.sync_copy(pos_hbm, pos_v)

    for b in range(LOOKAHEAD):
        _start_chunk(x_hbm, tab_hbm, idx[b], rows[b], gsem[b],
                     base + b * SEQ_PER_CHUNK)

    @pl.loop(0, N_CHUNK, step=NBUF)
    def chunk_body(c):
        for b in range(NBUF):
            seq0 = base + (c + b) * SEQ_PER_CHUNK
            _wait_chunk(tab_hbm, idx[b], rows[b], gsem[b])
            _add_pos(rows[b], pos_v)
            _store_chunk(rows[b], out_hbm, ssem[b], seq0, start=True)
            b2 = (b + LOOKAHEAD) % NBUF

            @pl.when(c + b + LOOKAHEAD < N_CHUNK)
            def _():
                @pl.when(c + b + LOOKAHEAD >= NBUF)
                def _():
                    _store_chunk(
                        rows[b2], out_hbm, ssem[b2],
                        base + (c + b + LOOKAHEAD - NBUF) * SEQ_PER_CHUNK,
                        start=False)
                _start_chunk(x_hbm, tab_hbm, idx[b2], rows[b2], gsem[b2],
                             base + (c + b + LOOKAHEAD) * SEQ_PER_CHUNK)

    for b in range(NBUF):
        cc = N_CHUNK - NBUF + b
        _store_chunk(rows[cc % NBUF], out_hbm, ssem[cc % NBUF],
                     base + cc * SEQ_PER_CHUNK, start=False)


@jax.jit
def _run(x, token_table, pos_table):
    mesh = plsc.VectorSubcoreMesh(core_axis_name="c", subcore_axis_name="s")
    f = functools.partial(
        pl.kernel,
        out_type=jax.ShapeDtypeStruct((BATCH, MAXLEN, EMBED), jnp.float32),
        mesh=mesh,
        scratch_types=(
            [pltpu.VMEM((SEQ_PER_CHUNK, MAXLEN), jnp.int32)] * NBUF
            + [pltpu.VMEM((CHUNK, EMBED), jnp.float32)] * NBUF
            + [pltpu.VMEM((MAXLEN, EMBED), jnp.float32)]
            + [pltpu.SemaphoreType.DMA] * (2 * NBUF)
        ),
        compiler_params=pltpu.CompilerParams(use_tc_tiling_on_sc=False),
    )(_body)
    return f(x, token_table, pos_table)


def kernel(x, token_table, pos_table):
    return _run(x.astype(jnp.int32), token_table, pos_table)

# --- scband reference (transcript-rebuilt; emitter-appended) ---
"""Pipeline reference for scband-token-and-position-embedding-8632884265057 (READ-ONLY COPY).

The authoritative reference and input builder live on the scoring server;
editing this copy changes nothing except your own understanding.
"""

import jax, jax.numpy as jnp
import numpy as np

VOCAB = 1000000
MAXLEN = 200
EMBED = 64
BATCH = 4096

def setup_inputs(seed: int = 0) -> dict:
    key = jax.random.key(seed)
    k1, k2, k3 = jax.random.split(key, 3)
    x = jax.random.randint(k1, (BATCH, MAXLEN), 0, VOCAB, dtype=jnp.int64 if jax.config.jax_enable_x64 else jnp.int32)
    token_table = jax.random.normal(k2, (VOCAB, EMBED), dtype=jnp.float32) * 0.02
    pos_table = jax.random.normal(k3, (MAXLEN, EMBED), dtype=jnp.float32) * 0.02
    return {"x": x, "token_table": token_table, "pos_table": pos_table}

def reference(x, token_table, pos_table):
    maxlen = x.shape[-1]
    positions = jnp.arange(0, maxlen)
    pos_embedded = jnp.take(pos_table, positions, axis=0)  # [maxlen, embed]
    tok_embedded = jnp.take(token_table, x, axis=0)        # [batch, maxlen, embed]
    return tok_embedded + pos_embedded

if __name__ == "__main__":
    import jax
    _d = setup_inputs()
    print(jax.jit(kernel)(*tuple(_d.values())))

</pallas_src>

<mosaic_0001>
#map = affine_map<(d0, d1) -> (0, 0)>
#map1 = affine_map<(d0, d1) -> (0, 0, 0)>
module attributes {stable_mosaic.version = 14 : i64} {
  func.func @_body(%arg0: i32, %arg1: i32, %arg2: memref<4096x200xi32, #tpu.memory_space<hbm>>, %arg3: memref<1000000x64xf32, #tpu.memory_space<hbm>>, %arg4: memref<200x64xf32, #tpu.memory_space<hbm>>, %arg5: memref<4096x200x64xf32, #tpu.memory_space<hbm>>, %arg6: memref<2x200xi32, #tpu.memory_space<vmem>>, %arg7: memref<2x200xi32, #tpu.memory_space<vmem>>, %arg8: memref<2x200xi32, #tpu.memory_space<vmem>>, %arg9: memref<2x200xi32, #tpu.memory_space<vmem>>, %arg10: memref<400x64xf32, #tpu.memory_space<vmem>>, %arg11: memref<400x64xf32, #tpu.memory_space<vmem>>, %arg12: memref<400x64xf32, #tpu.memory_space<vmem>>, %arg13: memref<400x64xf32, #tpu.memory_space<vmem>>, %arg14: memref<200x64xf32, #tpu.memory_space<vmem>>, %arg15: memref<!tpu.dma_semaphore, #tpu.memory_space<semaphore_mem>>, %arg16: memref<!tpu.dma_semaphore, #tpu.memory_space<semaphore_mem>>, %arg17: memref<!tpu.dma_semaphore, #tpu.memory_space<semaphore_mem>>, %arg18: memref<!tpu.dma_semaphore, #tpu.memory_space<semaphore_mem>>, %arg19: memref<!tpu.dma_semaphore, #tpu.memory_space<semaphore_mem>>, %arg20: memref<!tpu.dma_semaphore, #tpu.memory_space<semaphore_mem>>, %arg21: memref<!tpu.dma_semaphore, #tpu.memory_space<semaphore_mem>>, %arg22: memref<!tpu.dma_semaphore, #tpu.memory_space<semaphore_mem>>) attributes {dimension_semantics = [#tpu.dimension_semantics<core_parallel>, #tpu.dimension_semantics<subcore_parallel>], iteration_bounds = array<i64: 2, 16>, scalar_prefetch = 0 : i64, scratch_operands = 17 : i64, tpu.core_type = #tpu.core_type<sc_vector_subcore>, window_params = [{transform_indices = #map}, {transform_indices = #map}, {transform_indices = #map}, {transform_indices = #map1}]} {
    %mul3A = arith.constant 2 : i32
    %mul3A_0 = arith.muli %arg1, %mul3A : i32
    %add3A = arith.addi %mul3A_0, %arg0 : i32
    %mul3A_1 = arith.constant 128 : i32
    %mul3A_2 = arith.muli %add3A, %mul3A_1 : i32
    "tpu.region"() ({
      %run_scoped3A = tpu.sem_alloc : memref<!tpu.dma_semaphore, #tpu.memory_space<semaphore_mem>>
      tpu.enqueue_dma source(%arg4 : memref<200x64xf32, #tpu.memory_space<hbm>>) target(%arg14 : memref<200x64xf32, #tpu.memory_space<vmem>>) target_semaphore(%run_scoped3A : memref<!tpu.dma_semaphore, #tpu.memory_space<semaphore_mem>>)
      tpu.wait_dma2 semaphore(%run_scoped3A : memref<!tpu.dma_semaphore, #tpu.memory_space<semaphore_mem>>) src(%arg4 : memref<200x64xf32, #tpu.memory_space<hbm>>) dst(%arg14 : memref<200x64xf32, #tpu.memory_space<vmem>>)
      tpu.yield
    }) : () -> ()
    %add3A_3 = arith.constant 0 : i32
    %add3A_4 = arith.addi %mul3A_2, %add3A_3 : i32
    "tpu.region"() ({
      %run_scoped3A = tpu.sem_alloc : memref<!tpu.dma_semaphore, #tpu.memory_space<semaphore_mem>>
      %dma_start3A_267 = arith.constant 0 : i32
      %dma_start3A_268 = tpu.memref_slice %arg2[%add3A_4, %dma_start3A_267] : memref<4096x200xi32, #tpu.memory_space<hbm>> -> memref<2x200xi32, #tpu.memory_space<hbm>>
      %dma_start3A_269 = arith.constant 0 : i32
      %dma_start3A_270 = tpu.memref_slice %arg2[%add3A_4, %dma_start3A_269] : memref<4096x200xi32, #tpu.memory_space<hbm>> -> memref<2x200xi32, #tpu.memory_space<hbm>>
      tpu.enqueue_dma source(%dma_start3A_270 : memref<2x200xi32, #tpu.memory_space<hbm>>) target(%arg6 : memref<2x200xi32, #tpu.memory_space<vmem>>) target_semaphore(%run_scoped3A : memref<!tpu.dma_semaphore, #tpu.memory_space<semaphore_mem>>)
      %dma_wait3A_271 = arith.constant 0 : i32
      %dma_wait3A_272 = tpu.memref_slice %arg2[%add3A_4, %dma_wait3A_271] : memref<4096x200xi32, #tpu.memory_space<hbm>> -> memref<2x200xi32, #tpu.memory_space<hbm>>
      %dma_wait3A_273 = arith.constant 0 : i32
      %dma_wait3A_274 = tpu.memref_slice %arg2[%add3A_4, %dma_wait3A_273] : memref<4096x200xi32, #tpu.memory_space<hbm>> -> memref<2x200xi32, #tpu.memory_space<hbm>>
      tpu.wait_dma2 semaphore(%run_scoped3A : memref<!tpu.dma_semaphore, #tpu.memory_space<semaphore_mem>>) src(%dma_wait3A_274 : memref<2x200xi32, #tpu.memory_space<hbm>>) dst(%arg6 : memref<2x200xi32, #tpu.memory_space<vmem>>)
      tpu.yield
    }) : () -> ()
    %dma_start3A = arith.constant 0 : i32
    %dma_start3A_5 = arith.constant 0 : i32
    %dma_start3A_6 = arith.constant 0 : i32
    %dma_start3A_7 = tpu.memref_slice %arg10[%dma_start3A_5, %dma_start3A_6] : memref<400x64xf32, #tpu.memory_space<vmem>> -> memref<128x64xf32, #tpu.memory_space<vmem>>
    %dma_start3A_8 = arith.constant 0 : i32
    %dma_start3A_9 = tpu.memref_slice %arg6[%dma_start3A, %dma_start3A_8] : memref<2x200xi32, #tpu.memory_space<vmem>> -> memref<1x128xi32, #tpu.memory_space<vmem>>
    %dma_start3A_10 = tpu.memref_squeeze %dma_start3A_9 : memref<1x128xi32, #tpu.memory_space<vmem>> -> memref<128xi32, #tpu.memory_space<vmem>>
    %dma_start3A_11 = arith.constant 0 : i32
    %dma_start3A_12 = arith.constant 0 : i32
    %dma_start3A_13 = tpu.memref_slice %arg3[%dma_start3A_11, %dma_start3A_12] : memref<1000000x64xf32, #tpu.memory_space<hbm>> -> memref<1000000x64xf32, #tpu.memory_space<hbm>>
    tpu.enqueue_indirect_dma source(%dma_start3A_13 : memref<1000000x64xf32, #tpu.memory_space<hbm>>) target(%dma_start3A_7 : memref<128x64xf32, #tpu.memory_space<vmem>>) offsets(%dma_start3A_10 : memref<128xi32, #tpu.memory_space<vmem>>) semaphore(%arg15 : memref<!tpu.dma_semaphore, #tpu.memory_space<semaphore_mem>>)
    %dma_start3A_14 = arith.constant 0 : i32
    %dma_start3A_15 = arith.constant 128 : i32
    %dma_start3A_16 = arith.constant 0 : i32
    %dma_start3A_17 = tpu.memref_slice %arg10[%dma_start3A_15, %dma_start3A_16] : memref<400x64xf32, #tpu.memory_space<vmem>> -> memref<72x64xf32, #tpu.memory_space<vmem>>
    %dma_start3A_18 = arith.constant 128 : i32
    %dma_start3A_19 = tpu.memref_slice %arg6[%dma_start3A_14, %dma_start3A_18] : memref<2x200xi32, #tpu.memory_space<vmem>> -> memref<1x72xi32, #tpu.memory_space<vmem>>
    %dma_start3A_20 = tpu.memref_squeeze %dma_start3A_19 : memref<1x72xi32, #tpu.memory_space<vmem>> -> memref<72xi32, #tpu.memory_space<vmem>>
    %dma_start3A_21 = arith.constant 0 : i32
    %dma_start3A_22 = arith.constant 0 : i32
    %dma_start3A_23 = tpu.memref_slice %arg3[%dma_start3A_21, %dma_start3A_22] : memref<1000000x64xf32, #tpu.memory_space<hbm>> -> memref<1000000x64xf32, #tpu.memory_space<hbm>>
    tpu.enqueue_indirect_dma source(%dma_start3A_23 : memref<1000000x64xf32, #tpu.memory_space<hbm>>) target(%dma_start3A_17 : memref<72x64xf32, #tpu.memory_space<vmem>>) offsets(%dma_start3A_20 : memref<72xi32, #tpu.memory_space<vmem>>) semaphore(%arg15 : memref<!tpu.dma_semaphore, #tpu.memory_space<semaphore_mem>>)
    %dma_start3A_24 = arith.constant 1 : i32
    %dma_start3A_25 = arith.constant 200 : i32
    %dma_start3A_26 = arith.constant 0 : i32
    %dma_start3A_27 = tpu.memref_slice %arg10[%dma_start3A_25, %dma_start3A_26] : memref<400x64xf32, #tpu.memory_space<vmem>> -> memref<128x64xf32, #tpu.memory_space<vmem>>
    %dma_start3A_28 = arith.constant 0 : i32
    %dma_start3A_29 = tpu.memref_slice %arg6[%dma_start3A_24, %dma_start3A_28] : memref<2x200xi32, #tpu.memory_space<vmem>> -> memref<1x128xi32, #tpu.memory_space<vmem>>
    %dma_start3A_30 = tpu.memref_squeeze %dma_start3A_29 : memref<1x128xi32, #tpu.memory_space<vmem>> -> memref<128xi32, #tpu.memory_space<vmem>>
    %dma_start3A_31 = arith.constant 0 : i32
    %dma_start3A_32 = arith.constant 0 : i32
    %dma_start3A_33 = tpu.memref_slice %arg3[%dma_start3A_31, %dma_start3A_32] : memref<1000000x64xf32, #tpu.memory_space<hbm>> -> memref<1000000x64xf32, #tpu.memory_space<hbm>>
    tpu.enqueue_indirect_dma source(%dma_start3A_33 : memref<1000000x64xf32, #tpu.memory_space<hbm>>) target(%dma_start3A_27 : memref<128x64xf32, #tpu.memory_space<vmem>>) offsets(%dma_start3A_30 : memref<128xi32, #tpu.memory_space<vmem>>) semaphore(%arg15 : memref<!tpu.dma_semaphore, #tpu.memory_space<semaphore_mem>>)
    %dma_start3A_34 = arith.constant 1 : i32
    %dma_start3A_35 = arith.constant 328 : i32
    %dma_start3A_36 = arith.constant 0 : i32
    %dma_start3A_37 = tpu.memref_slice %arg10[%dma_start3A_35, %dma_start3A_36] : memref<400x64xf32, #tpu.memory_space<vmem>> -> memref<72x64xf32, #tpu.memory_space<vmem>>
    %dma_start3A_38 = arith.constant 128 : i32
    %dma_start3A_39 = tpu.memref_slice %arg6[%dma_start3A_34, %dma_start3A_38] : memref<2x200xi32, #tpu.memory_space<vmem>> -> memref<1x72xi32, #tpu.memory_space<vmem>>
    %dma_start3A_40 = tpu.memref_squeeze %dma_start3A_39 : memref<1x72xi32, #tpu.memory_space<vmem>> -> memref<72xi32, #tpu.memory_space<vmem>>
    %dma_start3A_41 = arith.constant 0 : i32
    %dma_start3A_42 = arith.constant 0 : i32
    %dma_start3A_43 = tpu.memref_slice %arg3[%dma_start3A_41, %dma_start3A_42] : memref<1000000x64xf32, #tpu.memory_space<hbm>> -> memref<1000000x64xf32, #tpu.memory_space<hbm>>
    tpu.enqueue_indirect_dma source(%dma_start3A_43 : memref<1000000x64xf32, #tpu.memory_space<hbm>>) target(%dma_start3A_37 : memref<72x64xf32, #tpu.memory_space<vmem>>) offsets(%dma_start3A_40 : memref<72xi32, #tpu.memory_space<vmem>>) semaphore(%arg15 : memref<!tpu.dma_semaphore, #tpu.memory_space<semaphore_mem>>)
    %add3A_44 = arith.constant 2 : i32
    %add3A_45 = arith.addi %mul3A_2, %add3A_44 : i32
    "tpu.region"() ({
      %run_scoped3A = tpu.sem_alloc : memref<!tpu.dma_semaphore, #tpu.memory_space<semaphore_mem>>
      %dma_start3A_267 = arith.constant 0 : i32
      %dma_start3A_268 = tpu.memref_slice %arg2[%add3A_45, %dma_start3A_267] : memref<4096x200xi32, #tpu.memory_space<hbm>> -> memref<2x200xi32, #tpu.memory_space<hbm>>
      %dma_start3A_269 = arith.constant 0 : i32
      %dma_start3A_270 = tpu.memref_slice %arg2[%add3A_45, %dma_start3A_269] : memref<4096x200xi32, #tpu.memory_space<hbm>> -> memref<2x200xi32, #tpu.memory_space<hbm>>
      tpu.enqueue_dma source(%dma_start3A_270 : memref<2x200xi32, #tpu.memory_space<hbm>>) target(%arg7 : memref<2x200xi32, #tpu.memory_space<vmem>>) target_semaphore(%run_scoped3A : memref<!tpu.dma_semaphore, #tpu.memory_space<semaphore_mem>>)
      %dma_wait3A_271 = arith.constant 0 : i32
      %dma_wait3A_272 = tpu.memref_slice %arg2[%add3A_45, %dma_wait3A_271] : memref<4096x200xi32, #tpu.memory_space<hbm>> -> memref<2x200xi32, #tpu.memory_space<hbm>>
      %dma_wait3A_273 = arith.constant 0 : i32
      %dma_wait3A_274 = tpu.memref_slice %arg2[%add3A_45, %dma_wait3A_273] : memref<4096x200xi32, #tpu.memory_space<hbm>> -> memref<2x200xi32, #tpu.memory_space<hbm>>
      tpu.wait_dma2 semaphore(%run_scoped3A : memref<!tpu.dma_semaphore, #tpu.memory_space<semaphore_mem>>) src(%dma_wait3A_274 : memref<2x200xi32, #tpu.memory_space<hbm>>) dst(%arg7 : memref<2x200xi32, #tpu.memory_space<vmem>>)
      tpu.yield
    }) : () -> ()
    %dma_start3A_46 = arith.constant 0 : i32
    %dma_start3A_47 = arith.constant 0 : i32
    %dma_start3A_48 = arith.constant 0 : i32
    %dma_start3A_49 = tpu.memref_slice %arg11[%dma_start3A_47, %dma_start3A_48] : memref<400x64xf32, #tpu.memory_space<vmem>> -> memref<128x64xf32, #tpu.memory_space<vmem>>
    %dma_start3A_50 = arith.constant 0 : i32
    %dma_start3A_51 = tpu.memref_slice %arg7[%dma_start3A_46, %dma_start3A_50] : memref<2x200xi32, #tpu.memory_space<vmem>> -> memref<1x128xi32, #tpu.memory_space<vmem>>
    %dma_start3A_52 = tpu.memref_squeeze %dma_start3A_51 : memref<1x128xi32, #tpu.memory_space<vmem>> -> memref<128xi32, #tpu.memory_space<vmem>>
    %dma_start3A_53 = arith.constant 0 : i32
    %dma_start3A_54 = arith.constant 0 : i32
    %dma_start3A_55 = tpu.memref_slice %arg3[%dma_start3A_53, %dma_start3A_54] : memref<1000000x64xf32, #tpu.memory_space<hbm>> -> memref<1000000x64xf32, #tpu.memory_space<hbm>>
    tpu.enqueue_indirect_dma source(%dma_start3A_55 : memref<1000000x64xf32, #tpu.memory_space<hbm>>) target(%dma_start3A_49 : memref<128x64xf32, #tpu.memory_space<vmem>>) offsets(%dma_start3A_52 : memref<128xi32, #tpu.memory_space<vmem>>) semaphore(%arg16 : memref<!tpu.dma_semaphore, #tpu.memory_space<semaphore_mem>>)
    %dma_start3A_56 = arith.constant 0 : i32
    %dma_start3A_57 = arith.constant 128 : i32
    %dma_start3A_58 = arith.constant 0 : i32
    %dma_start3A_59 = tpu.memref_slice %arg11[%dma_start3A_57, %dma_start3A_58] : memref<400x64xf32, #tpu.memory_space<vmem>> -> memref<72x64xf32, #tpu.memory_space<vmem>>
    %dma_start3A_60 = arith.constant 128 : i32
    %dma_start3A_61 = tpu.memref_slice %arg7[%dma_start3A_56, %dma_start3A_60] : memref<2x200xi32, #tpu.memory_space<vmem>> -> memref<1x72xi32, #tpu.memory_space<vmem>>
    %dma_start3A_62 = tpu.memref_squeeze %dma_start3A_61 : memref<1x72xi32, #tpu.memory_space<vmem>> -> memref<72xi32, #tpu.memory_space<vmem>>
    %dma_start3A_63 = arith.constant 0 : i32
    %dma_start3A_64 = arith.constant 0 : i32
    %dma_start3A_65 = tpu.memref_slice %arg3[%dma_start3A_63, %dma_start3A_64] : memref<1000000x64xf32, #tpu.memory_space<hbm>> -> memref<1000000x64xf32, #tpu.memory_space<hbm>>
    tpu.enqueue_indirect_dma source(%dma_start3A_65 : memref<1000000x64xf32, #tpu.memory_space<hbm>>) target(%dma_start3A_59 : memref<72x64xf32, #tpu.memory_space<vmem>>) offsets(%dma_start3A_62 : memref<72xi32, #tpu.memory_space<vmem>>) semaphore(%arg16 : memref<!tpu.dma_semaphore, #tpu.memory_space<semaphore_mem>>)
    %dma_start3A_66 = arith.constant 1 : i32
    %dma_start3A_67 = arith.constant 200 : i32
    %dma_start3A_68 = arith.constant 0 : i32
    %dma_start3A_69 = tpu.memref_slice %arg11[%dma_start3A_67, %dma_start3A_68] : memref<400x64xf32, #tpu.memory_space<vmem>> -> memref<128x64xf32, #tpu.memory_space<vmem>>
    %dma_start3A_70 = arith.constant 0 : i32
    %dma_start3A_71 = tpu.memref_slice %arg7[%dma_start3A_66, %dma_start3A_70] : memref<2x200xi32, #tpu.memory_space<vmem>> -> memref<1x128xi32, #tpu.memory_space<vmem>>
    %dma_start3A_72 = tpu.memref_squeeze %dma_start3A_71 : memref<1x128xi32, #tpu.memory_space<vmem>> -> memref<128xi32, #tpu.memory_space<vmem>>
    %dma_start3A_73 = arith.constant 0 : i32
    %dma_start3A_74 = arith.constant 0 : i32
    %dma_start3A_75 = tpu.memref_slice %arg3[%dma_start3A_73, %dma_start3A_74] : memref<1000000x64xf32, #tpu.memory_space<hbm>> -> memref<1000000x64xf32, #tpu.memory_space<hbm>>
    tpu.enqueue_indirect_dma source(%dma_start3A_75 : memref<1000000x64xf32, #tpu.memory_space<hbm>>) target(%dma_start3A_69 : memref<128x64xf32, #tpu.memory_space<vmem>>) offsets(%dma_start3A_72 : memref<128xi32, #tpu.memory_space<vmem>>) semaphore(%arg16 : memref<!tpu.dma_semaphore, #tpu.memory_space<semaphore_mem>>)
    %dma_start3A_76 = arith.constant 1 : i32
    %dma_start3A_77 = arith.constant 328 : i32
    %dma_start3A_78 = arith.constant 0 : i32
    %dma_start3A_79 = tpu.memref_slice %arg11[%dma_start3A_77, %dma_start3A_78] : memref<400x64xf32, #tpu.memory_space<vmem>> -> memref<72x64xf32, #tpu.memory_space<vmem>>
    %dma_start3A_80 = arith.constant 128 : i32
    %dma_start3A_81 = tpu.memref_slice %arg7[%dma_start3A_76, %dma_start3A_80] : memref<2x200xi32, #tpu.memory_space<vmem>> -> memref<1x72xi32, #tpu.memory_space<vmem>>
    %dma_start3A_82 = tpu.memref_squeeze %dma_start3A_81 : memref<1x72xi32, #tpu.memory_space<vmem>> -> memref<72xi32, #tpu.memory_space<vmem>>
    %dma_start3A_83 = arith.constant 0 : i32
    %dma_start3A_84 = arith.constant 0 : i32
    %dma_start3A_85 = tpu.memref_slice %arg3[%dma_start3A_83, %dma_start3A_84] : memref<1000000x64xf32, #tpu.memory_space<hbm>> -> memref<1000000x64xf32, #tpu.memory_space<hbm>>
    tpu.enqueue_indirect_dma source(%dma_start3A_85 : memref<1000000x64xf32, #tpu.memory_space<hbm>>) target(%dma_start3A_79 : memref<72x64xf32, #tpu.memory_space<vmem>>) offsets(%dma_start3A_82 : memref<72xi32, #tpu.memory_space<vmem>>) semaphore(%arg16 : memref<!tpu.dma_semaphore, #tpu.memory_space<semaphore_mem>>)
    %add3A_86 = arith.constant 4 : i32
    %add3A_87 = arith.addi %mul3A_2, %add3A_86 : i32
    "tpu.region"() ({
      %run_scoped3A = tpu.sem_alloc : memref<!tpu.dma_semaphore, #tpu.memory_space<semaphore_mem>>
      %dma_start3A_267 = arith.constant 0 : i32
      %dma_start3A_268 = tpu.memref_slice %arg2[%add3A_87, %dma_start3A_267] : memref<4096x200xi32, #tpu.memory_space<hbm>> -> memref<2x200xi32, #tpu.memory_space<hbm>>
      %dma_start3A_269 = arith.constant 0 : i32
      %dma_start3A_270 = tpu.memref_slice %arg2[%add3A_87, %dma_start3A_269] : memref<4096x200xi32, #tpu.memory_space<hbm>> -> memref<2x200xi32, #tpu.memory_space<hbm>>
      tpu.enqueue_dma source(%dma_start3A_270 : memref<2x200xi32, #tpu.memory_space<hbm>>) target(%arg8 : memref<2x200xi32, #tpu.memory_space<vmem>>) target_semaphore(%run_scoped3A : memref<!tpu.dma_semaphore, #tpu.memory_space<semaphore_mem>>)
      %dma_wait3A_271 = arith.constant 0 : i32
      %dma_wait3A_272 = tpu.memref_slice %arg2[%add3A_87, %dma_wait3A_271] : memref<4096x200xi32, #tpu.memory_space<hbm>> -> memref<2x200xi32, #tpu.memory_space<hbm>>
      %dma_wait3A_273 = arith.constant 0 : i32
      %dma_wait3A_274 = tpu.memref_slice %arg2[%add3A_87, %dma_wait3A_273] : memref<4096x200xi32, #tpu.memory_space<hbm>> -> memref<2x200xi32, #tpu.memory_space<hbm>>
      tpu.wait_dma2 semaphore(%run_scoped3A : memref<!tpu.dma_semaphore, #tpu.memory_space<semaphore_mem>>) src(%dma_wait3A_274 : memref<2x200xi32, #tpu.memory_space<hbm>>) dst(%arg8 : memref<2x200xi32, #tpu.memory_space<vmem>>)
      tpu.yield
    }) : () -> ()
    %dma_start3A_88 = arith.constant 0 : i32
    %dma_start3A_89 = arith.constant 0 : i32
    %dma_start3A_90 = arith.constant 0 : i32
    %dma_start3A_91 = tpu.memref_slice %arg12[%dma_start3A_89, %dma_start3A_90] : memref<400x64xf32, #tpu.memory_space<vmem>> -> memref<128x64xf32, #tpu.memory_space<vmem>>
    %dma_start3A_92 = arith.constant 0 : i32
    %dma_start3A_93 = tpu.memref_slice %arg8[%dma_start3A_88, %dma_start3A_92] : memref<2x200xi32, #tpu.memory_space<vmem>> -> memref<1x128xi32, #tpu.memory_space<vmem>>
    %dma_start3A_94 = tpu.memref_squeeze %dma_start3A_93 : memref<1x128xi32, #tpu.memory_space<vmem>> -> memref<128xi32, #tpu.memory_space<vmem>>
    %dma_start3A_95 = arith.constant 0 : i32
    %dma_start3A_96 = arith.constant 0 : i32
    %dma_start3A_97 = tpu.memref_slice %arg3[%dma_start3A_95, %dma_start3A_96] : memref<1000000x64xf32, #tpu.memory_space<hbm>> -> memref<1000000x64xf32, #tpu.memory_space<hbm>>
    tpu.enqueue_indirect_dma source(%dma_start3A_97 : memref<1000000x64xf32, #tpu.memory_space<hbm>>) target(%dma_start3A_91 : memref<128x64xf32, #tpu.memory_space<vmem>>) offsets(%dma_start3A_94 : memref<128xi32, #tpu.memory_space<vmem>>) semaphore(%arg17 : memref<!tpu.dma_semaphore, #tpu.memory_space<semaphore_mem>>)
    %dma_start3A_98 = arith.constant 0 : i32
    %dma_start3A_99 = arith.constant 128 : i32
    %dma_start3A_100 = arith.constant 0 : i32
    %dma_start3A_101 = tpu.memref_slice %arg12[%dma_start3A_99, %dma_start3A_100] : memref<400x64xf32, #tpu.memory_space<vmem>> -> memref<72x64xf32, #tpu.memory_space<vmem>>
    %dma_start3A_102 = arith.constant 128 : i32
    %dma_start3A_103 = tpu.memref_slice %arg8[%dma_start3A_98, %dma_start3A_102] : memref<2x200xi32, #tpu.memory_space<vmem>> -> memref<1x72xi32, #tpu.memory_space<vmem>>
    %dma_start3A_104 = tpu.memref_squeeze %dma_start3A_103 : memref<1x72xi32, #tpu.memory_space<vmem>> -> memref<72xi32, #tpu.memory_space<vmem>>
    %dma_start3A_105 = arith.constant 0 : i32
    %dma_start3A_106 = arith.constant 0 : i32
    %dma_start3A_107 = tpu.memref_slice %arg3[%dma_start3A_105, %dma_start3A_106] : memref<1000000x64xf32, #tpu.memory_space<hbm>> -> memref<1000000x64xf32, #tpu.memory_space<hbm>>
    tpu.enqueue_indirect_dma source(%dma_start3A_107 : memref<1000000x64xf32, #tpu.memory_space<hbm>>) target(%dma_start3A_101 : memref<72x64xf32, #tpu.memory_space<vmem>>) offsets(%dma_start3A_104 : memref<72xi32, #tpu.memory_space<vmem>>) semaphore(%arg17 : memref<!tpu.dma_semaphore, #tpu.memory_space<semaphore_mem>>)
    %dma_start3A_108 = arith.constant 1 : i32
    %dma_start3A_109 = arith.constant 200 : i32
    %dma_start3A_110 = arith.constant 0 : i32
    %dma_start3A_111 = tpu.memref_slice %arg12[%dma_start3A_109, %dma_start3A_110] : memref<400x64xf32, #tpu.memory_space<vmem>> -> memref<128x64xf32, #tpu.memory_space<vmem>>
    %dma_start3A_112 = arith.constant 0 : i32
    %dma_start3A_113 = tpu.memref_slice %arg8[%dma_start3A_108, %dma_start3A_112] : memref<2x200xi32, #tpu.memory_space<vmem>> -> memref<1x128xi32, #tpu.memory_space<vmem>>
    %dma_start3A_114 = tpu.memref_squeeze %dma_start3A_113 : memref<1x128xi32, #tpu.memory_space<vmem>> -> memref<128xi32, #tpu.memory_space<vmem>>
    %dma_start3A_115 = arith.constant 0 : i32
    %dma_start3A_116 = arith.constant 0 : i32
    %dma_start3A_117 = tpu.memref_slice %arg3[%dma_start3A_115, %dma_start3A_116] : memref<1000000x64xf32, #tpu.memory_space<hbm>> -> memref<1000000x64xf32, #tpu.memory_space<hbm>>
    tpu.enqueue_indirect_dma source(%dma_start3A_117 : memref<1000000x64xf32, #tpu.memory_space<hbm>>) target(%dma_start3A_111 : memref<128x64xf32, #tpu.memory_space<vmem>>) offsets(%dma_start3A_114 : memref<128xi32, #tpu.memory_space<vmem>>) semaphore(%arg17 : memref<!tpu.dma_semaphore, #tpu.memory_space<semaphore_mem>>)
    %dma_start3A_118 = arith.constant 1 : i32
    %dma_start3A_119 = arith.constant 328 : i32
    %dma_start3A_120 = arith.constant 0 : i32
    %dma_start3A_121 = tpu.memref_slice %arg12[%dma_start3A_119, %dma_start3A_120] : memref<400x64xf32, #tpu.memory_space<vmem>> -> memref<72x64xf32, #tpu.memory_space<vmem>>
    %dma_start3A_122 = arith.constant 128 : i32
    %dma_start3A_123 = tpu.memref_slice %arg8[%dma_start3A_118, %dma_start3A_122] : memref<2x200xi32, #tpu.memory_space<vmem>> -> memref<1x72xi32, #tpu.memory_space<vmem>>
    %dma_start3A_124 = tpu.memref_squeeze %dma_start3A_123 : memref<1x72xi32, #tpu.memory_space<vmem>> -> memref<72xi32, #tpu.memory_space<vmem>>
    %dma_start3A_125 = arith.constant 0 : i32
    %dma_start3A_126 = arith.constant 0 : i32
    %dma_start3A_127 = tpu.memref_slice %arg3[%dma_start3A_125, %dma_start3A_126] : memref<1000000x64xf32, #tpu.memory_space<hbm>> -> memref<1000000x64xf32, #tpu.memory_space<hbm>>
    tpu.enqueue_indirect_dma source(%dma_start3A_127 : memref<1000000x64xf32, #tpu.memory_space<hbm>>) target(%dma_start3A_121 : memref<72x64xf32, #tpu.memory_space<vmem>>) offsets(%dma_start3A_124 : memref<72xi32, #tpu.memory_space<vmem>>) semaphore(%arg17 : memref<!tpu.dma_semaphore, #tpu.memory_space<semaphore_mem>>)
    %scan3A = arith.constant 0 : i32
    %scan3A_128 = arith.constant 16 : i32
    %scan3A_129 = arith.addi %scan3A, %scan3A_128 : i32
    %scan3A_130 = arith.constant 1 : i32
    scf.for %scan3A_267 = %scan3A to %scan3A_129 step %scan3A_130  : i32 {
      %mul3A_268 = arith.constant 4 : i32
      %mul3A_269 = arith.muli %scan3A_267, %mul3A_268 : i32
      %add3A_270 = arith.constant 0 : i32
      %add3A_271 = arith.addi %add3A_270, %mul3A_269 : i32
      %add3A_272 = arith.constant 0 : i32
      %add3A_273 = arith.addi %add3A_271, %add3A_272 : i32
      %mul3A_274 = arith.constant 2 : i32
      %mul3A_275 = arith.muli %add3A_273, %mul3A_274 : i32
      %add3A_276 = arith.addi %mul3A_2, %mul3A_275 : i32
      %dma_wait3A_277 = arith.constant 0 : i32
      %dma_wait3A_278 = arith.constant 0 : i32
      %dma_wait3A_279 = arith.constant 0 : i32
      %dma_wait3A_280 = tpu.memref_slice %arg10[%dma_wait3A_278, %dma_wait3A_279] : memref<400x64xf32, #tpu.memory_space<vmem>> -> memref<128x64xf32, #tpu.memory_space<vmem>>
      %dma_wait3A_281 = arith.constant 0 : i32
      %dma_wait3A_282 = tpu.memref_slice %arg6[%dma_wait3A_277, %dma_wait3A_281] : memref<2x200xi32, #tpu.memory_space<vmem>> -> memref<1x128xi32, #tpu.memory_space<vmem>>
      %dma_wait3A_283 = tpu.memref_squeeze %dma_wait3A_282 : memref<1x128xi32, #tpu.memory_space<vmem>> -> memref<128xi32, #tpu.memory_space<vmem>>
      %dma_wait3A_284 = arith.constant 0 : i32
      %dma_wait3A_285 = arith.constant 0 : i32
      %dma_wait3A_286 = tpu.memref_slice %arg3[%dma_wait3A_284, %dma_wait3A_285] : memref<1000000x64xf32, #tpu.memory_space<hbm>> -> memref<1000000x64xf32, #tpu.memory_space<hbm>>
      tpu.wait_indirect_dma semaphore(%arg15 : memref<!tpu.dma_semaphore, #tpu.memory_space<semaphore_mem>>) src(%dma_wait3A_286 : memref<1000000x64xf32, #tpu.memory_space<hbm>>) dst(%dma_wait3A_280 : memref<128x64xf32, #tpu.memory_space<vmem>>)
      %dma_wait3A_287 = arith.constant 0 : i32
      %dma_wait3A_288 = arith.constant 128 : i32
      %dma_wait3A_289 = arith.constant 0 : i32
      %dma_wait3A_290 = tpu.memref_slice %arg10[%dma_wait3A_288, %dma_wait3A_289] : memref<400x64xf32, #tpu.memory_space<vmem>> -> memref<72x64xf32, #tpu.memory_space<vmem>>
      %dma_wait3A_291 = arith.constant 128 : i32
      %dma_wait3A_292 = tpu.memref_slice %arg6[%dma_wait3A_287, %dma_wait3A_291] : memref<2x200xi32, #tpu.memory_space<vmem>> -> memref<1x72xi32, #tpu.memory_space<vmem>>
      %dma_wait3A_293 = tpu.memref_squeeze %dma_wait3A_292 : memref<1x72xi32, #tpu.memory_space<vmem>> -> memref<72xi32, #tpu.memory_space<vmem>>
      %dma_wait3A_294 = arith.constant 0 : i32
      %dma_wait3A_295 = arith.constant 0 : i32
      %dma_wait3A_296 = tpu.memref_slice %arg3[%dma_wait3A_294, %dma_wait3A_295] : memref<1000000x64xf32, #tpu.memory_space<hbm>> -> memref<1000000x64xf32, #tpu.memory_space<hbm>>
      tpu.wait_indirect_dma semaphore(%arg15 : memref<!tpu.dma_semaphore, #tpu.memory_space<semaphore_mem>>) src(%dma_wait3A_296 : memref<1000000x64xf32, #tpu.memory_space<hbm>>) dst(%dma_wait3A_290 : memref<72x64xf32, #tpu.memory_space<vmem>>)
      %dma_wait3A_297 = arith.constant 1 : i32
      %dma_wait3A_298 = arith.constant 200 : i32
      %dma_wait3A_299 = arith.constant 0 : i32
      %dma_wait3A_300 = tpu.memref_slice %arg10[%dma_wait3A_298, %dma_wait3A_299] : memref<400x64xf32, #tpu.memory_space<vmem>> -> memref<128x64xf32, #tpu.memory_space<vmem>>
      %dma_wait3A_301 = arith.constant 0 : i32
      %dma_wait3A_302 = tpu.memref_slice %arg6[%dma_wait3A_297, %dma_wait3A_301] : memref<2x200xi32, #tpu.memory_space<vmem>> -> memref<1x128xi32, #tpu.memory_space<vmem>>
      %dma_wait3A_303 = tpu.memref_squeeze %dma_wait3A_302 : memref<1x128xi32, #tpu.memory_space<vmem>> -> memref<128xi32, #tpu.memory_space<vmem>>
      %dma_wait3A_304 = arith.constant 0 : i32
      %dma_wait3A_305 = arith.constant 0 : i32
      %dma_wait3A_306 = tpu.memref_slice %arg3[%dma_wait3A_304, %dma_wait3A_305] : memref<1000000x64xf32, #tpu.memory_space<hbm>> -> memref<1000000x64xf32, #tpu.memory_space<hbm>>
      tpu.wait_indirect_dma semaphore(%arg15 : memref<!tpu.dma_semaphore, #tpu.memory_space<semaphore_mem>>) src(%dma_wait3A_306 : memref<1000000x64xf32, #tpu.memory_space<hbm>>) dst(%dma_wait3A_300 : memref<128x64xf32, #tpu.memory_space<vmem>>)
      %dma_wait3A_307 = arith.constant 1 : i32
      %dma_wait3A_308 = arith.constant 328 : i32
      %dma_wait3A_309 = arith.constant 0 : i32
      %dma_wait3A_310 = tpu.memref_slice %arg10[%dma_wait3A_308, %dma_wait3A_309] : memref<400x64xf32, #tpu.memory_space<vmem>> -> memref<72x64xf32, #tpu.memory_space<vmem>>
      %dma_wait3A_311 = arith.constant 128 : i32
      %dma_wait3A_312 = tpu.memref_slice %arg6[%dma_wait3A_307, %dma_wait3A_311] : memref<2x200xi32, #tpu.memory_space<vmem>> -> memref<1x72xi32, #tpu.memory_space<vmem>>
      %dma_wait3A_313 = tpu.memref_squeeze %dma_wait3A_312 : memref<1x72xi32, #tpu.memory_space<vmem>> -> memref<72xi32, #tpu.memory_space<vmem>>
      %dma_wait3A_314 = arith.constant 0 : i32
      %dma_wait3A_315 = arith.constant 0 : i32
      %dma_wait3A_316 = tpu.memref_slice %arg3[%dma_wait3A_314, %dma_wait3A_315] : memref<1000000x64xf32, #tpu.memory_space<hbm>> -> memref<1000000x64xf32, #tpu.memory_space<hbm>>
      tpu.wait_indirect_dma semaphore(%arg15 : memref<!tpu.dma_semaphore, #tpu.memory_space<semaphore_mem>>) src(%dma_wait3A_316 : memref<1000000x64xf32, #tpu.memory_space<hbm>>) dst(%dma_wait3A_310 : memref<72x64xf32, #tpu.memory_space<vmem>>)
      %scan3A_317 = arith.constant 0 : i32
      %scan3A_318 = arith.constant 200 : i32
      %scan3A_319 = arith.addi %scan3A_317, %scan3A_318 : i32
      %scan3A_320 = arith.constant 1 : i32
      scf.for %scan3A_633 = %scan3A_317 to %scan3A_319 step %scan3A_320  : i32 {
        %mul3A_634 = arith.constant 1 : i32
        %mul3A_635 = arith.muli %scan3A_633, %mul3A_634 : i32
        %add3A_636 = arith.constant 0 : i32
        %add3A_637 = arith.addi %add3A_636, %mul3A_635 : i32
        %get3A = arith.index_cast %add3A_637 : i32 to index
        %get3A_638 = arith.constant 0 : index
        %get3A_639 = tpu.vector_load %arg14[%get3A, %get3A_638] {strides = array<i32>} : memref<200x64xf32, #tpu.memory_space<vmem>>, vector<1x16xf32>,
        %get3A_640 = vector.shape_cast %get3A_639 : vector<1x16xf32> to vector<16xf32>
        %get3A_641 = arith.index_cast %add3A_637 : i32 to index
        %get3A_642 = arith.constant 16 : index
        %get3A_643 = tpu.vector_load %arg14[%get3A_641, %get3A_642] {strides = array<i32>} : memref<200x64xf32, #tpu.memory_space<vmem>>, vector<1x16xf32>,
        %get3A_644 = vector.shape_cast %get3A_643 : vector<1x16xf32> to vector<16xf32>
        %get3A_645 = arith.index_cast %add3A_637 : i32 to index
        %get3A_646 = arith.constant 32 : index
        %get3A_647 = tpu.vector_load %arg14[%get3A_645, %get3A_646] {strides = array<i32>} : memref<200x64xf32, #tpu.memory_space<vmem>>, vector<1x16xf32>,
        %get3A_648 = vector.shape_cast %get3A_647 : vector<1x16xf32> to vector<16xf32>
        %get3A_649 = arith.index_cast %add3A_637 : i32 to index
        %get3A_650 = arith.constant 48 : index
        %get3A_651 = tpu.vector_load %arg14[%get3A_649, %get3A_650] {strides = array<i32>} : memref<200x64xf32, #tpu.memory_space<vmem>>, vector<1x16xf32>,
        %get3A_652 = vector.shape_cast %get3A_651 : vector<1x16xf32> to vector<16xf32>
        %add3A_653 = arith.constant 0 : i32
        %add3A_654 = arith.addi %add3A_653, %add3A_637 : i32
        %get3A_655 = arith.index_cast %add3A_654 : i32 to index
        %get3A_656 = arith.constant 0 : index
        %get3A_657 = tpu.vector_load %arg10[%get3A_655, %get3A_656] {strides = array<i32>} : memref<400x64xf32, #tpu.memory_space<vmem>>, vector<1x16xf32>,
        %get3A_658 = vector.shape_cast %get3A_657 : vector<1x16xf32> to vector<16xf32>
        %add3A_659 = arith.addf %get3A_658, %get3A_640 : vector<16xf32>
        %swap3A = arith.index_cast %add3A_654 : i32 to index
        %swap3A_660 = arith.constant 0 : index
        %swap3A_661 = tpu.vector_load %arg10[%swap3A, %swap3A_660] {strides = array<i32>} : memref<400x64xf32, #tpu.memory_space<vmem>>, vector<1x16xf32>,
        %swap3A_662 = vector.shape_cast %swap3A_661 : vector<1x16xf32> to vector<16xf32>
        %swap3A_663 = vector.shape_cast %add3A_659 : vector<16xf32> to vector<1x16xf32>
        tpu.vector_store %arg10[%swap3A, %swap3A_660], %swap3A_663 {strides = array<i32>} : memref<400x64xf32, #tpu.memory_space<vmem>>, vector<1x16xf32>,
        %get3A_664 = arith.index_cast %add3A_654 : i32 to index
        %get3A_665 = arith.constant 16 : index
        %get3A_666 = tpu.vector_load %arg10[%get3A_664, %get3A_665] {strides = array<i32>} : memref<400x64xf32, #tpu.memory_space<vmem>>, vector<1x16xf32>,
        %get3A_667 = vector.shape_cast %get3A_666 : vector<1x16xf32> to vector<16xf32>
        %add3A_668 = arith.addf %get3A_667, %get3A_644 : vector<16xf32>
        %swap3A_669 = arith.index_cast %add3A_654 : i32 to index
        %swap3A_670 = arith.constant 16 : index
        %swap3A_671 = tpu.vector_load %arg10[%swap3A_669, %swap3A_670] {strides = array<i32>} : memref<400x64xf32, #tpu.memory_space<vmem>>, vector<1x16xf32>,
        %swap3A_672 = vector.shape_cast %swap3A_671 : vector<1x16xf32> to vector<16xf32>
        %swap3A_673 = vector.shape_cast %add3A_668 : vector<16xf32> to vector<1x16xf32>
        tpu.vector_store %arg10[%swap3A_669, %swap3A_670], %swap3A_673 {strides = array<i32>} : memref<400x64xf32, #tpu.memory_space<vmem>>, vector<1x16xf32>,
        %get3A_674 = arith.index_cast %add3A_654 : i32 to index
        %get3A_675 = arith.constant 32 : index
        %get3A_676 = tpu.vector_load %arg10[%get3A_674, %get3A_675] {strides = array<i32>} : memref<400x64xf32, #tpu.memory_space<vmem>>, vector<1x16xf32>,
        %get3A_677 = vector.shape_cast %get3A_676 : vector<1x16xf32> to vector<16xf32>
        %add3A_678 = arith.addf %get3A_677, %get3A_648 : vector<16xf32>
        %swap3A_679 = arith.index_cast %add3A_654 : i32 to index
        %swap3A_680 = arith.constant 32 : index
        %swap3A_681 = tpu.vector_load %arg10[%swap3A_679, %swap3A_680] {strides = array<i32>} : memref<400x64xf32, #tpu.memory_space<vmem>>, vector<1x16xf32>,
        %swap3A_682 = vector.shape_cast %swap3A_681 : vector<1x16xf32> to vector<16xf32>
        %swap3A_683 = vector.shape_cast %add3A_678 : vector<16xf32> to vector<1x16xf32>
        tpu.vector_store %arg10[%swap3A_679, %swap3A_680], %swap3A_683 {strides = array<i32>} : memref<400x64xf32, #tpu.memory_space<vmem>>, vector<1x16xf32>,
        %get3A_684 = arith.index_cast %add3A_654 : i32 to index
        %get3A_685 = arith.constant 48 : index
        %get3A_686 = tpu.vector_load %arg10[%get3A_684, %get3A_685] {strides = array<i32>} : memref<400x64xf32, #tpu.memory_space<vmem>>, vector<1x16xf32>,
        %get3A_687 = vector.shape_cast %get3A_686 : vector<1x16xf32> to vector<16xf32>
        %add3A_688 = arith.addf %get3A_687, %get3A_652 : vector<16xf32>
        %swap3A_689 = arith.index_cast %add3A_654 : i32 to index
        %swap3A_690 = arith.constant 48 : index
        %swap3A_691 = tpu.vector_load %arg10[%swap3A_689, %swap3A_690] {strides = array<i32>} : memref<400x64xf32, #tpu.memory_space<vmem>>, vector<1x16xf32>,
        %swap3A_692 = vector.shape_cast %swap3A_691 : vector<1x16xf32> to vector<16xf32>
        %swap3A_693 = vector.shape_cast %add3A_688 : vector<16xf32> to vector<1x16xf32>
        tpu.vector_store %arg10[%swap3A_689, %swap3A_690], %swap3A_693 {strides = array<i32>} : memref<400x64xf32, #tpu.memory_space<vmem>>, vector<1x16xf32>,
        %add3A_694 = arith.constant 200 : i32
        %add3A_695 = arith.addi %add3A_694, %add3A_637 : i32
        %get3A_696 = arith.index_cast %add3A_695 : i32 to index
        %get3A_697 = arith.constant 0 : index
        %get3A_698 = tpu.vector_load %arg10[%get3A_696, %get3A_697] {strides = array<i32>} : memref<400x64xf32, #tpu.memory_space<vmem>>, vector<1x16xf32>,
        %get3A_699 = vector.shape_cast %get3A_698 : vector<1x16xf32> to vector<16xf32>
        %add3A_700 = arith.addf %get3A_699, %get3A_640 : vector<16xf32>
        %swap3A_701 = arith.index_cast %add3A_695 : i32 to index
        %swap3A_702 = arith.constant 0 : index
        %swap3A_703 = tpu.vector_load %arg10[%swap3A_701, %swap3A_702] {strides = array<i32>} : memref<400x64xf32, #tpu.memory_space<vmem>>, vector<1x16xf32>,
        %swap3A_704 = vector.shape_cast %swap3A_703 : vector<1x16xf32> to vector<16xf32>
        %swap3A_705 = vector.shape_cast %add3A_700 : vector<16xf32> to vector<1x16xf32>
        tpu.vector_store %arg10[%swap3A_701, %swap3A_702], %swap3A_705 {strides = array<i32>} : memref<400x64xf32, #tpu.memory_space<vmem>>, vector<1x16xf32>,
        %get3A_706 = arith.index_cast %add3A_695 : i32 to index
        %get3A_707 = arith.constant 16 : index
        %get3A_708 = tpu.vector_load %arg10[%get3A_706, %get3A_707] {strides = array<i32>} : memref<400x64xf32, #tpu.memory_space<vmem>>, vector<1x16xf32>,
        %get3A_709 = vector.shape_cast %get3A_708 : vector<1x16xf32> to vector<16xf32>
        %add3A_710 = arith.addf %get3A_709, %get3A_644 : vector<16xf32>
        %swap3A_711 = arith.index_cast %add3A_695 : i32 to index
        %swap3A_712 = arith.constant 16 : index
        %swap3A_713 = tpu.vector_load %arg10[%swap3A_711, %swap3A_712] {strides = array<i32>} : memref<400x64xf32, #tpu.memory_space<vmem>>, vector<1x16xf32>,
        %swap3A_714 = vector.shape_cast %swap3A_713 : vector<1x16xf32> to vector<16xf32>
        %swap3A_715 = vector.shape_cast %add3A_710 : vector<16xf32> to vector<1x16xf32>
        tpu.vector_store %arg10[%swap3A_711, %swap3A_712], %swap3A_715 {strides = array<i32>} : memref<400x64xf32, #tpu.memory_space<vmem>>, vector<1x16xf32>,
        %get3A_716 = arith.index_cast %add3A_695 : i32 to index
        %get3A_717 = arith.constant 32 : index
        %get3A_718 = tpu.vector_load %arg10[%get3A_716, %get3A_717] {strides = array<i32>} : memref<400x64xf32, #tpu.memory_space<vmem>>, vector<1x16xf32>,
        %get3A_719 = vector.shape_cast %get3A_718 : vector<1x16xf32> to vector<16xf32>
        %add3A_720 = arith.addf %get3A_719, %get3A_648 : vector<16xf32>
        %swap3A_721 = arith.index_cast %add3A_695 : i32 to index
        %swap3A_722 = arith.constant 32 : index
        %swap3A_723 = tpu.vector_load %arg10[%swap3A_721, %swap3A_722] {strides = array<i32>} : memref<400x64xf32, #tpu.memory_space<vmem>>, vector<1x16xf32>,
        %swap3A_724 = vector.shape_cast %swap3A_723 : vector<1x16xf32> to vector<16xf32>
        %swap3A_725 = vector.shape_cast %add3A_720 : vector<16xf32> to vector<1x16xf32>
        tpu.vector_store %arg10[%swap3A_721, %swap3A_722], %swap3A_725 {strides = array<i32>} : memref<400x64xf32, #tpu.memory_space<vmem>>, vector<1x16xf32>,
        %get3A_726 = arith.index_cast %add3A_695 : i32 to index
        %get3A_727 = arith.constant 48 : index
        %get3A_728 = tpu.vector_load %arg10[%get3A_726, %get3A_727] {strides = array<i32>} : memref<400x64xf32, #tpu.memory_space<vmem>>, vector<1x16xf32>,
        %get3A_729 = vector.shape_cast %get3A_728 : vector<1x16xf32> to vector<16xf32>
        %add3A_730 = arith.addf %get3A_729, %get3A_652 : vector<16xf32>
        %swap3A_731 = arith.index_cast %add3A_695 : i32 to index
        %swap3A_732 = arith.constant 48 : index
        %swap3A_733 = tpu.vector_load %arg10[%swap3A_731, %swap3A_732] {strides = array<i32>} : memref<400x64xf32, #tpu.memory_space<vmem>>, vector<1x16xf32>,
        %swap3A_734 = vector.shape_cast %swap3A_733 : vector<1x16xf32> to vector<16xf32>
        %swap3A_735 = vector.shape_cast %add3A_730 : vector<16xf32> to vector<1x16xf32>
        tpu.vector_store %arg10[%swap3A_731, %swap3A_732], %swap3A_735 {strides = array<i32>} : memref<400x64xf32, #tpu.memory_space<vmem>>, vector<1x16xf32>,
      }
      %scan3A_321 = arith.constant 200 : i32
      %add3A_322 = arith.constant 0 : i32
      %add3A_323 = arith.addi %add3A_276, %add3A_322 : i32
      %dma_start3A_324 = arith.constant 0 : i32
      %dma_start3A_325 = arith.constant 0 : i32
      %dma_start3A_326 = tpu.memref_slice %arg10[%dma_start3A_324, %dma_start3A_325] : memref<400x64xf32, #tpu.memory_space<vmem>> -> memref<200x64xf32, #tpu.memory_space<vmem>>
      %dma_start3A_327 = arith.constant 0 : i32
      %dma_start3A_328 = arith.constant 0 : i32
      %dma_start3A_329 = tpu.memref_slice %arg5[%add3A_323, %dma_start3A_327, %dma_start3A_328] : memref<4096x200x64xf32, #tpu.memory_space<hbm>> -> memref<1x200x64xf32, #tpu.memory_space<hbm>>
      %dma_start3A_330 = tpu.memref_squeeze %dma_start3A_329 : memref<1x200x64xf32, #tpu.memory_space<hbm>> -> memref<200x64xf32, #tpu.memory_space<hbm>>
      %dma_start3A_331 = arith.constant 0 : i32
      %dma_start3A_332 = arith.constant 0 : i32
      %dma_start3A_333 = tpu.memref_slice %arg5[%add3A_323, %dma_start3A_331, %dma_start3A_332] : memref<4096x200x64xf32, #tpu.memory_space<hbm>> -> memref<1x200x64xf32, #tpu.memory_space<hbm>>
      %dma_start3A_334 = tpu.memref_squeeze %dma_start3A_333 : memref<1x200x64xf32, #tpu.memory_space<hbm>> -> memref<200x64xf32, #tpu.memory_space<hbm>>
      %dma_start3A_335 = arith.constant 0 : i32
      %dma_start3A_336 = arith.constant 0 : i32
      %dma_start3A_337 = tpu.memref_slice %arg10[%dma_start3A_335, %dma_start3A_336] : memref<400x64xf32, #tpu.memory_space<vmem>> -> memref<200x64xf32, #tpu.memory_space<vmem>>
      tpu.enqueue_dma source(%dma_start3A_337 : memref<200x64xf32, #tpu.memory_space<vmem>>) target(%dma_start3A_334 : memref<200x64xf32, #tpu.memory_space<hbm>>) target_semaphore(%arg19 : memref<!tpu.dma_semaphore, #tpu.memory_space<semaphore_mem>>)
      %add3A_338 = arith.constant 1 : i32
      %add3A_339 = arith.addi %add3A_276, %add3A_338 : i32
      %dma_start3A_340 = arith.constant 200 : i32
      %dma_start3A_341 = arith.constant 0 : i32
      %dma_start3A_342 = tpu.memref_slice %arg10[%dma_start3A_340, %dma_start3A_341] : memref<400x64xf32, #tpu.memory_space<vmem>> -> memref<200x64xf32, #tpu.memory_space<vmem>>
      %dma_start3A_343 = arith.constant 0 : i32
      %dma_start3A_344 = arith.constant 0 : i32
      %dma_start3A_345 = tpu.memref_slice %arg5[%add3A_339, %dma_start3A_343, %dma_start3A_344] : memref<4096x200x64xf32, #tpu.memory_space<hbm>> -> memref<1x200x64xf32, #tpu.memory_space<hbm>>
      %dma_start3A_346 = tpu.memref_squeeze %dma_start3A_345 : memref<1x200x64xf32, #tpu.memory_space<hbm>> -> memref<200x64xf32, #tpu.memory_space<hbm>>
      %dma_start3A_347 = arith.constant 0 : i32
      %dma_start3A_348 = arith.constant 0 : i32
      %dma_start3A_349 = tpu.memref_slice %arg5[%add3A_339, %dma_start3A_347, %dma_start3A_348] : memref<4096x200x64xf32, #tpu.memory_space<hbm>> -> memref<1x200x64xf32, #tpu.memory_space<hbm>>
      %dma_start3A_350 = tpu.memref_squeeze %dma_start3A_349 : memref<1x200x64xf32, #tpu.memory_space<hbm>> -> memref<200x64xf32, #tpu.memory_space<hbm>>
      %dma_start3A_351 = arith.constant 200 : i32
      %dma_start3A_352 = arith.constant 0 : i32
      %dma_start3A_353 = tpu.memref_slice %arg10[%dma_start3A_351, %dma_start3A_352] : memref<400x64xf32, #tpu.memory_space<vmem>> -> memref<200x64xf32, #tpu.memory_space<vmem>>
      tpu.enqueue_dma source(%dma_start3A_353 : memref<200x64xf32, #tpu.memory_space<vmem>>) target(%dma_start3A_350 : memref<200x64xf32, #tpu.memory_space<hbm>>) target_semaphore(%arg19 : memref<!tpu.dma_semaphore, #tpu.memory_space<semaphore_mem>>)
      %add3A_354 = arith.constant 0 : i32
      %add3A_355 = arith.addi %add3A_271, %add3A_354 : i32
      %add3A_356 = arith.constant 3 : i32
      %add3A_357 = arith.addi %add3A_355, %add3A_356 : i32
      %lt3A = arith.constant 64 : i32
      %lt3A_358 = arith.cmpi slt, %add3A_357, %lt3A : i32
      %convert_element_type3A = arith.extui %lt3A_358 : i1 to i32
      %cond3A = arith.constant 0 : i32
      %cond3A_359 = arith.cmpi ne, %convert_element_type3A, %cond3A : i32
      scf.if %cond3A_359 {
        %add3A_633 = arith.constant 0 : i32
        %add3A_634 = arith.addi %add3A_271, %add3A_633 : i32
        %add3A_635 = arith.constant 3 : i32
        %add3A_636 = arith.addi %add3A_634, %add3A_635 : i32
        %ge3A = arith.constant 4 : i32
        %ge3A_637 = arith.cmpi sge, %add3A_636, %ge3A : i32
        %convert_element_type3A_638 = arith.extui %ge3A_637 : i1 to i32
        %cond3A_639 = arith.constant 0 : i32
        %cond3A_640 = arith.cmpi ne, %convert_element_type3A_638, %cond3A_639 : i32
        scf.if %cond3A_640 {
          %add3A_688 = arith.constant 0 : i32
          %add3A_689 = arith.addi %add3A_271, %add3A_688 : i32
          %add3A_690 = arith.constant 3 : i32
          %add3A_691 = arith.addi %add3A_689, %add3A_690 : i32
          %sub3A = arith.constant 4 : i32
          %sub3A_692 = arith.subi %add3A_691, %sub3A : i32
          %mul3A_693 = arith.constant 2 : i32
          %mul3A_694 = arith.muli %sub3A_692, %mul3A_693 : i32
          %add3A_695 = arith.addi %mul3A_2, %mul3A_694 : i32
          %add3A_696 = arith.constant 0 : i32
          %add3A_697 = arith.addi %add3A_695, %add3A_696 : i32
          %dma_wait3A_698 = arith.constant 0 : i32
          %dma_wait3A_699 = arith.constant 0 : i32
          %dma_wait3A_700 = tpu.memref_slice %arg13[%dma_wait3A_698, %dma_wait3A_699] : memref<400x64xf32, #tpu.memory_space<vmem>> -> memref<200x64xf32, #tpu.memory_space<vmem>>
          %dma_wait3A_701 = arith.constant 0 : i32
          %dma_wait3A_702 = arith.constant 0 : i32
          %dma_wait3A_703 = tpu.memref_slice %arg5[%add3A_697, %dma_wait3A_701, %dma_wait3A_702] : memref<4096x200x64xf32, #tpu.memory_space<hbm>> -> memref<1x200x64xf32, #tpu.memory_space<hbm>>
          %dma_wait3A_704 = tpu.memref_squeeze %dma_wait3A_703 : memref<1x200x64xf32, #tpu.memory_space<hbm>> -> memref<200x64xf32, #tpu.memory_space<hbm>>
          %dma_wait3A_705 = arith.constant 0 : i32
          %dma_wait3A_706 = arith.constant 0 : i32
          %dma_wait3A_707 = tpu.memref_slice %arg5[%add3A_697, %dma_wait3A_705, %dma_wait3A_706] : memref<4096x200x64xf32, #tpu.memory_space<hbm>> -> memref<1x200x64xf32, #tpu.memory_space<hbm>>
          %dma_wait3A_708 = tpu.memref_squeeze %dma_wait3A_707 : memref<1x200x64xf32, #tpu.memory_space<hbm>> -> memref<200x64xf32, #tpu.memory_space<hbm>>
          %dma_wait3A_709 = arith.constant 0 : i32
          %dma_wait3A_710 = arith.constant 0 : i32
          %dma_wait3A_711 = tpu.memref_slice %arg13[%dma_wait3A_709, %dma_wait3A_710] : memref<400x64xf32, #tpu.memory_space<vmem>> -> memref<200x64xf32, #tpu.memory_space<vmem>>
          tpu.wait_dma2 semaphore(%arg22 : memref<!tpu.dma_semaphore, #tpu.memory_space<semaphore_mem>>) src(%dma_wait3A_711 : memref<200x64xf32, #tpu.memory_space<vmem>>) dst(%dma_wait3A_708 : memref<200x64xf32, #tpu.memory_space<hbm>>)
          %add3A_712 = arith.constant 1 : i32
          %add3A_713 = arith.addi %add3A_695, %add3A_712 : i32
          %dma_wait3A_714 = arith.constant 200 : i32
          %dma_wait3A_715 = arith.constant 0 : i32
          %dma_wait3A_716 = tpu.memref_slice %arg13[%dma_wait3A_714, %dma_wait3A_715] : memref<400x64xf32, #tpu.memory_space<vmem>> -> memref<200x64xf32, #tpu.memory_space<vmem>>
          %dma_wait3A_717 = arith.constant 0 : i32
          %dma_wait3A_718 = arith.constant 0 : i32
          %dma_wait3A_719 = tpu.memref_slice %arg5[%add3A_713, %dma_wait3A_717, %dma_wait3A_718] : memref<4096x200x64xf32, #tpu.memory_space<hbm>> -> memref<1x200x64xf32, #tpu.memory_space<hbm>>
          %dma_wait3A_720 = tpu.memref_squeeze %dma_wait3A_719 : memref<1x200x64xf32, #tpu.memory_space<hbm>> -> memref<200x64xf32, #tpu.memory_space<hbm>>
          %dma_wait3A_721 = arith.constant 0 : i32
          %dma_wait3A_722 = arith.constant 0 : i32
          %dma_wait3A_723 = tpu.memref_slice %arg5[%add3A_713, %dma_wait3A_721, %dma_wait3A_722] : memref<4096x200x64xf32, #tpu.memory_space<hbm>> -> memref<1x200x64xf32, #tpu.memory_space<hbm>>
          %dma_wait3A_724 = tpu.memref_squeeze %dma_wait3A_723 : memref<1x200x64xf32, #tpu.memory_space<hbm>> -> memref<200x64xf32, #tpu.memory_space<hbm>>
          %dma_wait3A_725 = arith.constant 200 : i32
          %dma_wait3A_726 = arith.constant 0 : i32
          %dma_wait3A_727 = tpu.memref_slice %arg13[%dma_wait3A_725, %dma_wait3A_726] : memref<400x64xf32, #tpu.memory_space<vmem>> -> memref<200x64xf32, #tpu.memory_space<vmem>>
          tpu.wait_dma2 semaphore(%arg22 : memref<!tpu.dma_semaphore, #tpu.memory_space<semaphore_mem>>) src(%dma_wait3A_727 : memref<200x64xf32, #tpu.memory_space<vmem>>) dst(%dma_wait3A_724 : memref<200x64xf32, #tpu.memory_space<hbm>>)
        } else {
        }
        %add3A_641 = arith.constant 0 : i32
        %add3A_642 = arith.addi %add3A_271, %add3A_641 : i32
        %add3A_643 = arith.constant 3 : i32
        %add3A_644 = arith.addi %add3A_642, %add3A_643 : i32
        %mul3A_645 = arith.constant 2 : i32
        %mul3A_646 = arith.muli %add3A_644, %mul3A_645 : i32
        %add3A_647 = arith.addi %mul3A_2, %mul3A_646 : i32
        "tpu.region"() ({
          %run_scoped3A = tpu.sem_alloc : memref<!tpu.dma_semaphore, #tpu.memory_space<semaphore_mem>>
          %dma_start3A_688 = arith.constant 0 : i32
          %dma_start3A_689 = tpu.memref_slice %arg2[%add3A_647, %dma_start3A_688] : memref<4096x200xi32, #tpu.memory_space<hbm>> -> memref<2x200xi32, #tpu.memory_space<hbm>>
          %dma_start3A_690 = arith.constant 0 : i32
          %dma_start3A_691 = tpu.memref_slice %arg2[%add3A_647, %dma_start3A_690] : memref<4096x200xi32, #tpu.memory_space<hbm>> -> memref<2x200xi32, #tpu.memory_space<hbm>>
          tpu.enqueue_dma source(%dma_start3A_691 : memref<2x200xi32, #tpu.memory_space<hbm>>) target(%arg9 : memref<2x200xi32, #tpu.memory_space<vmem>>) target_semaphore(%run_scoped3A : memref<!tpu.dma_semaphore, #tpu.memory_space<semaphore_mem>>)
          %dma_wait3A_692 = arith.constant 0 : i32
          %dma_wait3A_693 = tpu.memref_slice %arg2[%add3A_647, %dma_wait3A_692] : memref<4096x200xi32, #tpu.memory_space<hbm>> -> memref<2x200xi32, #tpu.memory_space<hbm>>
          %dma_wait3A_694 = arith.constant 0 : i32
          %dma_wait3A_695 = tpu.memref_slice %arg2[%add3A_647, %dma_wait3A_694] : memref<4096x200xi32, #tpu.memory_space<hbm>> -> memref<2x200xi32, #tpu.memory_space<hbm>>
          tpu.wait_dma2 semaphore(%run_scoped3A : memref<!tpu.dma_semaphore, #tpu.memory_space<semaphore_mem>>) src(%dma_wait3A_695 : memref<2x200xi32, #tpu.memory_space<hbm>>) dst(%arg9 : memref<2x200xi32, #tpu.memory_space<vmem>>)
          tpu.yield
        }) : () -> ()
        %dma_start3A_648 = arith.constant 0 : i32
        %dma_start3A_649 = arith.constant 0 : i32
        %dma_start3A_650 = arith.constant 0 : i32
        %dma_start3A_651 = tpu.memref_slice %arg13[%dma_start3A_649, %dma_start3A_650] : memref<400x64xf32, #tpu.memory_space<vmem>> -> memref<128x64xf32, #tpu.memory_space<vmem>>
        %dma_start3A_652 = arith.constant 0 : i32
        %dma_start3A_653 = tpu.memref_slice %arg9[%dma_start3A_648, %dma_start3A_652] : memref<2x200xi32, #tpu.memory_space<vmem>> -> memref<1x128xi32, #tpu.memory_space<vmem>>
        %dma_start3A_654 = tpu.memref_squeeze %dma_start3A_653 : memref<1x128xi32, #tpu.memory_space<vmem>> -> memref<128xi32, #tpu.memory_space<vmem>>
        %dma_start3A_655 = arith.constant 0 : i32
        %dma_start3A_656 = arith.constant 0 : i32
        %dma_start3A_657 = tpu.memref_slice %arg3[%dma_start3A_655, %dma_start3A_656] : memref<1000000x64xf32, #tpu.memory_space<hbm>> -> memref<1000000x64xf32, #tpu.memory_space<hbm>>
        tpu.enqueue_indirect_dma source(%dma_start3A_657 : memref<1000000x64xf32, #tpu.memory_space<hbm>>) target(%dma_start3A_651 : memref<128x64xf32, #tpu.memory_space<vmem>>) offsets(%dma_start3A_654 : memref<128xi32, #tpu.memory_space<vmem>>) semaphore(%arg18 : memref<!tpu.dma_semaphore, #tpu.memory_space<semaphore_mem>>)
        %dma_start3A_658 = arith.constant 0 : i32
        %dma_start3A_659 = arith.constant 128 : i32
        %dma_start3A_660 = arith.constant 0 : i32
        %dma_start3A_661 = tpu.memref_slice %arg13[%dma_start3A_659, %dma_start3A_660] : memref<400x64xf32, #tpu.memory_space<vmem>> -> memref<72x64xf32, #tpu.memory_space<vmem>>
        %dma_start3A_662 = arith.constant 128 : i32
        %dma_start3A_663 = tpu.memref_slice %arg9[%dma_start3A_658, %dma_start3A_662] : memref<2x200xi32, #tpu.memory_space<vmem>> -> memref<1x72xi32, #tpu.memory_space<vmem>>
        %dma_start3A_664 = tpu.memref_squeeze %dma_start3A_663 : memref<1x72xi32, #tpu.memory_space<vmem>> -> memref<72xi32, #tpu.memory_space<vmem>>
        %dma_start3A_665 = arith.constant 0 : i32
        %dma_start3A_666 = arith.constant 0 : i32
        %dma_start3A_667 = tpu.memref_slice %arg3[%dma_start3A_665, %dma_start3A_666] : memref<1000000x64xf32, #tpu.memory_space<hbm>> -> memref<1000000x64xf32, #tpu.memory_space<hbm>>
        tpu.enqueue_indirect_dma source(%dma_start3A_667 : memref<1000000x64xf32, #tpu.memory_space<hbm>>) target(%dma_start3A_661 : memref<72x64xf32, #tpu.memory_space<vmem>>) offsets(%dma_start3A_664 : memref<72xi32, #tpu.memory_space<vmem>>) semaphore(%arg18 : memref<!tpu.dma_semaphore, #tpu.memory_space<semaphore_mem>>)
        %dma_start3A_668 = arith.constant 1 : i32
        %dma_start3A_669 = arith.constant 200 : i32
        %dma_start3A_670 = arith.constant 0 : i32
        %dma_start3A_671 = tpu.memref_slice %arg13[%dma_start3A_669, %dma_start3A_670] : memref<400x64xf32, #tpu.memory_space<vmem>> -> memref<128x64xf32, #tpu.memory_space<vmem>>
        %dma_start3A_672 = arith.constant 0 : i32
        %dma_start3A_673 = tpu.memref_slice %arg9[%dma_start3A_668, %dma_start3A_672] : memref<2x200xi32, #tpu.memory_space<vmem>> -> memref<1x128xi32, #tpu.memory_space<vmem>>
        %dma_start3A_674 = tpu.memref_squeeze %dma_start3A_673 : memref<1x128xi32, #tpu.memory_space<vmem>> -> memref<128xi32, #tpu.memory_space<vmem>>
        %dma_start3A_675 = arith.constant 0 : i32
        %dma_start3A_676 = arith.constant 0 : i32
        %dma_start3A_677 = tpu.memref_slice %arg3[%dma_start3A_675, %dma_start3A_676] : memref<1000000x64xf32, #tpu.memory_space<hbm>> -> memref<1000000x64xf32, #tpu.memory_space<hbm>>
        tpu.enqueue_indirect_dma source(%dma_start3A_677 : memref<1000000x64xf32, #tpu.memory_space<hbm>>) target(%dma_start3A_671 : memref<128x64xf32, #tpu.memory_space<vmem>>) offsets(%dma_start3A_674 : memref<128xi32, #tpu.memory_space<vmem>>) semaphore(%arg18 : memref<!tpu.dma_semaphore, #tpu.memory_space<semaphore_mem>>)
        %dma_start3A_678 = arith.constant 1 : i32
        %dma_start3A_679 = arith.constant 328 : i32
        %dma_start3A_680 = arith.constant 0 : i32
        %dma_start3A_681 = tpu.memref_slice %arg13[%dma_start3A_679, %dma_start3A_680] : memref<400x64xf32, #tpu.memory_space<vmem>> -> memref<72x64xf32, #tpu.memory_space<vmem>>
        %dma_start3A_682 = arith.constant 128 : i32
        %dma_start3A_683 = tpu.memref_slice %arg9[%dma_start3A_678, %dma_start3A_682] : memref<2x200xi32, #tpu.memory_space<vmem>> -> memref<1x72xi32, #tpu.memory_space<vmem>>
        %dma_start3A_684 = tpu.memref_squeeze %dma_start3A_683 : memref<1x72xi32, #tpu.memory_space<vmem>> -> memref<72xi32, #tpu.memory_space<vmem>>
        %dma_start3A_685 = arith.constant 0 : i32
        %dma_start3A_686 = arith.constant 0 : i32
        %dma_start3A_687 = tpu.memref_slice %arg3[%dma_start3A_685, %dma_start3A_686] : memref<1000000x64xf32, #tpu.memory_space<hbm>> -> memref<1000000x64xf32, #tpu.memory_space<hbm>>
        tpu.enqueue_indirect_dma source(%dma_start3A_687 : memref<1000000x64xf32, #tpu.memory_space<hbm>>) target(%dma_start3A_681 : memref<72x64xf32, #tpu.memory_space<vmem>>) offsets(%dma_start3A_684 : memref<72xi32, #tpu.memory_space<vmem>>) semaphore(%arg18 : memref<!tpu.dma_semaphore, #tpu.memory_space<semaphore_mem>>)
      } else {
      }
      %add3A_360 = arith.constant 1 : i32
      %add3A_361 = arith.addi %add3A_271, %add3A_360 : i32
      %mul3A_362 = arith.constant 2 : i32
      %mul3A_363 = arith.muli %add3A_361, %mul3A_362 : i32
      %add3A_364 = arith.addi %mul3A_2, %mul3A_363 : i32
      %dma_wait3A_365 = arith.constant 0 : i32
      %dma_wait3A_366 = arith.constant 0 : i32
      %dma_wait3A_367 = arith.constant 0 : i32
      %dma_wait3A_368 = tpu.memref_slice %arg11[%dma_wait3A_366, %dma_wait3A_367] : memref<400x64xf32, #tpu.memory_space<vmem>> -> memref<128x64xf32, #tpu.memory_space<vmem>>
      %dma_wait3A_369 = arith.constant 0 : i32
      %dma_wait3A_370 = tpu.memref_slice %arg7[%dma_wait3A_365, %dma_wait3A_369] : memref<2x200xi32, #tpu.memory_space<vmem>> -> memref<1x128xi32, #tpu.memory_space<vmem>>
      %dma_wait3A_371 = tpu.memref_squeeze %dma_wait3A_370 : memref<1x128xi32, #tpu.memory_space<vmem>> -> memref<128xi32, #tpu.memory_space<vmem>>
      %dma_wait3A_372 = arith.constant 0 : i32
      %dma_wait3A_373 = arith.constant 0 : i32
      %dma_wait3A_374 = tpu.memref_slice %arg3[%dma_wait3A_372, %dma_wait3A_373] : memref<1000000x64xf32, #tpu.memory_space<hbm>> -> memref<1000000x64xf32, #tpu.memory_space<hbm>>
      tpu.wait_indirect_dma semaphore(%arg16 : memref<!tpu.dma_semaphore, #tpu.memory_space<semaphore_mem>>) src(%dma_wait3A_374 : memref<1000000x64xf32, #tpu.memory_space<hbm>>) dst(%dma_wait3A_368 : memref<128x64xf32, #tpu.memory_space<vmem>>)
      %dma_wait3A_375 = arith.constant 0 : i32
      %dma_wait3A_376 = arith.constant 128 : i32
      %dma_wait3A_377 = arith.constant 0 : i32
      %dma_wait3A_378 = tpu.memref_slice %arg11[%dma_wait3A_376, %dma_wait3A_377] : memref<400x64xf32, #tpu.memory_space<vmem>> -> memref<72x64xf32, #tpu.memory_space<vmem>>
      %dma_wait3A_379 = arith.constant 128 : i32
      %dma_wait3A_380 = tpu.memref_slice %arg7[%dma_wait3A_375, %dma_wait3A_379] : memref<2x200xi32, #tpu.memory_space<vmem>> -> memref<1x72xi32, #tpu.memory_space<vmem>>
      %dma_wait3A_381 = tpu.memref_squeeze %dma_wait3A_380 : memref<1x72xi32, #tpu.memory_space<vmem>> -> memref<72xi32, #tpu.memory_space<vmem>>
      %dma_wait3A_382 = arith.constant 0 : i32
      %dma_wait3A_383 = arith.constant 0 : i32
      %dma_wait3A_384 = tpu.memref_slice %arg3[%dma_wait3A_382, %dma_wait3A_383] : memref<1000000x64xf32, #tpu.memory_space<hbm>> -> memref<1000000x64xf32, #tpu.memory_space<hbm>>
      tpu.wait_indirect_dma semaphore(%arg16 : memref<!tpu.dma_semaphore, #tpu.memory_space<semaphore_mem>>) src(%dma_wait3A_384 : memref<1000000x64xf32, #tpu.memory_space<hbm>>) dst(%dma_wait3A_378 : memref<72x64xf32, #tpu.memory_space<vmem>>)
      %dma_wait3A_385 = arith.constant 1 : i32
      %dma_wait3A_386 = arith.constant 200 : i32
      %dma_wait3A_387 = arith.constant 0 : i32
      %dma_wait3A_388 = tpu.memref_slice %arg11[%dma_wait3A_386, %dma_wait3A_387] : memref<400x64xf32, #tpu.memory_space<vmem>> -> memref<128x64xf32, #tpu.memory_space<vmem>>
      %dma_wait3A_389 = arith.constant 0 : i32
      %dma_wait3A_390 = tpu.memref_slice %arg7[%dma_wait3A_385, %dma_wait3A_389] : memref<2x200xi32, #tpu.memory_space<vmem>> -> memref<1x128xi32, #tpu.memory_space<vmem>>
      %dma_wait3A_391 = tpu.memref_squeeze %dma_wait3A_390 : memref<1x128xi32, #tpu.memory_space<vmem>> -> memref<128xi32, #tpu.memory_space<vmem>>
      %dma_wait3A_392 = arith.constant 0 : i32
      %dma_wait3A_393 = arith.constant 0 : i32
      %dma_wait3A_394 = tpu.memref_slice %arg3[%dma_wait3A_392, %dma_wait3A_393] : memref<1000000x64xf32, #tpu.memory_space<hbm>> -> memref<1000000x64xf32, #tpu.memory_space<hbm>>
      tpu.wait_indirect_dma semaphore(%arg16 : memref<!tpu.dma_semaphore, #tpu.memory_space<semaphore_mem>>) src(%dma_wait3A_394 : memref<1000000x64xf32, #tpu.memory_space<hbm>>) dst(%dma_wait3A_388 : memref<128x64xf32, #tpu.memory_space<vmem>>)
      %dma_wait3A_395 = arith.constant 1 : i32
      %dma_wait3A_396 = arith.constant 328 : i32
      %dma_wait3A_397 = arith.constant 0 : i32
      %dma_wait3A_398 = tpu.memref_slice %arg11[%dma_wait3A_396, %dma_wait3A_397] : memref<400x64xf32, #tpu.memory_space<vmem>> -> memref<72x64xf32, #tpu.memory_space<vmem>>
      %dma_wait3A_399 = arith.constant 128 : i32
      %dma_wait3A_400 = tpu.memref_slice %arg7[%dma_wait3A_395, %dma_wait3A_399] : memref<2x200xi32, #tpu.memory_space<vmem>> -> memref<1x72xi32, #tpu.memory_space<vmem>>
      %dma_wait3A_401 = tpu.memref_squeeze %dma_wait3A_400 : memref<1x72xi32, #tpu.memory_space<vmem>> -> memref<72xi32, #tpu.memory_space<vmem>>
      %dma_wait3A_402 = arith.constant 0 : i32
      %dma_wait3A_403 = arith.constant 0 : i32
      %dma_wait3A_404 = tpu.memref_slice %arg3[%dma_wait3A_402, %dma_wait3A_403] : memref<1000000x64xf32, #tpu.memory_space<hbm>> -> memref<1000000x64xf32, #tpu.memory_space<hbm>>
      tpu.wait_indirect_dma semaphore(%arg16 : memref<!tpu.dma_semaphore, #tpu.memory_space<semaphore_mem>>) src(%dma_wait3A_404 : memref<1000000x64xf32, #tpu.memory_space<hbm>>) dst(%dma_wait3A_398 : memref<72x64xf32, #tpu.memory_space<vmem>>)
      %scan3A_405 = arith.constant 0 : i32
      %scan3A_406 = arith.constant 200 : i32
      %scan3A_407 = arith.addi %scan3A_405, %scan3A_406 : i32
      %scan3A_408 = arith.constant 1 : i32
      scf.for %scan3A_633 = %scan3A_405 to %scan3A_407 step %scan3A_408  : i32 {
        %mul3A_634 = arith.constant 1 : i32
        %mul3A_635 = arith.muli %scan3A_633, %mul3A_634 : i32
        %add3A_636 = arith.constant 0 : i32
        %add3A_637 = arith.addi %add3A_636, %mul3A_635 : i32
        %get3A = arith.index_cast %add3A_637 : i32 to index
        %get3A_638 = arith.constant 0 : index
        %get3A_639 = tpu.vector_load %arg14[%get3A, %get3A_638] {strides = array<i32>} : memref<200x64xf32, #tpu.memory_space<vmem>>, vector<1x16xf32>,
        %get3A_640 = vector.shape_cast %get3A_639 : vector<1x16xf32> to vector<16xf32>
        %get3A_641 = arith.index_cast %add3A_637 : i32 to index
        %get3A_642 = arith.constant 16 : index
        %get3A_643 = tpu.vector_load %arg14[%get3A_641, %get3A_642] {strides = array<i32>} : memref<200x64xf32, #tpu.memory_space<vmem>>, vector<1x16xf32>,
        %get3A_644 = vector.shape_cast %get3A_643 : vector<1x16xf32> to vector<16xf32>
        %get3A_645 = arith.index_cast %add3A_637 : i32 to index
        %get3A_646 = arith.constant 32 : index
        %get3A_647 = tpu.vector_load %arg14[%get3A_645, %get3A_646] {strides = array<i32>} : memref<200x64xf32, #tpu.memory_space<vmem>>, vector<1x16xf32>,
        %get3A_648 = vector.shape_cast %get3A_647 : vector<1x16xf32> to vector<16xf32>
        %get3A_649 = arith.index_cast %add3A_637 : i32 to index
        %get3A_650 = arith.constant 48 : index
        %get3A_651 = tpu.vector_load %arg14[%get3A_649, %get3A_650] {strides = array<i32>} : memref<200x64xf32, #tpu.memory_space<vmem>>, vector<1x16xf32>,
        %get3A_652 = vector.shape_cast %get3A_651 : vector<1x16xf32> to vector<16xf32>
        %add3A_653 = arith.constant 0 : i32
        %add3A_654 = arith.addi %add3A_653, %add3A_637 : i32
        %get3A_655 = arith.index_cast %add3A_654 : i32 to index
        %get3A_656 = arith.constant 0 : index
        %get3A_657 = tpu.vector_load %arg11[%get3A_655, %get3A_656] {strides = array<i32>} : memref<400x64xf32, #tpu.memory_space<vmem>>, vector<1x16xf32>,
        %get3A_658 = vector.shape_cast %get3A_657 : vector<1x16xf32> to vector<16xf32>
        %add3A_659 = arith.addf %get3A_658, %get3A_640 : vector<16xf32>
        %swap3A = arith.index_cast %add3A_654 : i32 to index
        %swap3A_660 = arith.constant 0 : index
        %swap3A_661 = tpu.vector_load %arg11[%swap3A, %swap3A_660] {strides = array<i32>} : memref<400x64xf32, #tpu.memory_space<vmem>>, vector<1x16xf32>,
        %swap3A_662 = vector.shape_cast %swap3A_661 : vector<1x16xf32> to vector<16xf32>
        %swap3A_663 = vector.shape_cast %add3A_659 : vector<16xf32> to vector<1x16xf32>
        tpu.vector_store %arg11[%swap3A, %swap3A_660], %swap3A_663 {strides = array<i32>} : memref<400x64xf32, #tpu.memory_space<vmem>>, vector<1x16xf32>,
        %get3A_664 = arith.index_cast %add3A_654 : i32 to index
        %get3A_665 = arith.constant 16 : index
        %get3A_666 = tpu.vector_load %arg11[%get3A_664, %get3A_665] {strides = array<i32>} : memref<400x64xf32, #tpu.memory_space<vmem>>, vector<1x16xf32>,
        %get3A_667 = vector.shape_cast %get3A_666 : vector<1x16xf32> to vector<16xf32>
        %add3A_668 = arith.addf %get3A_667, %get3A_644 : vector<16xf32>
        %swap3A_669 = arith.index_cast %add3A_654 : i32 to index
        %swap3A_670 = arith.constant 16 : index
        %swap3A_671 = tpu.vector_load %arg11[%swap3A_669, %swap3A_670] {strides = array<i32>} : memref<400x64xf32, #tpu.memory_space<vmem>>, vector<1x16xf32>,
        %swap3A_672 = vector.shape_cast %swap3A_671 : vector<1x16xf32> to vector<16xf32>
        %swap3A_673 = vector.shape_cast %add3A_668 : vector<16xf32> to vector<1x16xf32>
        tpu.vector_store %arg11[%swap3A_669, %swap3A_670], %swap3A_673 {strides = array<i32>} : memref<400x64xf32, #tpu.memory_space<vmem>>, vector<1x16xf32>,
        %get3A_674 = arith.index_cast %add3A_654 : i32 to index
        %get3A_675 = arith.constant 32 : index
        %get3A_676 = tpu.vector_load %arg11[%get3A_674, %get3A_675] {strides = array<i32>} : memref<400x64xf32, #tpu.memory_space<vmem>>, vector<1x16xf32>,
        %get3A_677 = vector.shape_cast %get3A_676 : vector<1x16xf32> to vector<16xf32>
        %add3A_678 = arith.addf %get3A_677, %get3A_648 : vector<16xf32>
        %swap3A_679 = arith.index_cast %add3A_654 : i32 to index
        %swap3A_680 = arith.constant 32 : index
        %swap3A_681 = tpu.vector_load %arg11[%swap3A_679, %swap3A_680] {strides = array<i32>} : memref<400x64xf32, #tpu.memory_space<vmem>>, vector<1x16xf32>,
        %swap3A_682 = vector.shape_cast %swap3A_681 : vector<1x16xf32> to vector<16xf32>
        %swap3A_683 = vector.shape_cast %add3A_678 : vector<16xf32> to vector<1x16xf32>
        tpu.vector_store %arg11[%swap3A_679, %swap3A_680], %swap3A_683 {strides = array<i32>} : memref<400x64xf32, #tpu.memory_space<vmem>>, vector<1x16xf32>,
        %get3A_684 = arith.index_cast %add3A_654 : i32 to index
        %get3A_685 = arith.constant 48 : index
        %get3A_686 = tpu.vector_load %arg11[%get3A_684, %get3A_685] {strides = array<i32>} : memref<400x64xf32, #tpu.memory_space<vmem>>, vector<1x16xf32>,
        %get3A_687 = vector.shape_cast %get3A_686 : vector<1x16xf32> to vector<16xf32>
        %add3A_688 = arith.addf %get3A_687, %get3A_652 : vector<16xf32>
        %swap3A_689 = arith.index_cast %add3A_654 : i32 to index
        %swap3A_690 = arith.constant 48 : index
        %swap3A_691 = tpu.vector_load %arg11[%swap3A_689, %swap3A_690] {strides = array<i32>} : memref<400x64xf32, #tpu.memory_space<vmem>>, vector<1x16xf32>,
        %swap3A_692 = vector.shape_cast %swap3A_691 : vector<1x16xf32> to vector<16xf32>
        %swap3A_693 = vector.shape_cast %add3A_688 : vector<16xf32> to vector<1x16xf32>
        tpu.vector_store %arg11[%swap3A_689, %swap3A_690], %swap3A_693 {strides = array<i32>} : memref<400x64xf32, #tpu.memory_space<vmem>>, vector<1x16xf32>,
        %add3A_694 = arith.constant 200 : i32
        %add3A_695 = arith.addi %add3A_694, %add3A_637 : i32
        %get3A_696 = arith.index_cast %add3A_695 : i32 to index
        %get3A_697 = arith.constant 0 : index
        %get3A_698 = tpu.vector_load %arg11[%get3A_696, %get3A_697] {strides = array<i32>} : memref<400x64xf32, #tpu.memory_space<vmem>>, vector<1x16xf32>,
        %get3A_699 = vector.shape_cast %get3A_698 : vector<1x16xf32> to vector<16xf32>
        %add3A_700 = arith.addf %get3A_699, %get3A_640 : vector<16xf32>
        %swap3A_701 = arith.index_cast %add3A_695 : i32 to index
        %swap3A_702 = arith.constant 0 : index
        %swap3A_703 = tpu.vector_load %arg11[%swap3A_701, %swap3A_702] {strides = array<i32>} : memref<400x64xf32, #tpu.memory_space<vmem>>, vector<1x16xf32>,
        %swap3A_704 = vector.shape_cast %swap3A_703 : vector<1x16xf32> to vector<16xf32>
        %swap3A_705 = vector.shape_cast %add3A_700 : vector<16xf32> to vector<1x16xf32>
        tpu.vector_store %arg11[%swap3A_701, %swap3A_702], %swap3A_705 {strides = array<i32>} : memref<400x64xf32, #tpu.memory_space<vmem>>, vector<1x16xf32>,
        %get3A_706 = arith.index_cast %add3A_695 : i32 to index
        %get3A_707 = arith.constant 16 : index
        %get3A_708 = tpu.vector_load %arg11[%get3A_706, %get3A_707] {strides = array<i32>} : memref<400x64xf32, #tpu.memory_space<vmem>>, vector<1x16xf32>,
        %get3A_709 = vector.shape_cast %get3A_708 : vector<1x16xf32> to vector<16xf32>
        %add3A_710 = arith.addf %get3A_709, %get3A_644 : vector<16xf32>
        %swap3A_711 = arith.index_cast %add3A_695 : i32 to index
        %swap3A_712 = arith.constant 16 : index
        %swap3A_713 = tpu.vector_load %arg11[%swap3A_711, %swap3A_712] {strides = array<i32>} : memref<400x64xf32, #tpu.memory_space<vmem>>, vector<1x16xf32>,
        %swap3A_714 = vector.shape_cast %swap3A_713 : vector<1x16xf32> to vector<16xf32>
        %swap3A_715 = vector.shape_cast %add3A_710 : vector<16xf32> to vector<1x16xf32>
        tpu.vector_store %arg11[%swap3A_711, %swap3A_712], %swap3A_715 {strides = array<i32>} : memref<400x64xf32, #tpu.memory_space<vmem>>, vector<1x16xf32>,
        %get3A_716 = arith.index_cast %add3A_695 : i32 to index
        %get3A_717 = arith.constant 32 : index
        %get3A_718 = tpu.vector_load %arg11[%get3A_716, %get3A_717] {strides = array<i32>} : memref<400x64xf32, #tpu.memory_space<vmem>>, vector<1x16xf32>,
        %get3A_719 = vector.shape_cast %get3A_718 : vector<1x16xf32> to vector<16xf32>
        %add3A_720 = arith.addf %get3A_719, %get3A_648 : vector<16xf32>
        %swap3A_721 = arith.index_cast %add3A_695 : i32 to index
        %swap3A_722 = arith.constant 32 : index
        %swap3A_723 = tpu.vector_load %arg11[%swap3A_721, %swap3A_722] {strides = array<i32>} : memref<400x64xf32, #tpu.memory_space<vmem>>, vector<1x16xf32>,
        %swap3A_724 = vector.shape_cast %swap3A_723 : vector<1x16xf32> to vector<16xf32>
        %swap3A_725 = vector.shape_cast %add3A_720 : vector<16xf32> to vector<1x16xf32>
        tpu.vector_store %arg11[%swap3A_721, %swap3A_722], %swap3A_725 {strides = array<i32>} : memref<400x64xf32, #tpu.memory_space<vmem>>, vector<1x16xf32>,
        %get3A_726 = arith.index_cast %add3A_695 : i32 to index
        %get3A_727 = arith.constant 48 : index
        %get3A_728 = tpu.vector_load %arg11[%get3A_726, %get3A_727] {strides = array<i32>} : memref<400x64xf32, #tpu.memory_space<vmem>>, vector<1x16xf32>,
        %get3A_729 = vector.shape_cast %get3A_728 : vector<1x16xf32> to vector<16xf32>
        %add3A_730 = arith.addf %get3A_729, %get3A_652 : vector<16xf32>
        %swap3A_731 = arith.index_cast %add3A_695 : i32 to index
        %swap3A_732 = arith.constant 48 : index
        %swap3A_733 = tpu.vector_load %arg11[%swap3A_731, %swap3A_732] {strides = array<i32>} : memref<400x64xf32, #tpu.memory_space<vmem>>, vector<1x16xf32>,
        %swap3A_734 = vector.shape_cast %swap3A_733 : vector<1x16xf32> to vector<16xf32>
        %swap3A_735 = vector.shape_cast %add3A_730 : vector<16xf32> to vector<1x16xf32>
        tpu.vector_store %arg11[%swap3A_731, %swap3A_732], %swap3A_735 {strides = array<i32>} : memref<400x64xf32, #tpu.memory_space<vmem>>, vector<1x16xf32>,
      }
      %scan3A_409 = arith.constant 200 : i32
      %add3A_410 = arith.constant 0 : i32
      %add3A_411 = arith.addi %add3A_364, %add3A_410 : i32
      %dma_start3A_412 = arith.constant 0 : i32
      %dma_start3A_413 = arith.constant 0 : i32
      %dma_start3A_414 = tpu.memref_slice %arg11[%dma_start3A_412, %dma_start3A_413] : memref<400x64xf32, #tpu.memory_space<vmem>> -> memref<200x64xf32, #tpu.memory_space<vmem>>
      %dma_start3A_415 = arith.constant 0 : i32
      %dma_start3A_416 = arith.constant 0 : i32
      %dma_start3A_417 = tpu.memref_slice %arg5[%add3A_411, %dma_start3A_415, %dma_start3A_416] : memref<4096x200x64xf32, #tpu.memory_space<hbm>> -> memref<1x200x64xf32, #tpu.memory_space<hbm>>
      %dma_start3A_418 = tpu.memref_squeeze %dma_start3A_417 : memref<1x200x64xf32, #tpu.memory_space<hbm>> -> memref<200x64xf32, #tpu.memory_space<hbm>>
      %dma_start3A_419 = arith.constant 0 : i32
      %dma_start3A_420 = arith.constant 0 : i32
      %dma_start3A_421 = tpu.memref_slice %arg5[%add3A_411, %dma_start3A_419, %dma_start3A_420] : memref<4096x200x64xf32, #tpu.memory_space<hbm>> -> memref<1x200x64xf32, #tpu.memory_space<hbm>>
      %dma_start3A_422 = tpu.memref_squeeze %dma_start3A_421 : memref<1x200x64xf32, #tpu.memory_space<hbm>> -> memref<200x64xf32, #tpu.memory_space<hbm>>
      %dma_start3A_423 = arith.constant 0 : i32
      %dma_start3A_424 = arith.constant 0 : i32
      %dma_start3A_425 = tpu.memref_slice %arg11[%dma_start3A_423, %dma_start3A_424] : memref<400x64xf32, #tpu.memory_space<vmem>> -> memref<200x64xf32, #tpu.memory_space<vmem>>
      tpu.enqueue_dma source(%dma_start3A_425 : memref<200x64xf32, #tpu.memory_space<vmem>>) target(%dma_start3A_422 : memref<200x64xf32, #tpu.memory_space<hbm>>) target_semaphore(%arg20 : memref<!tpu.dma_semaphore, #tpu.memory_space<semaphore_mem>>)
      %add3A_426 = arith.constant 1 : i32
      %add3A_427 = arith.addi %add3A_364, %add3A_426 : i32
      %dma_start3A_428 = arith.constant 200 : i32
      %dma_start3A_429 = arith.constant 0 : i32
      %dma_start3A_430 = tpu.memref_slice %arg11[%dma_start3A_428, %dma_start3A_429] : memref<400x64xf32, #tpu.memory_space<vmem>> -> memref<200x64xf32, #tpu.memory_space<vmem>>
      %dma_start3A_431 = arith.constant 0 : i32
      %dma_start3A_432 = arith.constant 0 : i32
      %dma_start3A_433 = tpu.memref_slice %arg5[%add3A_427, %dma_start3A_431, %dma_start3A_432] : memref<4096x200x64xf32, #tpu.memory_space<hbm>> -> memref<1x200x64xf32, #tpu.memory_space<hbm>>
      %dma_start3A_434 = tpu.memref_squeeze %dma_start3A_433 : memref<1x200x64xf32, #tpu.memory_space<hbm>> -> memref<200x64xf32, #tpu.memory_space<hbm>>
      %dma_start3A_435 = arith.constant 0 : i32
      %dma_start3A_436 = arith.constant 0 : i32
      %dma_start3A_437 = tpu.memref_slice %arg5[%add3A_427, %dma_start3A_435, %dma_start3A_436] : memref<4096x200x64xf32, #tpu.memory_space<hbm>> -> memref<1x200x64xf32, #tpu.memory_space<hbm>>
      %dma_start3A_438 = tpu.memref_squeeze %dma_start3A_437 : memref<1x200x64xf32, #tpu.memory_space<hbm>> -> memref<200x64xf32, #tpu.memory_space<hbm>>
      %dma_start3A_439 = arith.constant 200 : i32
      %dma_start3A_440 = arith.constant 0 : i32
      %dma_start3A_441 = tpu.memref_slice %arg11[%dma_start3A_439, %dma_start3A_440] : memref<400x64xf32, #tpu.memory_space<vmem>> -> memref<200x64xf32, #tpu.memory_space<vmem>>
      tpu.enqueue_dma source(%dma_start3A_441 : memref<200x64xf32, #tpu.memory_space<vmem>>) target(%dma_start3A_438 : memref<200x64xf32, #tpu.memory_space<hbm>>) target_semaphore(%arg20 : memref<!tpu.dma_semaphore, #tpu.memory_space<semaphore_mem>>)
      %add3A_442 = arith.constant 1 : i32
      %add3A_443 = arith.addi %add3A_271, %add3A_442 : i32
      %add3A_444 = arith.constant 3 : i32
      %add3A_445 = arith.addi %add3A_443, %add3A_444 : i32
      %lt3A_446 = arith.constant 64 : i32
      %lt3A_447 = arith.cmpi slt, %add3A_445, %lt3A_446 : i32
      %convert_element_type3A_448 = arith.extui %lt3A_447 : i1 to i32
      %cond3A_449 = arith.constant 0 : i32
      %cond3A_450 = arith.cmpi ne, %convert_element_type3A_448, %cond3A_449 : i32
      scf.if %cond3A_450 {
        %add3A_633 = arith.constant 1 : i32
        %add3A_634 = arith.addi %add3A_271, %add3A_633 : i32
        %add3A_635 = arith.constant 3 : i32
        %add3A_636 = arith.addi %add3A_634, %add3A_635 : i32
        %ge3A = arith.constant 4 : i32
        %ge3A_637 = arith.cmpi sge, %add3A_636, %ge3A : i32
        %convert_element_type3A_638 = arith.extui %ge3A_637 : i1 to i32
        %cond3A_639 = arith.constant 0 : i32
        %cond3A_640 = arith.cmpi ne, %convert_element_type3A_638, %cond3A_639 : i32
        scf.if %cond3A_640 {
          %add3A_688 = arith.constant 1 : i32
          %add3A_689 = arith.addi %add3A_271, %add3A_688 : i32
          %add3A_690 = arith.constant 3 : i32
          %add3A_691 = arith.addi %add3A_689, %add3A_690 : i32
          %sub3A = arith.constant 4 : i32
          %sub3A_692 = arith.subi %add3A_691, %sub3A : i32
          %mul3A_693 = arith.constant 2 : i32
          %mul3A_694 = arith.muli %sub3A_692, %mul3A_693 : i32
          %add3A_695 = arith.addi %mul3A_2, %mul3A_694 : i32
          %add3A_696 = arith.constant 0 : i32
          %add3A_697 = arith.addi %add3A_695, %add3A_696 : i32
          %dma_wait3A_698 = arith.constant 0 : i32
          %dma_wait3A_699 = arith.constant 0 : i32
          %dma_wait3A_700 = tpu.memref_slice %arg10[%dma_wait3A_698, %dma_wait3A_699] : memref<400x64xf32, #tpu.memory_space<vmem>> -> memref<200x64xf32, #tpu.memory_space<vmem>>
          %dma_wait3A_701 = arith.constant 0 : i32
          %dma_wait3A_702 = arith.constant 0 : i32
          %dma_wait3A_703 = tpu.memref_slice %arg5[%add3A_697, %dma_wait3A_701, %dma_wait3A_702] : memref<4096x200x64xf32, #tpu.memory_space<hbm>> -> memref<1x200x64xf32, #tpu.memory_space<hbm>>
          %dma_wait3A_704 = tpu.memref_squeeze %dma_wait3A_703 : memref<1x200x64xf32, #tpu.memory_space<hbm>> -> memref<200x64xf32, #tpu.memory_space<hbm>>
          %dma_wait3A_705 = arith.constant 0 : i32
          %dma_wait3A_706 = arith.constant 0 : i32
          %dma_wait3A_707 = tpu.memref_slice %arg5[%add3A_697, %dma_wait3A_705, %dma_wait3A_706] : memref<4096x200x64xf32, #tpu.memory_space<hbm>> -> memref<1x200x64xf32, #tpu.memory_space<hbm>>
          %dma_wait3A_708 = tpu.memref_squeeze %dma_wait3A_707 : memref<1x200x64xf32, #tpu.memory_space<hbm>> -> memref<200x64xf32, #tpu.memory_space<hbm>>
          %dma_wait3A_709 = arith.constant 0 : i32
          %dma_wait3A_710 = arith.constant 0 : i32
          %dma_wait3A_711 = tpu.memref_slice %arg10[%dma_wait3A_709, %dma_wait3A_710] : memref<400x64xf32, #tpu.memory_space<vmem>> -> memref<200x64xf32, #tpu.memory_space<vmem>>
          tpu.wait_dma2 semaphore(%arg19 : memref<!tpu.dma_semaphore, #tpu.memory_space<semaphore_mem>>) src(%dma_wait3A_711 : memref<200x64xf32, #tpu.memory_space<vmem>>) dst(%dma_wait3A_708 : memref<200x64xf32, #tpu.memory_space<hbm>>)
          %add3A_712 = arith.constant 1 : i32
          %add3A_713 = arith.addi %add3A_695, %add3A_712 : i32
          %dma_wait3A_714 = arith.constant 200 : i32
          %dma_wait3A_715 = arith.constant 0 : i32
          %dma_wait3A_716 = tpu.memref_slice %arg10[%dma_wait3A_714, %dma_wait3A_715] : memref<400x64xf32, #tpu.memory_space<vmem>> -> memref<200x64xf32, #tpu.memory_space<vmem>>
          %dma_wait3A_717 = arith.constant 0 : i32
          %dma_wait3A_718 = arith.constant 0 : i32
          %dma_wait3A_719 = tpu.memref_slice %arg5[%add3A_713, %dma_wait3A_717, %dma_wait3A_718] : memref<4096x200x64xf32, #tpu.memory_space<hbm>> -> memref<1x200x64xf32, #tpu.memory_space<hbm>>
          %dma_wait3A_720 = tpu.memref_squeeze %dma_wait3A_719 : memref<1x200x64xf32, #tpu.memory_space<hbm>> -> memref<200x64xf32, #tpu.memory_space<hbm>>
          %dma_wait3A_721 = arith.constant 0 : i32
          %dma_wait3A_722 = arith.constant 0 : i32
          %dma_wait3A_723 = tpu.memref_slice %arg5[%add3A_713, %dma_wait3A_721, %dma_wait3A_722] : memref<4096x200x64xf32, #tpu.memory_space<hbm>> -> memref<1x200x64xf32, #tpu.memory_space<hbm>>
          %dma_wait3A_724 = tpu.memref_squeeze %dma_wait3A_723 : memref<1x200x64xf32, #tpu.memory_space<hbm>> -> memref<200x64xf32, #tpu.memory_space<hbm>>
          %dma_wait3A_725 = arith.constant 200 : i32
          %dma_wait3A_726 = arith.constant 0 : i32
          %dma_wait3A_727 = tpu.memref_slice %arg10[%dma_wait3A_725, %dma_wait3A_726] : memref<400x64xf32, #tpu.memory_space<vmem>> -> memref<200x64xf32, #tpu.memory_space<vmem>>
          tpu.wait_dma2 semaphore(%arg19 : memref<!tpu.dma_semaphore, #tpu.memory_space<semaphore_mem>>) src(%dma_wait3A_727 : memref<200x64xf32, #tpu.memory_space<vmem>>) dst(%dma_wait3A_724 : memref<200x64xf32, #tpu.memory_space<hbm>>)
        } else {
        }
        %add3A_641 = arith.constant 1 : i32
        %add3A_642 = arith.addi %add3A_271, %add3A_641 : i32
        %add3A_643 = arith.constant 3 : i32
        %add3A_644 = arith.addi %add3A_642, %add3A_643 : i32
        %mul3A_645 = arith.constant 2 : i32
        %mul3A_646 = arith.muli %add3A_644, %mul3A_645 : i32
        %add3A_647 = arith.addi %mul3A_2, %mul3A_646 : i32
        "tpu.region"() ({
          %run_scoped3A = tpu.sem_alloc : memref<!tpu.dma_semaphore, #tpu.memory_space<semaphore_mem>>
          %dma_start3A_688 = arith.constant 0 : i32
          %dma_start3A_689 = tpu.memref_slice %arg2[%add3A_647, %dma_start3A_688] : memref<4096x200xi32, #tpu.memory_space<hbm>> -> memref<2x200xi32, #tpu.memory_space<hbm>>
          %dma_start3A_690 = arith.constant 0 : i32
          %dma_start3A_691 = tpu.memref_slice %arg2[%add3A_647, %dma_start3A_690] : memref<4096x200xi32, #tpu.memory_space<hbm>> -> memref<2x200xi32, #tpu.memory_space<hbm>>
          tpu.enqueue_dma source(%dma_start3A_691 : memref<2x200xi32, #tpu.memory_space<hbm>>) target(%arg6 : memref<2x200xi32, #tpu.memory_space<vmem>>) target_semaphore(%run_scoped3A : memref<!tpu.dma_semaphore, #tpu.memory_space<semaphore_mem>>)
          %dma_wait3A_692 = arith.constant 0 : i32
          %dma_wait3A_693 = tpu.memref_slice %arg2[%add3A_647, %dma_wait3A_692] : memref<4096x200xi32, #tpu.memory_space<hbm>> -> memref<2x200xi32, #tpu.memory_space<hbm>>
          %dma_wait3A_694 = arith.constant 0 : i32
          %dma_wait3A_695 = tpu.memref_slice %arg2[%add3A_647, %dma_wait3A_694] : memref<4096x200xi32, #tpu.memory_space<hbm>> -> memref<2x200xi32, #tpu.memory_space<hbm>>
          tpu.wait_dma2 semaphore(%run_scoped3A : memref<!tpu.dma_semaphore, #tpu.memory_space<semaphore_mem>>) src(%dma_wait3A_695 : memref<2x200xi32, #tpu.memory_space<hbm>>) dst(%arg6 : memref<2x200xi32, #tpu.memory_space<vmem>>)
          tpu.yield
        }) : () -> ()
        %dma_start3A_648 = arith.constant 0 : i32
        %dma_start3A_649 = arith.constant 0 : i32
        %dma_start3A_650 = arith.constant 0 : i32
        %dma_start3A_651 = tpu.memref_slice %arg10[%dma_start3A_649, %dma_start3A_650] : memref<400x64xf32, #tpu.memory_space<vmem>> -> memref<128x64xf32, #tpu.memory_space<vmem>>
        %dma_start3A_652 = arith.constant 0 : i32
        %dma_start3A_653 = tpu.memref_slice %arg6[%dma_start3A_648, %dma_start3A_652] : memref<2x200xi32, #tpu.memory_space<vmem>> -> memref<1x128xi32, #tpu.memory_space<vmem>>
        %dma_start3A_654 = tpu.memref_squeeze %dma_start3A_653 : memref<1x128xi32, #tpu.memory_space<vmem>> -> memref<128xi32, #tpu.memory_space<vmem>>
        %dma_start3A_655 = arith.constant 0 : i32
        %dma_start3A_656 = arith.constant 0 : i32
        %dma_start3A_657 = tpu.memref_slice %arg3[%dma_start3A_655, %dma_start3A_656] : memref<1000000x64xf32, #tpu.memory_space<hbm>> -> memref<1000000x64xf32, #tpu.memory_space<hbm>>
        tpu.enqueue_indirect_dma source(%dma_start3A_657 : memref<1000000x64xf32, #tpu.memory_space<hbm>>) target(%dma_start3A_651 : memref<128x64xf32, #tpu.memory_space<vmem>>) offsets(%dma_start3A_654 : memref<128xi32, #tpu.memory_space<vmem>>) semaphore(%arg15 : memref<!tpu.dma_semaphore, #tpu.memory_space<semaphore_mem>>)
        %dma_start3A_658 = arith.constant 0 : i32
        %dma_start3A_659 = arith.constant 128 : i32
        %dma_start3A_660 = arith.constant 0 : i32
        %dma_start3A_661 = tpu.memref_slice %arg10[%dma_start3A_659, %dma_start3A_660] : memref<400x64xf32, #tpu.memory_space<vmem>> -> memref<72x64xf32, #tpu.memory_space<vmem>>
        %dma_start3A_662 = arith.constant 128 : i32
        %dma_start3A_663 = tpu.memref_slice %arg6[%dma_start3A_658, %dma_start3A_662] : memref<2x200xi32, #tpu.memory_space<vmem>> -> memref<1x72xi32, #tpu.memory_space<vmem>>
        %dma_start3A_664 = tpu.memref_squeeze %dma_start3A_663 : memref<1x72xi32, #tpu.memory_space<vmem>> -> memref<72xi32, #tpu.memory_space<vmem>>
        %dma_start3A_665 = arith.constant 0 : i32
        %dma_start3A_666 = arith.constant 0 : i32
        %dma_start3A_667 = tpu.memref_slice %arg3[%dma_start3A_665, %dma_start3A_666] : memref<1000000x64xf32, #tpu.memory_space<hbm>> -> memref<1000000x64xf32, #tpu.memory_space<hbm>>
        tpu.enqueue_indirect_dma source(%dma_start3A_667 : memref<1000000x64xf32, #tpu.memory_space<hbm>>) target(%dma_start3A_661 : memref<72x64xf32, #tpu.memory_space<vmem>>) offsets(%dma_start3A_664 : memref<72xi32, #tpu.memory_space<vmem>>) semaphore(%arg15 : memref<!tpu.dma_semaphore, #tpu.memory_space<semaphore_mem>>)
        %dma_start3A_668 = arith.constant 1 : i32
        %dma_start3A_669 = arith.constant 200 : i32
        %dma_start3A_670 = arith.constant 0 : i32
        %dma_start3A_671 = tpu.memref_slice %arg10[%dma_start3A_669, %dma_start3A_670] : memref<400x64xf32, #tpu.memory_space<vmem>> -> memref<128x64xf32, #tpu.memory_space<vmem>>
        %dma_start3A_672 = arith.constant 0 : i32
        %dma_start3A_673 = tpu.memref_slice %arg6[%dma_start3A_668, %dma_start3A_672] : memref<2x200xi32, #tpu.memory_space<vmem>> -> memref<1x128xi32, #tpu.memory_space<vmem>>
        %dma_start3A_674 = tpu.memref_squeeze %dma_start3A_673 : memref<1x128xi32, #tpu.memory_space<vmem>> -> memref<128xi32, #tpu.memory_space<vmem>>
        %dma_start3A_675 = arith.constant 0 : i32
        %dma_start3A_676 = arith.constant 0 : i32
        %dma_start3A_677 = tpu.memref_slice %arg3[%dma_start3A_675, %dma_start3A_676] : memref<1000000x64xf32, #tpu.memory_space<hbm>> -> memref<1000000x64xf32, #tpu.memory_space<hbm>>
        tpu.enqueue_indirect_dma source(%dma_start3A_677 : memref<1000000x64xf32, #tpu.memory_space<hbm>>) target(%dma_start3A_671 : memref<128x64xf32, #tpu.memory_space<vmem>>) offsets(%dma_start3A_674 : memref<128xi32, #tpu.memory_space<vmem>>) semaphore(%arg15 : memref<!tpu.dma_semaphore, #tpu.memory_space<semaphore_mem>>)
        %dma_start3A_678 = arith.constant 1 : i32
        %dma_start3A_679 = arith.constant 328 : i32
        %dma_start3A_680 = arith.constant 0 : i32
        %dma_start3A_681 = tpu.memref_slice %arg10[%dma_start3A_679, %dma_start3A_680] : memref<400x64xf32, #tpu.memory_space<vmem>> -> memref<72x64xf32, #tpu.memory_space<vmem>>
        %dma_start3A_682 = arith.constant 128 : i32
        %dma_start3A_683 = tpu.memref_slice %arg6[%dma_start3A_678, %dma_start3A_682] : memref<2x200xi32, #tpu.memory_space<vmem>> -> memref<1x72xi32, #tpu.memory_space<vmem>>
        %dma_start3A_684 = tpu.memref_squeeze %dma_start3A_683 : memref<1x72xi32, #tpu.memory_space<vmem>> -> memref<72xi32, #tpu.memory_space<vmem>>
        %dma_start3A_685 = arith.constant 0 : i32
        %dma_start3A_686 = arith.constant 0 : i32
        %dma_start3A_687 = tpu.memref_slice %arg3[%dma_start3A_685, %dma_start3A_686] : memref<1000000x64xf32, #tpu.memory_space<hbm>> -> memref<1000000x64xf32, #tpu.memory_space<hbm>>
        tpu.enqueue_indirect_dma source(%dma_start3A_687 : memref<1000000x64xf32, #tpu.memory_space<hbm>>) target(%dma_start3A_681 : memref<72x64xf32, #tpu.memory_space<vmem>>) offsets(%dma_start3A_684 : memref<72xi32, #tpu.memory_space<vmem>>) semaphore(%arg15 : memref<!tpu.dma_semaphore, #tpu.memory_space<semaphore_mem>>)
      } else {
      }
      %add3A_451 = arith.constant 2 : i32
      %add3A_452 = arith.addi %add3A_271, %add3A_451 : i32
      %mul3A_453 = arith.constant 2 : i32
      %mul3A_454 = arith.muli %add3A_452, %mul3A_453 : i32
      %add3A_455 = arith.addi %mul3A_2, %mul3A_454 : i32
      %dma_wait3A_456 = arith.constant 0 : i32
      %dma_wait3A_457 = arith.constant 0 : i32
      %dma_wait3A_458 = arith.constant 0 : i32
      %dma_wait3A_459 = tpu.memref_slice %arg12[%dma_wait3A_457, %dma_wait3A_458] : memref<400x64xf32, #tpu.memory_space<vmem>> -> memref<128x64xf32, #tpu.memory_space<vmem>>
      %dma_wait3A_460 = arith.constant 0 : i32
      %dma_wait3A_461 = tpu.memref_slice %arg8[%dma_wait3A_456, %dma_wait3A_460] : memref<2x200xi32, #tpu.memory_space<vmem>> -> memref<1x128xi32, #tpu.memory_space<vmem>>
      %dma_wait3A_462 = tpu.memref_squeeze %dma_wait3A_461 : memref<1x128xi32, #tpu.memory_space<vmem>> -> memref<128xi32, #tpu.memory_space<vmem>>
      %dma_wait3A_463 = arith.constant 0 : i32
      %dma_wait3A_464 = arith.constant 0 : i32
      %dma_wait3A_465 = tpu.memref_slice %arg3[%dma_wait3A_463, %dma_wait3A_464] : memref<1000000x64xf32, #tpu.memory_space<hbm>> -> memref<1000000x64xf32, #tpu.memory_space<hbm>>
      tpu.wait_indirect_dma semaphore(%arg17 : memref<!tpu.dma_semaphore, #tpu.memory_space<semaphore_mem>>) src(%dma_wait3A_465 : memref<1000000x64xf32, #tpu.memory_space<hbm>>) dst(%dma_wait3A_459 : memref<128x64xf32, #tpu.memory_space<vmem>>)
      %dma_wait3A_466 = arith.constant 0 : i32
      %dma_wait3A_467 = arith.constant 128 : i32
      %dma_wait3A_468 = arith.constant 0 : i32
      %dma_wait3A_469 = tpu.memref_slice %arg12[%dma_wait3A_467, %dma_wait3A_468] : memref<400x64xf32, #tpu.memory_space<vmem>> -> memref<72x64xf32, #tpu.memory_space<vmem>>
      %dma_wait3A_470 = arith.constant 128 : i32
      %dma_wait3A_471 = tpu.memref_slice %arg8[%dma_wait3A_466, %dma_wait3A_470] : memref<2x200xi32, #tpu.memory_space<vmem>> -> memref<1x72xi32, #tpu.memory_space<vmem>>
      %dma_wait3A_472 = tpu.memref_squeeze %dma_wait3A_471 : memref<1x72xi32, #tpu.memory_space<vmem>> -> memref<72xi32, #tpu.memory_space<vmem>>
      %dma_wait3A_473 = arith.constant 0 : i32
      %dma_wait3A_474 = arith.constant 0 : i32
      %dma_wait3A_475 = tpu.memref_slice %arg3[%dma_wait3A_473, %dma_wait3A_474] : memref<1000000x64xf32, #tpu.memory_space<hbm>> -> memref<1000000x64xf32, #tpu.memory_space<hbm>>
      tpu.wait_indirect_dma semaphore(%arg17 : memref<!tpu.dma_semaphore, #tpu.memory_space<semaphore_mem>>) src(%dma_wait3A_475 : memref<1000000x64xf32, #tpu.memory_space<hbm>>) dst(%dma_wait3A_469 : memref<72x64xf32, #tpu.memory_space<vmem>>)
      %dma_wait3A_476 = arith.constant 1 : i32
      %dma_wait3A_477 = arith.constant 200 : i32
      %dma_wait3A_478 = arith.constant 0 : i32
      %dma_wait3A_479 = tpu.memref_slice %arg12[%dma_wait3A_477, %dma_wait3A_478] : memref<400x64xf32, #tpu.memory_space<vmem>> -> memref<128x64xf32, #tpu.memory_space<vmem>>
      %dma_wait3A_480 = arith.constant 0 : i32
      %dma_wait3A_481 = tpu.memref_slice %arg8[%dma_wait3A_476, %dma_wait3A_480] : memref<2x200xi32, #tpu.memory_space<vmem>> -> memref<1x128xi32, #tpu.memory_space<vmem>>
      %dma_wait3A_482 = tpu.memref_squeeze %dma_wait3A_481 : memref<1x128xi32, #tpu.memory_space<vmem>> -> memref<128xi32, #tpu.memory_space<vmem>>
      %dma_wait3A_483 = arith.constant 0 : i32
      %dma_wait3A_484 = arith.constant 0 : i32
      %dma_wait3A_485 = tpu.memref_slice %arg3[%dma_wait3A_483, %dma_wait3A_484] : memref<1000000x64xf32, #tpu.memory_space<hbm>> -> memref<1000000x64xf32, #tpu.memory_space<hbm>>
      tpu.wait_indirect_dma semaphore(%arg17 : memref<!tpu.dma_semaphore, #tpu.memory_space<semaphore_mem>>) src(%dma_wait3A_485 : memref<1000000x64xf32, #tpu.memory_space<hbm>>) dst(%dma_wait3A_479 : memref<128x64xf32, #tpu.memory_space<vmem>>)
      %dma_wait3A_486 = arith.constant 1 : i32
      %dma_wait3A_487 = arith.constant 328 : i32
      %dma_wait3A_488 = arith.constant 0 : i32
      %dma_wait3A_489 = tpu.memref_slice %arg12[%dma_wait3A_487, %dma_wait3A_488] : memref<400x64xf32, #tpu.memory_space<vmem>> -> memref<72x64xf32, #tpu.memory_space<vmem>>
      %dma_wait3A_490 = arith.constant 128 : i32
      %dma_wait3A_491 = tpu.memref_slice %arg8[%dma_wait3A_486, %dma_wait3A_490] : memref<2x200xi32, #tpu.memory_space<vmem>> -> memref<1x72xi32, #tpu.memory_space<vmem>>
      %dma_wait3A_492 = tpu.memref_squeeze %dma_wait3A_491 : memref<1x72xi32, #tpu.memory_space<vmem>> -> memref<72xi32, #tpu.memory_space<vmem>>
      %dma_wait3A_493 = arith.constant 0 : i32
      %dma_wait3A_494 = arith.constant 0 : i32
      %dma_wait3A_495 = tpu.memref_slice %arg3[%dma_wait3A_493, %dma_wait3A_494] : memref<1000000x64xf32, #tpu.memory_space<hbm>> -> memref<1000000x64xf32, #tpu.memory_space<hbm>>
      tpu.wait_indirect_dma semaphore(%arg17 : memref<!tpu.dma_semaphore, #tpu.memory_space<semaphore_mem>>) src(%dma_wait3A_495 : memref<1000000x64xf32, #tpu.memory_space<hbm>>) dst(%dma_wait3A_489 : memref<72x64xf32, #tpu.memory_space<vmem>>)
      %scan3A_496 = arith.constant 0 : i32
      %scan3A_497 = arith.constant 200 : i32
      %scan3A_498 = arith.addi %scan3A_496, %scan3A_497 : i32
      %scan3A_499 = arith.constant 1 : i32
      scf.for %scan3A_633 = %scan3A_496 to %scan3A_498 step %scan3A_499  : i32 {
        %mul3A_634 = arith.constant 1 : i32
        %mul3A_635 = arith.muli %scan3A_633, %mul3A_634 : i32
        %add3A_636 = arith.constant 0 : i32
        %add3A_637 = arith.addi %add3A_636, %mul3A_635 : i32
        %get3A = arith.index_cast %add3A_637 : i32 to index
        %get3A_638 = arith.constant 0 : index
        %get3A_639 = tpu.vector_load %arg14[%get3A, %get3A_638] {strides = array<i32>} : memref<200x64xf32, #tpu.memory_space<vmem>>, vector<1x16xf32>,
        %get3A_640 = vector.shape_cast %get3A_639 : vector<1x16xf32> to vector<16xf32>
        %get3A_641 = arith.index_cast %add3A_637 : i32 to index
        %get3A_642 = arith.constant 16 : index
        %get3A_643 = tpu.vector_load %arg14[%get3A_641, %get3A_642] {strides = array<i32>} : memref<200x64xf32, #tpu.memory_space<vmem>>, vector<1x16xf32>,
        %get3A_644 = vector.shape_cast %get3A_643 : vector<1x16xf32> to vector<16xf32>
        %get3A_645 = arith.index_cast %add3A_637 : i32 to index
        %get3A_646 = arith.constant 32 : index
        %get3A_647 = tpu.vector_load %arg14[%get3A_645, %get3A_646] {strides = array<i32>} : memref<200x64xf32, #tpu.memory_space<vmem>>, vector<1x16xf32>,
        %get3A_648 = vector.shape_cast %get3A_647 : vector<1x16xf32> to vector<16xf32>
        %get3A_649 = arith.index_cast %add3A_637 : i32 to index
        %get3A_650 = arith.constant 48 : index
        %get3A_651 = tpu.vector_load %arg14[%get3A_649, %get3A_650] {strides = array<i32>} : memref<200x64xf32, #tpu.memory_space<vmem>>, vector<1x16xf32>,
        %get3A_652 = vector.shape_cast %get3A_651 : vector<1x16xf32> to vector<16xf32>
        %add3A_653 = arith.constant 0 : i32
        %add3A_654 = arith.addi %add3A_653, %add3A_637 : i32
        %get3A_655 = arith.index_cast %add3A_654 : i32 to index
        %get3A_656 = arith.constant 0 : index
        %get3A_657 = tpu.vector_load %arg12[%get3A_655, %get3A_656] {strides = array<i32>} : memref<400x64xf32, #tpu.memory_space<vmem>>, vector<1x16xf32>,
        %get3A_658 = vector.shape_cast %get3A_657 : vector<1x16xf32> to vector<16xf32>
        %add3A_659 = arith.addf %get3A_658, %get3A_640 : vector<16xf32>
        %swap3A = arith.index_cast %add3A_654 : i32 to index
        %swap3A_660 = arith.constant 0 : index
        %swap3A_661 = tpu.vector_load %arg12[%swap3A, %swap3A_660] {strides = array<i32>} : memref<400x64xf32, #tpu.memory_space<vmem>>, vector<1x16xf32>,
        %swap3A_662 = vector.shape_cast %swap3A_661 : vector<1x16xf32> to vector<16xf32>
        %swap3A_663 = vector.shape_cast %add3A_659 : vector<16xf32> to vector<1x16xf32>
        tpu.vector_store %arg12[%swap3A, %swap3A_660], %swap3A_663 {strides = array<i32>} : memref<400x64xf32, #tpu.memory_space<vmem>>, vector<1x16xf32>,
        %get3A_664 = arith.index_cast %add3A_654 : i32 to index
        %get3A_665 = arith.constant 16 : index
        %get3A_666 = tpu.vector_load %arg12[%get3A_664, %get3A_665] {strides = array<i32>} : memref<400x64xf32, #tpu.memory_space<vmem>>, vector<1x16xf32>,
        %get3A_667 = vector.shape_cast %get3A_666 : vector<1x16xf32> to vector<16xf32>
        %add3A_668 = arith.addf %get3A_667, %get3A_644 : vector<16xf32>
        %swap3A_669 = arith.index_cast %add3A_654 : i32 to index
        %swap3A_670 = arith.constant 16 : index
        %swap3A_671 = tpu.vector_load %arg12[%swap3A_669, %swap3A_670] {strides = array<i32>} : memref<400x64xf32, #tpu.memory_space<vmem>>, vector<1x16xf32>,
        %swap3A_672 = vector.shape_cast %swap3A_671 : vector<1x16xf32> to vector<16xf32>
        %swap3A_673 = vector.shape_cast %add3A_668 : vector<16xf32> to vector<1x16xf32>
        tpu.vector_store %arg12[%swap3A_669, %swap3A_670], %swap3A_673 {strides = array<i32>} : memref<400x64xf32, #tpu.memory_space<vmem>>, vector<1x16xf32>,
        %get3A_674 = arith.index_cast %add3A_654 : i32 to index
        %get3A_675 = arith.constant 32 : index
        %get3A_676 = tpu.vector_load %arg12[%get3A_674, %get3A_675] {strides = array<i32>} : memref<400x64xf32, #tpu.memory_space<vmem>>, vector<1x16xf32>,
        %get3A_677 = vector.shape_cast %get3A_676 : vector<1x16xf32> to vector<16xf32>
        %add3A_678 = arith.addf %get3A_677, %get3A_648 : vector<16xf32>
        %swap3A_679 = arith.index_cast %add3A_654 : i32 to index
        %swap3A_680 = arith.constant 32 : index
        %swap3A_681 = tpu.vector_load %arg12[%swap3A_679, %swap3A_680] {strides = array<i32>} : memref<400x64xf32, #tpu.memory_space<vmem>>, vector<1x16xf32>,
        %swap3A_682 = vector.shape_cast %swap3A_681 : vector<1x16xf32> to vector<16xf32>
        %swap3A_683 = vector.shape_cast %add3A_678 : vector<16xf32> to vector<1x16xf32>
        tpu.vector_store %arg12[%swap3A_679, %swap3A_680], %swap3A_683 {strides = array<i32>} : memref<400x64xf32, #tpu.memory_space<vmem>>, vector<1x16xf32>,
        %get3A_684 = arith.index_cast %add3A_654 : i32 to index
        %get3A_685 = arith.constant 48 : index
        %get3A_686 = tpu.vector_load %arg12[%get3A_684, %get3A_685] {strides = array<i32>} : memref<400x64xf32, #tpu.memory_space<vmem>>, vector<1x16xf32>,
        %get3A_687 = vector.shape_cast %get3A_686 : vector<1x16xf32> to vector<16xf32>
        %add3A_688 = arith.addf %get3A_687, %get3A_652 : vector<16xf32>
        %swap3A_689 = arith.index_cast %add3A_654 : i32 to index
        %swap3A_690 = arith.constant 48 : index
        %swap3A_691 = tpu.vector_load %arg12[%swap3A_689, %swap3A_690] {strides = array<i32>} : memref<400x64xf32, #tpu.memory_space<vmem>>, vector<1x16xf32>,
        %swap3A_692 = vector.shape_cast %swap3A_691 : vector<1x16xf32> to vector<16xf32>
        %swap3A_693 = vector.shape_cast %add3A_688 : vector<16xf32> to vector<1x16xf32>
        tpu.vector_store %arg12[%swap3A_689, %swap3A_690], %swap3A_693 {strides = array<i32>} : memref<400x64xf32, #tpu.memory_space<vmem>>, vector<1x16xf32>,
        %add3A_694 = arith.constant 200 : i32
        %add3A_695 = arith.addi %add3A_694, %add3A_637 : i32
        %get3A_696 = arith.index_cast %add3A_695 : i32 to index
        %get3A_697 = arith.constant 0 : index
        %get3A_698 = tpu.vector_load %arg12[%get3A_696, %get3A_697] {strides = array<i32>} : memref<400x64xf32, #tpu.memory_space<vmem>>, vector<1x16xf32>,
        %get3A_699 = vector.shape_cast %get3A_698 : vector<1x16xf32> to vector<16xf32>
        %add3A_700 = arith.addf %get3A_699, %get3A_640 : vector<16xf32>
        %swap3A_701 = arith.index_cast %add3A_695 : i32 to index
        %swap3A_702 = arith.constant 0 : index
        %swap3A_703 = tpu.vector_load %arg12[%swap3A_701, %swap3A_702] {strides = array<i32>} : memref<400x64xf32, #tpu.memory_space<vmem>>, vector<1x16xf32>,
        %swap3A_704 = vector.shape_cast %swap3A_703 : vector<1x16xf32> to vector<16xf32>
        %swap3A_705 = vector.shape_cast %add3A_700 : vector<16xf32> to vector<1x16xf32>
        tpu.vector_store %arg12[%swap3A_701, %swap3A_702], %swap3A_705 {strides = array<i32>} : memref<400x64xf32, #tpu.memory_space<vmem>>, vector<1x16xf32>,
        %get3A_706 = arith.index_cast %add3A_695 : i32 to index
        %get3A_707 = arith.constant 16 : index
        %get3A_708 = tpu.vector_load %arg12[%get3A_706, %get3A_707] {strides = array<i32>} : memref<400x64xf32, #tpu.memory_space<vmem>>, vector<1x16xf32>,
        %get3A_709 = vector.shape_cast %get3A_708 : vector<1x16xf32> to vector<16xf32>
        %add3A_710 = arith.addf %get3A_709, %get3A_644 : vector<16xf32>
        %swap3A_711 = arith.index_cast %add3A_695 : i32 to index
        %swap3A_712 = arith.constant 16 : index
        %swap3A_713 = tpu.vector_load %arg12[%swap3A_711, %swap3A_712] {strides = array<i32>} : memref<400x64xf32, #tpu.memory_space<vmem>>, vector<1x16xf32>,
        %swap3A_714 = vector.shape_cast %swap3A_713 : vector<1x16xf32> to vector<16xf32>
        %swap3A_715 = vector.shape_cast %add3A_710 : vector<16xf32> to vector<1x16xf32>
        tpu.vector_store %arg12[%swap3A_711, %swap3A_712], %swap3A_715 {strides = array<i32>} : memref<400x64xf32, #tpu.memory_space<vmem>>, vector<1x16xf32>,
        %get3A_716 = arith.index_cast %add3A_695 : i32 to index
        %get3A_717 = arith.constant 32 : index
        %get3A_718 = tpu.vector_load %arg12[%get3A_716, %get3A_717] {strides = array<i32>} : memref<400x64xf32, #tpu.memory_space<vmem>>, vector<1x16xf32>,
        %get3A_719 = vector.shape_cast %get3A_718 : vector<1x16xf32> to vector<16xf32>
        %add3A_720 = arith.addf %get3A_719, %get3A_648 : vector<16xf32>
        %swap3A_721 = arith.index_cast %add3A_695 : i32 to index
        %swap3A_722 = arith.constant 32 : index
        %swap3A_723 = tpu.vector_load %arg12[%swap3A_721, %swap3A_722] {strides = array<i32>} : memref<400x64xf32, #tpu.memory_space<vmem>>, vector<1x16xf32>,
        %swap3A_724 = vector.shape_cast %swap3A_723 : vector<1x16xf32> to vector<16xf32>
        %swap3A_725 = vector.shape_cast %add3A_720 : vector<16xf32> to vector<1x16xf32>
        tpu.vector_store %arg12[%swap3A_721, %swap3A_722], %swap3A_725 {strides = array<i32>} : memref<400x64xf32, #tpu.memory_space<vmem>>, vector<1x16xf32>,
        %get3A_726 = arith.index_cast %add3A_695 : i32 to index
        %get3A_727 = arith.constant 48 : index
        %get3A_728 = tpu.vector_load %arg12[%get3A_726, %get3A_727] {strides = array<i32>} : memref<400x64xf32, #tpu.memory_space<vmem>>, vector<1x16xf32>,
        %get3A_729 = vector.shape_cast %get3A_728 : vector<1x16xf32> to vector<16xf32>
        %add3A_730 = arith.addf %get3A_729, %get3A_652 : vector<16xf32>
        %swap3A_731 = arith.index_cast %add3A_695 : i32 to index
        %swap3A_732 = arith.constant 48 : index
        %swap3A_733 = tpu.vector_load %arg12[%swap3A_731, %swap3A_732] {strides = array<i32>} : memref<400x64xf32, #tpu.memory_space<vmem>>, vector<1x16xf32>,
        %swap3A_734 = vector.shape_cast %swap3A_733 : vector<1x16xf32> to vector<16xf32>
        %swap3A_735 = vector.shape_cast %add3A_730 : vector<16xf32> to vector<1x16xf32>
        tpu.vector_store %arg12[%swap3A_731, %swap3A_732], %swap3A_735 {strides = array<i32>} : memref<400x64xf32, #tpu.memory_space<vmem>>, vector<1x16xf32>,
      }
      %scan3A_500 = arith.constant 200 : i32
      %add3A_501 = arith.constant 0 : i32
      %add3A_502 = arith.addi %add3A_455, %add3A_501 : i32
      %dma_start3A_503 = arith.constant 0 : i32
      %dma_start3A_504 = arith.constant 0 : i32
      %dma_start3A_505 = tpu.memref_slice %arg12[%dma_start3A_503, %dma_start3A_504] : memref<400x64xf32, #tpu.memory_space<vmem>> -> memref<200x64xf32, #tpu.memory_space<vmem>>
      %dma_start3A_506 = arith.constant 0 : i32
      %dma_start3A_507 = arith.constant 0 : i32
      %dma_start3A_508 = tpu.memref_slice %arg5[%add3A_502, %dma_start3A_506, %dma_start3A_507] : memref<4096x200x64xf32, #tpu.memory_space<hbm>> -> memref<1x200x64xf32, #tpu.memory_space<hbm>>
      %dma_start3A_509 = tpu.memref_squeeze %dma_start3A_508 : memref<1x200x64xf32, #tpu.memory_space<hbm>> -> memref<200x64xf32, #tpu.memory_space<hbm>>
      %dma_start3A_510 = arith.constant 0 : i32
      %dma_start3A_511 = arith.constant 0 : i32
      %dma_start3A_512 = tpu.memref_slice %arg5[%add3A_502, %dma_start3A_510, %dma_start3A_511] : memref<4096x200x64xf32, #tpu.memory_space<hbm>> -> memref<1x200x64xf32, #tpu.memory_space<hbm>>
      %dma_start3A_513 = tpu.memref_squeeze %dma_start3A_512 : memref<1x200x64xf32, #tpu.memory_space<hbm>> -> memref<200x64xf32, #tpu.memory_space<hbm>>
      %dma_start3A_514 = arith.constant 0 : i32
      %dma_start3A_515 = arith.constant 0 : i32
      %dma_start3A_516 = tpu.memref_slice %arg12[%dma_start3A_514, %dma_start3A_515] : memref<400x64xf32, #tpu.memory_space<vmem>> -> memref<200x64xf32, #tpu.memory_space<vmem>>
      tpu.enqueue_dma source(%dma_start3A_516 : memref<200x64xf32, #tpu.memory_space<vmem>>) target(%dma_start3A_513 : memref<200x64xf32, #tpu.memory_space<hbm>>) target_semaphore(%arg21 : memref<!tpu.dma_semaphore, #tpu.memory_space<semaphore_mem>>)
      %add3A_517 = arith.constant 1 : i32
      %add3A_518 = arith.addi %add3A_455, %add3A_517 : i32
      %dma_start3A_519 = arith.constant 200 : i32
      %dma_start3A_520 = arith.constant 0 : i32
      %dma_start3A_521 = tpu.memref_slice %arg12[%dma_start3A_519, %dma_start3A_520] : memref<400x64xf32, #tpu.memory_space<vmem>> -> memref<200x64xf32, #tpu.memory_space<vmem>>
      %dma_start3A_522 = arith.constant 0 : i32
      %dma_start3A_523 = arith.constant 0 : i32
      %dma_start3A_524 = tpu.memref_slice %arg5[%add3A_518, %dma_start3A_522, %dma_start3A_523] : memref<4096x200x64xf32, #tpu.memory_space<hbm>> -> memref<1x200x64xf32, #tpu.memory_space<hbm>>
      %dma_start3A_525 = tpu.memref_squeeze %dma_start3A_524 : memref<1x200x64xf32, #tpu.memory_space<hbm>> -> memref<200x64xf32, #tpu.memory_space<hbm>>
      %dma_start3A_526 = arith.constant 0 : i32
      %dma_start3A_527 = arith.constant 0 : i32
      %dma_start3A_528 = tpu.memref_slice %arg5[%add3A_518, %dma_start3A_526, %dma_start3A_527] : memref<4096x200x64xf32, #tpu.memory_space<hbm>> -> memref<1x200x64xf32, #tpu.memory_space<hbm>>
      %dma_start3A_529 = tpu.memref_squeeze %dma_start3A_528 : memref<1x200x64xf32, #tpu.memory_space<hbm>> -> memref<200x64xf32, #tpu.memory_space<hbm>>
      %dma_start3A_530 = arith.constant 200 : i32
      %dma_start3A_531 = arith.constant 0 : i32
      %dma_start3A_532 = tpu.memref_slice %arg12[%dma_start3A_530, %dma_start3A_531] : memref<400x64xf32, #tpu.memory_space<vmem>> -> memref<200x64xf32, #tpu.memory_space<vmem>>
      tpu.enqueue_dma source(%dma_start3A_532 : memref<200x64xf32, #tpu.memory_space<vmem>>) target(%dma_start3A_529 : memref<200x64xf32, #tpu.memory_space<hbm>>) target_semaphore(%arg21 : memref<!tpu.dma_semaphore, #tpu.memory_space<semaphore_mem>>)
      %add3A_533 = arith.constant 2 : i32
      %add3A_534 = arith.addi %add3A_271, %add3A_533 : i32
      %add3A_535 = arith.constant 3 : i32
      %add3A_536 = arith.addi %add3A_534, %add3A_535 : i32
      %lt3A_537 = arith.constant 64 : i32
      %lt3A_538 = arith.cmpi slt, %add3A_536, %lt3A_537 : i32
      %convert_element_type3A_539 = arith.extui %lt3A_538 : i1 to i32
      %cond3A_540 = arith.constant 0 : i32
      %cond3A_541 = arith.cmpi ne, %convert_element_type3A_539, %cond3A_540 : i32
      scf.if %cond3A_541 {
        %add3A_633 = arith.constant 2 : i32
        %add3A_634 = arith.addi %add3A_271, %add3A_633 : i32
        %add3A_635 = arith.constant 3 : i32
        %add3A_636 = arith.addi %add3A_634, %add3A_635 : i32
        %ge3A = arith.constant 4 : i32
        %ge3A_637 = arith.cmpi sge, %add3A_636, %ge3A : i32
        %convert_element_type3A_638 = arith.extui %ge3A_637 : i1 to i32
        %cond3A_639 = arith.constant 0 : i32
        %cond3A_640 = arith.cmpi ne, %convert_element_type3A_638, %cond3A_639 : i32
        scf.if %cond3A_640 {
          %add3A_688 = arith.constant 2 : i32
          %add3A_689 = arith.addi %add3A_271, %add3A_688 : i32
          %add3A_690 = arith.constant 3 : i32
          %add3A_691 = arith.addi %add3A_689, %add3A_690 : i32
          %sub3A = arith.constant 4 : i32
          %sub3A_692 = arith.subi %add3A_691, %sub3A : i32
          %mul3A_693 = arith.constant 2 : i32
          %mul3A_694 = arith.muli %sub3A_692, %mul3A_693 : i32
          %add3A_695 = arith.addi %mul3A_2, %mul3A_694 : i32
          %add3A_696 = arith.constant 0 : i32
          %add3A_697 = arith.addi %add3A_695, %add3A_696 : i32
          %dma_wait3A_698 = arith.constant 0 : i32
          %dma_wait3A_699 = arith.constant 0 : i32
          %dma_wait3A_700 = tpu.memref_slice %arg11[%dma_wait3A_698, %dma_wait3A_699] : memref<400x64xf32, #tpu.memory_space<vmem>> -> memref<200x64xf32, #tpu.memory_space<vmem>>
          %dma_wait3A_701 = arith.constant 0 : i32
          %dma_wait3A_702 = arith.constant 0 : i32
          %dma_wait3A_703 = tpu.memref_slice %arg5[%add3A_697, %dma_wait3A_701, %dma_wait3A_702] : memref<4096x200x64xf32, #tpu.memory_space<hbm>> -> memref<1x200x64xf32, #tpu.memory_space<hbm>>
          %dma_wait3A_704 = tpu.memref_squeeze %dma_wait3A_703 : memref<1x200x64xf32, #tpu.memory_space<hbm>> -> memref<200x64xf32, #tpu.memory_space<hbm>>
          %dma_wait3A_705 = arith.constant 0 : i32
          %dma_wait3A_706 = arith.constant 0 : i32
          %dma_wait3A_707 = tpu.memref_slice %arg5[%add3A_697, %dma_wait3A_705, %dma_wait3A_706] : memref<4096x200x64xf32, #tpu.memory_space<hbm>> -> memref<1x200x64xf32, #tpu.memory_space<hbm>>
          %dma_wait3A_708 = tpu.memref_squeeze %dma_wait3A_707 : memref<1x200x64xf32, #tpu.memory_space<hbm>> -> memref<200x64xf32, #tpu.memory_space<hbm>>
          %dma_wait3A_709 = arith.constant 0 : i32
          %dma_wait3A_710 = arith.constant 0 : i32
          %dma_wait3A_711 = tpu.memref_slice %arg11[%dma_wait3A_709, %dma_wait3A_710] : memref<400x64xf32, #tpu.memory_space<vmem>> -> memref<200x64xf32, #tpu.memory_space<vmem>>
          tpu.wait_dma2 semaphore(%arg20 : memref<!tpu.dma_semaphore, #tpu.memory_space<semaphore_mem>>) src(%dma_wait3A_711 : memref<200x64xf32, #tpu.memory_space<vmem>>) dst(%dma_wait3A_708 : memref<200x64xf32, #tpu.memory_space<hbm>>)
          %add3A_712 = arith.constant 1 : i32
          %add3A_713 = arith.addi %add3A_695, %add3A_712 : i32
          %dma_wait3A_714 = arith.constant 200 : i32
          %dma_wait3A_715 = arith.constant 0 : i32
          %dma_wait3A_716 = tpu.memref_slice %arg11[%dma_wait3A_714, %dma_wait3A_715] : memref<400x64xf32, #tpu.memory_space<vmem>> -> memref<200x64xf32, #tpu.memory_space<vmem>>
          %dma_wait3A_717 = arith.constant 0 : i32
          %dma_wait3A_718 = arith.constant 0 : i32
          %dma_wait3A_719 = tpu.memref_slice %arg5[%add3A_713, %dma_wait3A_717, %dma_wait3A_718] : memref<4096x200x64xf32, #tpu.memory_space<hbm>> -> memref<1x200x64xf32, #tpu.memory_space<hbm>>
          %dma_wait3A_720 = tpu.memref_squeeze %dma_wait3A_719 : memref<1x200x64xf32, #tpu.memory_space<hbm>> -> memref<200x64xf32, #tpu.memory_space<hbm>>
          %dma_wait3A_721 = arith.constant 0 : i32
          %dma_wait3A_722 = arith.constant 0 : i32
          %dma_wait3A_723 = tpu.memref_slice %arg5[%add3A_713, %dma_wait3A_721, %dma_wait3A_722] : memref<4096x200x64xf32, #tpu.memory_space<hbm>> -> memref<1x200x64xf32, #tpu.memory_space<hbm>>
          %dma_wait3A_724 = tpu.memref_squeeze %dma_wait3A_723 : memref<1x200x64xf32, #tpu.memory_space<hbm>> -> memref<200x64xf32, #tpu.memory_space<hbm>>
          %dma_wait3A_725 = arith.constant 200 : i32
          %dma_wait3A_726 = arith.constant 0 : i32
          %dma_wait3A_727 = tpu.memref_slice %arg11[%dma_wait3A_725, %dma_wait3A_726] : memref<400x64xf32, #tpu.memory_space<vmem>> -> memref<200x64xf32, #tpu.memory_space<vmem>>
          tpu.wait_dma2 semaphore(%arg20 : memref<!tpu.dma_semaphore, #tpu.memory_space<semaphore_mem>>) src(%dma_wait3A_727 : memref<200x64xf32, #tpu.memory_space<vmem>>) dst(%dma_wait3A_724 : memref<200x64xf32, #tpu.memory_space<hbm>>)
        } else {
        }
        %add3A_641 = arith.constant 2 : i32
        %add3A_642 = arith.addi %add3A_271, %add3A_641 : i32
        %add3A_643 = arith.constant 3 : i32
        %add3A_644 = arith.addi %add3A_642, %add3A_643 : i32
        %mul3A_645 = arith.constant 2 : i32
        %mul3A_646 = arith.muli %add3A_644, %mul3A_645 : i32
        %add3A_647 = arith.addi %mul3A_2, %mul3A_646 : i32
        "tpu.region"() ({
          %run_scoped3A = tpu.sem_alloc : memref<!tpu.dma_semaphore, #tpu.memory_space<semaphore_mem>>
          %dma_start3A_688 = arith.constant 0 : i32
          %dma_start3A_689 = tpu.memref_slice %arg2[%add3A_647, %dma_start3A_688] : memref<4096x200xi32, #tpu.memory_space<hbm>> -> memref<2x200xi32, #tpu.memory_space<hbm>>
          %dma_start3A_690 = arith.constant 0 : i32
          %dma_start3A_691 = tpu.memref_slice %arg2[%add3A_647, %dma_start3A_690] : memref<4096x200xi32, #tpu.memory_space<hbm>> -> memref<2x200xi32, #tpu.memory_space<hbm>>
          tpu.enqueue_dma source(%dma_start3A_691 : memref<2x200xi32, #tpu.memory_space<hbm>>) target(%arg7 : memref<2x200xi32, #tpu.memory_space<vmem>>) target_semaphore(%run_scoped3A : memref<!tpu.dma_semaphore, #tpu.memory_space<semaphore_mem>>)
          %dma_wait3A_692 = arith.constant 0 : i32
          %dma_wait3A_693 = tpu.memref_slice %arg2[%add3A_647, %dma_wait3A_692] : memref<4096x200xi32, #tpu.memory_space<hbm>> -> memref<2x200xi32, #tpu.memory_space<hbm>>
          %dma_wait3A_694 = arith.constant 0 : i32
          %dma_wait3A_695 = tpu.memref_slice %arg2[%add3A_647, %dma_wait3A_694] : memref<4096x200xi32, #tpu.memory_space<hbm>> -> memref<2x200xi32, #tpu.memory_space<hbm>>
          tpu.wait_dma2 semaphore(%run_scoped3A : memref<!tpu.dma_semaphore, #tpu.memory_space<semaphore_mem>>) src(%dma_wait3A_695 : memref<2x200xi32, #tpu.memory_space<hbm>>) dst(%arg7 : memref<2x200xi32, #tpu.memory_space<vmem>>)
          tpu.yield
        }) : () -> ()
        %dma_start3A_648 = arith.constant 0 : i32
        %dma_start3A_649 = arith.constant 0 : i32
        %dma_start3A_650 = arith.constant 0 : i32
        %dma_start3A_651 = tpu.memref_slice %arg11[%dma_start3A_649, %dma_start3A_650] : memref<400x64xf32, #tpu.memory_space<vmem>> -> memref<128x64xf32, #tpu.memory_space<vmem>>
        %dma_start3A_652 = arith.constant 0 : i32
        %dma_start3A_653 = tpu.memref_slice %arg7[%dma_start3A_648, %dma_start3A_652] : memref<2x200xi32, #tpu.memory_space<vmem>> -> memref<1x128xi32, #tpu.memory_space<vmem>>
        %dma_start3A_654 = tpu.memref_squeeze %dma_start3A_653 : memref<1x128xi32, #tpu.memory_space<vmem>> -> memref<128xi32, #tpu.memory_space<vmem>>
        %dma_start3A_655 = arith.constant 0 : i32
        %dma_start3A_656 = arith.constant 0 : i32
        %dma_start3A_657 = tpu.memref_slice %arg3[%dma_start3A_655, %dma_start3A_656] : memref<1000000x64xf32, #tpu.memory_space<hbm>> -> memref<1000000x64xf32, #tpu.memory_space<hbm>>
        tpu.enqueue_indirect_dma source(%dma_start3A_657 : memref<1000000x64xf32, #tpu.memory_space<hbm>>) target(%dma_start3A_651 : memref<128x64xf32, #tpu.memory_space<vmem>>) offsets(%dma_start3A_654 : memref<128xi32, #tpu.memory_space<vmem>>) semaphore(%arg16 : memref<!tpu.dma_semaphore, #tpu.memory_space<semaphore_mem>>)
        %dma_start3A_658 = arith.constant 0 : i32
        %dma_start3A_659 = arith.constant 128 : i32
        %dma_start3A_660 = arith.constant 0 : i32
        %dma_start3A_661 = tpu.memref_slice %arg11[%dma_start3A_659, %dma_start3A_660] : memref<400x64xf32, #tpu.memory_space<vmem>> -> memref<72x64xf32, #tpu.memory_space<vmem>>
        %dma_start3A_662 = arith.constant 128 : i32
        %dma_start3A_663 = tpu.memref_slice %arg7[%dma_start3A_658, %dma_start3A_662] : memref<2x200xi32, #tpu.memory_space<vmem>> -> memref<1x72xi32, #tpu.memory_space<vmem>>
        %dma_start3A_664 = tpu.memref_squeeze %dma_start3A_663 : memref<1x72xi32, #tpu.memory_space<vmem>> -> memref<72xi32, #tpu.memory_space<vmem>>
        %dma_start3A_665 = arith.constant 0 : i32
        %dma_start3A_666 = arith.constant 0 : i32
        %dma_start3A_667 = tpu.memref_slice %arg3[%dma_start3A_665, %dma_start3A_666] : memref<1000000x64xf32, #tpu.memory_space<hbm>> -> memref<1000000x64xf32, #tpu.memory_space<hbm>>
        tpu.enqueue_indirect_dma source(%dma_start3A_667 : memref<1000000x64xf32, #tpu.memory_space<hbm>>) target(%dma_start3A_661 : memref<72x64xf32, #tpu.memory_space<vmem>>) offsets(%dma_start3A_664 : memref<72xi32, #tpu.memory_space<vmem>>) semaphore(%arg16 : memref<!tpu.dma_semaphore, #tpu.memory_space<semaphore_mem>>)
        %dma_start3A_668 = arith.constant 1 : i32
        %dma_start3A_669 = arith.constant 200 : i32
        %dma_start3A_670 = arith.constant 0 : i32
        %dma_start3A_671 = tpu.memref_slice %arg11[%dma_start3A_669, %dma_start3A_670] : memref<400x64xf32, #tpu.memory_space<vmem>> -> memref<128x64xf32, #tpu.memory_space<vmem>>
        %dma_start3A_672 = arith.constant 0 : i32
        %dma_start3A_673 = tpu.memref_slice %arg7[%dma_start3A_668, %dma_start3A_672] : memref<2x200xi32, #tpu.memory_space<vmem>> -> memref<1x128xi32, #tpu.memory_space<vmem>>
        %dma_start3A_674 = tpu.memref_squeeze %dma_start3A_673 : memref<1x128xi32, #tpu.memory_space<vmem>> -> memref<128xi32, #tpu.memory_space<vmem>>
        %dma_start3A_675 = arith.constant 0 : i32
        %dma_start3A_676 = arith.constant 0 : i32
        %dma_start3A_677 = tpu.memref_slice %arg3[%dma_start3A_675, %dma_start3A_676] : memref<1000000x64xf32, #tpu.memory_space<hbm>> -> memref<1000000x64xf32, #tpu.memory_space<hbm>>
        tpu.enqueue_indirect_dma source(%dma_start3A_677 : memref<1000000x64xf32, #tpu.memory_space<hbm>>) target(%dma_start3A_671 : memref<128x64xf32, #tpu.memory_space<vmem>>) offsets(%dma_start3A_674 : memref<128xi32, #tpu.memory_space<vmem>>) semaphore(%arg16 : memref<!tpu.dma_semaphore, #tpu.memory_space<semaphore_mem>>)
        %dma_start3A_678 = arith.constant 1 : i32
        %dma_start3A_679 = arith.constant 328 : i32
        %dma_start3A_680 = arith.constant 0 : i32
        %dma_start3A_681 = tpu.memref_slice %arg11[%dma_start3A_679, %dma_start3A_680] : memref<400x64xf32, #tpu.memory_space<vmem>> -> memref<72x64xf32, #tpu.memory_space<vmem>>
        %dma_start3A_682 = arith.constant 128 : i32
        %dma_start3A_683 = tpu.memref_slice %arg7[%dma_start3A_678, %dma_start3A_682] : memref<2x200xi32, #tpu.memory_space<vmem>> -> memref<1x72xi32, #tpu.memory_space<vmem>>
        %dma_start3A_684 = tpu.memref_squeeze %dma_start3A_683 : memref<1x72xi32, #tpu.memory_space<vmem>> -> memref<72xi32, #tpu.memory_space<vmem>>
        %dma_start3A_685 = arith.constant 0 : i32
        %dma_start3A_686 = arith.constant 0 : i32
        %dma_start3A_687 = tpu.memref_slice %arg3[%dma_start3A_685, %dma_start3A_686] : memref<1000000x64xf32, #tpu.memory_space<hbm>> -> memref<1000000x64xf32, #tpu.memory_space<hbm>>
        tpu.enqueue_indirect_dma source(%dma_start3A_687 : memref<1000000x64xf32, #tpu.memory_space<hbm>>) target(%dma_start3A_681 : memref<72x64xf32, #tpu.memory_space<vmem>>) offsets(%dma_start3A_684 : memref<72xi32, #tpu.memory_space<vmem>>) semaphore(%arg16 : memref<!tpu.dma_semaphore, #tpu.memory_space<semaphore_mem>>)
      } else {
      }
      %add3A_542 = arith.constant 3 : i32
      %add3A_543 = arith.addi %add3A_271, %add3A_542 : i32
      %mul3A_544 = arith.constant 2 : i32
      %mul3A_545 = arith.muli %add3A_543, %mul3A_544 : i32
      %add3A_546 = arith.addi %mul3A_2, %mul3A_545 : i32
      %dma_wait3A_547 = arith.constant 0 : i32
      %dma_wait3A_548 = arith.constant 0 : i32
      %dma_wait3A_549 = arith.constant 0 : i32
      %dma_wait3A_550 = tpu.memref_slice %arg13[%dma_wait3A_548, %dma_wait3A_549] : memref<400x64xf32, #tpu.memory_space<vmem>> -> memref<128x64xf32, #tpu.memory_space<vmem>>
      %dma_wait3A_551 = arith.constant 0 : i32
      %dma_wait3A_552 = tpu.memref_slice %arg9[%dma_wait3A_547, %dma_wait3A_551] : memref<2x200xi32, #tpu.memory_space<vmem>> -> memref<1x128xi32, #tpu.memory_space<vmem>>
      %dma_wait3A_553 = tpu.memref_squeeze %dma_wait3A_552 : memref<1x128xi32, #tpu.memory_space<vmem>> -> memref<128xi32, #tpu.memory_space<vmem>>
      %dma_wait3A_554 = arith.constant 0 : i32
      %dma_wait3A_555 = arith.constant 0 : i32
      %dma_wait3A_556 = tpu.memref_slice %arg3[%dma_wait3A_554, %dma_wait3A_555] : memref<1000000x64xf32, #tpu.memory_space<hbm>> -> memref<1000000x64xf32, #tpu.memory_space<hbm>>
      tpu.wait_indirect_dma semaphore(%arg18 : memref<!tpu.dma_semaphore, #tpu.memory_space<semaphore_mem>>) src(%dma_wait3A_556 : memref<1000000x64xf32, #tpu.memory_space<hbm>>) dst(%dma_wait3A_550 : memref<128x64xf32, #tpu.memory_space<vmem>>)
      %dma_wait3A_557 = arith.constant 0 : i32
      %dma_wait3A_558 = arith.constant 128 : i32
      %dma_wait3A_559 = arith.constant 0 : i32
      %dma_wait3A_560 = tpu.memref_slice %arg13[%dma_wait3A_558, %dma_wait3A_559] : memref<400x64xf32, #tpu.memory_space<vmem>> -> memref<72x64xf32, #tpu.memory_space<vmem>>
      %dma_wait3A_561 = arith.constant 128 : i32
      %dma_wait3A_562 = tpu.memref_slice %arg9[%dma_wait3A_557, %dma_wait3A_561] : memref<2x200xi32, #tpu.memory_space<vmem>> -> memref<1x72xi32, #tpu.memory_space<vmem>>
      %dma_wait3A_563 = tpu.memref_squeeze %dma_wait3A_562 : memref<1x72xi32, #tpu.memory_space<vmem>> -> memref<72xi32, #tpu.memory_space<vmem>>
      %dma_wait3A_564 = arith.constant 0 : i32
      %dma_wait3A_565 = arith.constant 0 : i32
      %dma_wait3A_566 = tpu.memref_slice %arg3[%dma_wait3A_564, %dma_wait3A_565] : memref<1000000x64xf32, #tpu.memory_space<hbm>> -> memref<1000000x64xf32, #tpu.memory_space<hbm>>
      tpu.wait_indirect_dma semaphore(%arg18 : memref<!tpu.dma_semaphore, #tpu.memory_space<semaphore_mem>>) src(%dma_wait3A_566 : memref<1000000x64xf32, #tpu.memory_space<hbm>>) dst(%dma_wait3A_560 : memref<72x64xf32, #tpu.memory_space<vmem>>)
      %dma_wait3A_567 = arith.constant 1 : i32
      %dma_wait3A_568 = arith.constant 200 : i32
      %dma_wait3A_569 = arith.constant 0 : i32
      %dma_wait3A_570 = tpu.memref_slice %arg13[%dma_wait3A_568, %dma_wait3A_569] : memref<400x64xf32, #tpu.memory_space<vmem>> -> memref<128x64xf32, #tpu.memory_space<vmem>>
      %dma_wait3A_571 = arith.constant 0 : i32
      %dma_wait3A_572 = tpu.memref_slice %arg9[%dma_wait3A_567, %dma_wait3A_571] : memref<2x200xi32, #tpu.memory_space<vmem>> -> memref<1x128xi32, #tpu.memory_space<vmem>>
      %dma_wait3A_573 = tpu.memref_squeeze %dma_wait3A_572 : memref<1x128xi32, #tpu.memory_space<vmem>> -> memref<128xi32, #tpu.memory_space<vmem>>
      %dma_wait3A_574 = arith.constant 0 : i32
      %dma_wait3A_575 = arith.constant 0 : i32
      %dma_wait3A_576 = tpu.memref_slice %arg3[%dma_wait3A_574, %dma_wait3A_575] : memref<1000000x64xf32, #tpu.memory_space<hbm>> -> memref<1000000x64xf32, #tpu.memory_space<hbm>>
      tpu.wait_indirect_dma semaphore(%arg18 : memref<!tpu.dma_semaphore, #tpu.memory_space<semaphore_mem>>) src(%dma_wait3A_576 : memref<1000000x64xf32, #tpu.memory_space<hbm>>) dst(%dma_wait3A_570 : memref<128x64xf32, #tpu.memory_space<vmem>>)
      %dma_wait3A_577 = arith.constant 1 : i32
      %dma_wait3A_578 = arith.constant 328 : i32
      %dma_wait3A_579 = arith.constant 0 : i32
      %dma_wait3A_580 = tpu.memref_slice %arg13[%dma_wait3A_578, %dma_wait3A_579] : memref<400x64xf32, #tpu.memory_space<vmem>> -> memref<72x64xf32, #tpu.memory_space<vmem>>
      %dma_wait3A_581 = arith.constant 128 : i32
      %dma_wait3A_582 = tpu.memref_slice %arg9[%dma_wait3A_577, %dma_wait3A_581] : memref<2x200xi32, #tpu.memory_space<vmem>> -> memref<1x72xi32, #tpu.memory_space<vmem>>
      %dma_wait3A_583 = tpu.memref_squeeze %dma_wait3A_582 : memref<1x72xi32, #tpu.memory_space<vmem>> -> memref<72xi32, #tpu.memory_space<vmem>>
      %dma_wait3A_584 = arith.constant 0 : i32
      %dma_wait3A_585 = arith.constant 0 : i32
      %dma_wait3A_586 = tpu.memref_slice %arg3[%dma_wait3A_584, %dma_wait3A_585] : memref<1000000x64xf32, #tpu.memory_space<hbm>> -> memref<1000000x64xf32, #tpu.memory_space<hbm>>
      tpu.wait_indirect_dma semaphore(%arg18 : memref<!tpu.dma_semaphore, #tpu.memory_space<semaphore_mem>>) src(%dma_wait3A_586 : memref<1000000x64xf32, #tpu.memory_space<hbm>>) dst(%dma_wait3A_580 : memref<72x64xf32, #tpu.memory_space<vmem>>)
      %scan3A_587 = arith.constant 0 : i32
      %scan3A_588 = arith.constant 200 : i32
      %scan3A_589 = arith.addi %scan3A_587, %scan3A_588 : i32
      %scan3A_590 = arith.constant 1 : i32
      scf.for %scan3A_633 = %scan3A_587 to %scan3A_589 step %scan3A_590  : i32 {
        %mul3A_634 = arith.constant 1 : i32
        %mul3A_635 = arith.muli %scan3A_633, %mul3A_634 : i32
        %add3A_636 = arith.constant 0 : i32
        %add3A_637 = arith.addi %add3A_636, %mul3A_635 : i32
        %get3A = arith.index_cast %add3A_637 : i32 to index
        %get3A_638 = arith.constant 0 : index
        %get3A_639 = tpu.vector_load %arg14[%get3A, %get3A_638] {strides = array<i32>} : memref<200x64xf32, #tpu.memory_space<vmem>>, vector<1x16xf32>,
        %get3A_640 = vector.shape_cast %get3A_639 : vector<1x16xf32> to vector<16xf32>
        %get3A_641 = arith.index_cast %add3A_637 : i32 to index
        %get3A_642 = arith.constant 16 : index
        %get3A_643 = tpu.vector_load %arg14[%get3A_641, %get3A_642] {strides = array<i32>} : memref<200x64xf32, #tpu.memory_space<vmem>>, vector<1x16xf32>,
        %get3A_644 = vector.shape_cast %get3A_643 : vector<1x16xf32> to vector<16xf32>
        %get3A_645 = arith.index_cast %add3A_637 : i32 to index
        %get3A_646 = arith.constant 32 : index
        %get3A_647 = tpu.vector_load %arg14[%get3A_645, %get3A_646] {strides = array<i32>} : memref<200x64xf32, #tpu.memory_space<vmem>>, vector<1x16xf32>,
        %get3A_648 = vector.shape_cast %get3A_647 : vector<1x16xf32> to vector<16xf32>
        %get3A_649 = arith.index_cast %add3A_637 : i32 to index
        %get3A_650 = arith.constant 48 : index
        %get3A_651 = tpu.vector_load %arg14[%get3A_649, %get3A_650] {strides = array<i32>} : memref<200x64xf32, #tpu.memory_space<vmem>>, vector<1x16xf32>,
        %get3A_652 = vector.shape_cast %get3A_651 : vector<1x16xf32> to vector<16xf32>
        %add3A_653 = arith.constant 0 : i32
        %add3A_654 = arith.addi %add3A_653, %add3A_637 : i32
        %get3A_655 = arith.index_cast %add3A_654 : i32 to index
        %get3A_656 = arith.constant 0 : index
        %get3A_657 = tpu.vector_load %arg13[%get3A_655, %get3A_656] {strides = array<i32>} : memref<400x64xf32, #tpu.memory_space<vmem>>, vector<1x16xf32>,
        %get3A_658 = vector.shape_cast %get3A_657 : vector<1x16xf32> to vector<16xf32>
        %add3A_659 = arith.addf %get3A_658, %get3A_640 : vector<16xf32>
        %swap3A = arith.index_cast %add3A_654 : i32 to index
        %swap3A_660 = arith.constant 0 : index
        %swap3A_661 = tpu.vector_load %arg13[%swap3A, %swap3A_660] {strides = array<i32>} : memref<400x64xf32, #tpu.memory_space<vmem>>, vector<1x16xf32>,
        %swap3A_662 = vector.shape_cast %swap3A_661 : vector<1x16xf32> to vector<16xf32>
        %swap3A_663 = vector.shape_cast %add3A_659 : vector<16xf32> to vector<1x16xf32>
        tpu.vector_store %arg13[%swap3A, %swap3A_660], %swap3A_663 {strides = array<i32>} : memref<400x64xf32, #tpu.memory_space<vmem>>, vector<1x16xf32>,
        %get3A_664 = arith.index_cast %add3A_654 : i32 to index
        %get3A_665 = arith.constant 16 : index
        %get3A_666 = tpu.vector_load %arg13[%get3A_664, %get3A_665] {strides = array<i32>} : memref<400x64xf32, #tpu.memory_space<vmem>>, vector<1x16xf32>,
        %get3A_667 = vector.shape_cast %get3A_666 : vector<1x16xf32> to vector<16xf32>
        %add3A_668 = arith.addf %get3A_667, %get3A_644 : vector<16xf32>
        %swap3A_669 = arith.index_cast %add3A_654 : i32 to index
        %swap3A_670 = arith.constant 16 : index
        %swap3A_671 = tpu.vector_load %arg13[%swap3A_669, %swap3A_670] {strides = array<i32>} : memref<400x64xf32, #tpu.memory_space<vmem>>, vector<1x16xf32>,
        %swap3A_672 = vector.shape_cast %swap3A_671 : vector<1x16xf32> to vector<16xf32>
        %swap3A_673 = vector.shape_cast %add3A_668 : vector<16xf32> to vector<1x16xf32>
        tpu.vector_store %arg13[%swap3A_669, %swap3A_670], %swap3A_673 {strides = array<i32>} : memref<400x64xf32, #tpu.memory_space<vmem>>, vector<1x16xf32>,
        %get3A_674 = arith.index_cast %add3A_654 : i32 to index
        %get3A_675 = arith.constant 32 : index
        %get3A_676 = tpu.vector_load %arg13[%get3A_674, %get3A_675] {strides = array<i32>} : memref<400x64xf32, #tpu.memory_space<vmem>>, vector<1x16xf32>,
        %get3A_677 = vector.shape_cast %get3A_676 : vector<1x16xf32> to vector<16xf32>
        %add3A_678 = arith.addf %get3A_677, %get3A_648 : vector<16xf32>
        %swap3A_679 = arith.index_cast %add3A_654 : i32 to index
        %swap3A_680 = arith.constant 32 : index
        %swap3A_681 = tpu.vector_load %arg13[%swap3A_679, %swap3A_680] {strides = array<i32>} : memref<400x64xf32, #tpu.memory_space<vmem>>, vector<1x16xf32>,
        %swap3A_682 = vector.shape_cast %swap3A_681 : vector<1x16xf32> to vector<16xf32>
        %swap3A_683 = vector.shape_cast %add3A_678 : vector<16xf32> to vector<1x16xf32>
        tpu.vector_store %arg13[%swap3A_679, %swap3A_680], %swap3A_683 {strides = array<i32>} : memref<400x64xf32, #tpu.memory_space<vmem>>, vector<1x16xf32>,
        %get3A_684 = arith.index_cast %add3A_654 : i32 to index
        %get3A_685 = arith.constant 48 : index
        %get3A_686 = tpu.vector_load %arg13[%get3A_684, %get3A_685] {strides = array<i32>} : memref<400x64xf32, #tpu.memory_space<vmem>>, vector<1x16xf32>,
        %get3A_687 = vector.shape_cast %get3A_686 : vector<1x16xf32> to vector<16xf32>
        %add3A_688 = arith.addf %get3A_687, %get3A_652 : vector<16xf32>
        %swap3A_689 = arith.index_cast %add3A_654 : i32 to index
        %swap3A_690 = arith.constant 48 : index
        %swap3A_691 = tpu.vector_load %arg13[%swap3A_689, %swap3A_690] {strides = array<i32>} : memref<400x64xf32, #tpu.memory_space<vmem>>, vector<1x16xf32>,
        %swap3A_692 = vector.shape_cast %swap3A_691 : vector<1x16xf32> to vector<16xf32>
        %swap3A_693 = vector.shape_cast %add3A_688 : vector<16xf32> to vector<1x16xf32>
        tpu.vector_store %arg13[%swap3A_689, %swap3A_690], %swap3A_693 {strides = array<i32>} : memref<400x64xf32, #tpu.memory_space<vmem>>, vector<1x16xf32>,
        %add3A_694 = arith.constant 200 : i32
        %add3A_695 = arith.addi %add3A_694, %add3A_637 : i32
        %get3A_696 = arith.index_cast %add3A_695 : i32 to index
        %get3A_697 = arith.constant 0 : index
        %get3A_698 = tpu.vector_load %arg13[%get3A_696, %get3A_697] {strides = array<i32>} : memref<400x64xf32, #tpu.memory_space<vmem>>, vector<1x16xf32>,
        %get3A_699 = vector.shape_cast %get3A_698 : vector<1x16xf32> to vector<16xf32>
        %add3A_700 = arith.addf %get3A_699, %get3A_640 : vector<16xf32>
        %swap3A_701 = arith.index_cast %add3A_695 : i32 to index
        %swap3A_702 = arith.constant 0 : index
        %swap3A_703 = tpu.vector_load %arg13[%swap3A_701, %swap3A_702] {strides = array<i32>} : memref<400x64xf32, #tpu.memory_space<vmem>>, vector<1x16xf32>,
        %swap3A_704 = vector.shape_cast %swap3A_703 : vector<1x16xf32> to vector<16xf32>
        %swap3A_705 = vector.shape_cast %add3A_700 : vector<16xf32> to vector<1x16xf32>
        tpu.vector_store %arg13[%swap3A_701, %swap3A_702], %swap3A_705 {strides = array<i32>} : memref<400x64xf32, #tpu.memory_space<vmem>>, vector<1x16xf32>,
        %get3A_706 = arith.index_cast %add3A_695 : i32 to index
        %get3A_707 = arith.constant 16 : index
        %get3A_708 = tpu.vector_load %arg13[%get3A_706, %get3A_707] {strides = array<i32>} : memref<400x64xf32, #tpu.memory_space<vmem>>, vector<1x16xf32>,
        %get3A_709 = vector.shape_cast %get3A_708 : vector<1x16xf32> to vector<16xf32>
        %add3A_710 = arith.addf %get3A_709, %get3A_644 : vector<16xf32>
        %swap3A_711 = arith.index_cast %add3A_695 : i32 to index
        %swap3A_712 = arith.constant 16 : index
        %swap3A_713 = tpu.vector_load %arg13[%swap3A_711, %swap3A_712] {strides = array<i32>} : memref<400x64xf32, #tpu.memory_space<vmem>>, vector<1x16xf32>,
        %swap3A_714 = vector.shape_cast %swap3A_713 : vector<1x16xf32> to vector<16xf32>
        %swap3A_715 = vector.shape_cast %add3A_710 : vector<16xf32> to vector<1x16xf32>
        tpu.vector_store %arg13[%swap3A_711, %swap3A_712], %swap3A_715 {strides = array<i32>} : memref<400x64xf32, #tpu.memory_space<vmem>>, vector<1x16xf32>,
        %get3A_716 = arith.index_cast %add3A_695 : i32 to index
        %get3A_717 = arith.constant 32 : index
        %get3A_718 = tpu.vector_load %arg13[%get3A_716, %get3A_717] {strides = array<i32>} : memref<400x64xf32, #tpu.memory_space<vmem>>, vector<1x16xf32>,
        %get3A_719 = vector.shape_cast %get3A_718 : vector<1x16xf32> to vector<16xf32>
        %add3A_720 = arith.addf %get3A_719, %get3A_648 : vector<16xf32>
        %swap3A_721 = arith.index_cast %add3A_695 : i32 to index
        %swap3A_722 = arith.constant 32 : index
        %swap3A_723 = tpu.vector_load %arg13[%swap3A_721, %swap3A_722] {strides = array<i32>} : memref<400x64xf32, #tpu.memory_space<vmem>>, vector<1x16xf32>,
        %swap3A_724 = vector.shape_cast %swap3A_723 : vector<1x16xf32> to vector<16xf32>
        %swap3A_725 = vector.shape_cast %add3A_720 : vector<16xf32> to vector<1x16xf32>
        tpu.vector_store %arg13[%swap3A_721, %swap3A_722], %swap3A_725 {strides = array<i32>} : memref<400x64xf32, #tpu.memory_space<vmem>>, vector<1x16xf32>,
        %get3A_726 = arith.index_cast %add3A_695 : i32 to index
        %get3A_727 = arith.constant 48 : index
        %get3A_728 = tpu.vector_load %arg13[%get3A_726, %get3A_727] {strides = array<i32>} : memref<400x64xf32, #tpu.memory_space<vmem>>, vector<1x16xf32>,
        %get3A_729 = vector.shape_cast %get3A_728 : vector<1x16xf32> to vector<16xf32>
        %add3A_730 = arith.addf %get3A_729, %get3A_652 : vector<16xf32>
        %swap3A_731 = arith.index_cast %add3A_695 : i32 to index
        %swap3A_732 = arith.constant 48 : index
        %swap3A_733 = tpu.vector_load %arg13[%swap3A_731, %swap3A_732] {strides = array<i32>} : memref<400x64xf32, #tpu.memory_space<vmem>>, vector<1x16xf32>,
        %swap3A_734 = vector.shape_cast %swap3A_733 : vector<1x16xf32> to vector<16xf32>
        %swap3A_735 = vector.shape_cast %add3A_730 : vector<16xf32> to vector<1x16xf32>
        tpu.vector_store %arg13[%swap3A_731, %swap3A_732], %swap3A_735 {strides = array<i32>} : memref<400x64xf32, #tpu.memory_space<vmem>>, vector<1x16xf32>,
      }
      %scan3A_591 = arith.constant 200 : i32
      %add3A_592 = arith.constant 0 : i32
      %add3A_593 = arith.addi %add3A_546, %add3A_592 : i32
      %dma_start3A_594 = arith.constant 0 : i32
      %dma_start3A_595 = arith.constant 0 : i32
      %dma_start3A_596 = tpu.memref_slice %arg13[%dma_start3A_594, %dma_start3A_595] : memref<400x64xf32, #tpu.memory_space<vmem>> -> memref<200x64xf32, #tpu.memory_space<vmem>>
      %dma_start3A_597 = arith.constant 0 : i32
      %dma_start3A_598 = arith.constant 0 : i32
      %dma_start3A_599 = tpu.memref_slice %arg5[%add3A_593, %dma_start3A_597, %dma_start3A_598] : memref<4096x200x64xf32, #tpu.memory_space<hbm>> -> memref<1x200x64xf32, #tpu.memory_space<hbm>>
      %dma_start3A_600 = tpu.memref_squeeze %dma_start3A_599 : memref<1x200x64xf32, #tpu.memory_space<hbm>> -> memref<200x64xf32, #tpu.memory_space<hbm>>
      %dma_start3A_601 = arith.constant 0 : i32
      %dma_start3A_602 = arith.constant 0 : i32
      %dma_start3A_603 = tpu.memref_slice %arg5[%add3A_593, %dma_start3A_601, %dma_start3A_602] : memref<4096x200x64xf32, #tpu.memory_space<hbm>> -> memref<1x200x64xf32, #tpu.memory_space<hbm>>
      %dma_start3A_604 = tpu.memref_squeeze %dma_start3A_603 : memref<1x200x64xf32, #tpu.memory_space<hbm>> -> memref<200x64xf32, #tpu.memory_space<hbm>>
      %dma_start3A_605 = arith.constant 0 : i32
      %dma_start3A_606 = arith.constant 0 : i32
      %dma_start3A_607 = tpu.memref_slice %arg13[%dma_start3A_605, %dma_start3A_606] : memref<400x64xf32, #tpu.memory_space<vmem>> -> memref<200x64xf32, #tpu.memory_space<vmem>>
      tpu.enqueue_dma source(%dma_start3A_607 : memref<200x64xf32, #tpu.memory_space<vmem>>) target(%dma_start3A_604 : memref<200x64xf32, #tpu.memory_space<hbm>>) target_semaphore(%arg22 : memref<!tpu.dma_semaphore, #tpu.memory_space<semaphore_mem>>)
      %add3A_608 = arith.constant 1 : i32
      %add3A_609 = arith.addi %add3A_546, %add3A_608 : i32
      %dma_start3A_610 = arith.constant 200 : i32
      %dma_start3A_611 = arith.constant 0 : i32
      %dma_start3A_612 = tpu.memref_slice %arg13[%dma_start3A_610, %dma_start3A_611] : memref<400x64xf32, #tpu.memory_space<vmem>> -> memref<200x64xf32, #tpu.memory_space<vmem>>
      %dma_start3A_613 = arith.constant 0 : i32
      %dma_start3A_614 = arith.constant 0 : i32
      %dma_start3A_615 = tpu.memref_slice %arg5[%add3A_609, %dma_start3A_613, %dma_start3A_614] : memref<4096x200x64xf32, #tpu.memory_space<hbm>> -> memref<1x200x64xf32, #tpu.memory_space<hbm>>
      %dma_start3A_616 = tpu.memref_squeeze %dma_start3A_615 : memref<1x200x64xf32, #tpu.memory_space<hbm>> -> memref<200x64xf32, #tpu.memory_space<hbm>>
      %dma_start3A_617 = arith.constant 0 : i32
      %dma_start3A_618 = arith.constant 0 : i32
      %dma_start3A_619 = tpu.memref_slice %arg5[%add3A_609, %dma_start3A_617, %dma_start3A_618] : memref<4096x200x64xf32, #tpu.memory_space<hbm>> -> memref<1x200x64xf32, #tpu.memory_space<hbm>>
      %dma_start3A_620 = tpu.memref_squeeze %dma_start3A_619 : memref<1x200x64xf32, #tpu.memory_space<hbm>> -> memref<200x64xf32, #tpu.memory_space<hbm>>
      %dma_start3A_621 = arith.constant 200 : i32
      %dma_start3A_622 = arith.constant 0 : i32
      %dma_start3A_623 = tpu.memref_slice %arg13[%dma_start3A_621, %dma_start3A_622] : memref<400x64xf32, #tpu.memory_space<vmem>> -> memref<200x64xf32, #tpu.memory_space<vmem>>
      tpu.enqueue_dma source(%dma_start3A_623 : memref<200x64xf32, #tpu.memory_space<vmem>>) target(%dma_start3A_620 : memref<200x64xf32, #tpu.memory_space<hbm>>) target_semaphore(%arg22 : memref<!tpu.dma_semaphore, #tpu.memory_space<semaphore_mem>>)
      %add3A_624 = arith.constant 3 : i32
      %add3A_625 = arith.addi %add3A_271, %add3A_624 : i32
      %add3A_626 = arith.constant 3 : i32
      %add3A_627 = arith.addi %add3A_625, %add3A_626 : i32
      %lt3A_628 = arith.constant 64 : i32
      %lt3A_629 = arith.cmpi slt, %add3A_627, %lt3A_628 : i32
      %convert_element_type3A_630 = arith.extui %lt3A_629 : i1 to i32
      %cond3A_631 = arith.constant 0 : i32
      %cond3A_632 = arith.cmpi ne, %convert_element_type3A_630, %cond3A_631 : i32
      scf.if %cond3A_632 {
        %add3A_633 = arith.constant 3 : i32
        %add3A_634 = arith.addi %add3A_271, %add3A_633 : i32
        %add3A_635 = arith.constant 3 : i32
        %add3A_636 = arith.addi %add3A_634, %add3A_635 : i32
        %ge3A = arith.constant 4 : i32
        %ge3A_637 = arith.cmpi sge, %add3A_636, %ge3A : i32
        %convert_element_type3A_638 = arith.extui %ge3A_637 : i1 to i32
        %cond3A_639 = arith.constant 0 : i32
        %cond3A_640 = arith.cmpi ne, %convert_element_type3A_638, %cond3A_639 : i32
        scf.if %cond3A_640 {
          %add3A_688 = arith.constant 3 : i32
          %add3A_689 = arith.addi %add3A_271, %add3A_688 : i32
          %add3A_690 = arith.constant 3 : i32
          %add3A_691 = arith.addi %add3A_689, %add3A_690 : i32
          %sub3A = arith.constant 4 : i32
          %sub3A_692 = arith.subi %add3A_691, %sub3A : i32
          %mul3A_693 = arith.constant 2 : i32
          %mul3A_694 = arith.muli %sub3A_692, %mul3A_693 : i32
          %add3A_695 = arith.addi %mul3A_2, %mul3A_694 : i32
          %add3A_696 = arith.constant 0 : i32
          %add3A_697 = arith.addi %add3A_695, %add3A_696 : i32
          %dma_wait3A_698 = arith.constant 0 : i32
          %dma_wait3A_699 = arith.constant 0 : i32
          %dma_wait3A_700 = tpu.memref_slice %arg12[%dma_wait3A_698, %dma_wait3A_699] : memref<400x64xf32, #tpu.memory_space<vmem>> -> memref<200x64xf32, #tpu.memory_space<vmem>>
          %dma_wait3A_701 = arith.constant 0 : i32
          %dma_wait3A_702 = arith.constant 0 : i32
          %dma_wait3A_703 = tpu.memref_slice %arg5[%add3A_697, %dma_wait3A_701, %dma_wait3A_702] : memref<4096x200x64xf32, #tpu.memory_space<hbm>> -> memref<1x200x64xf32, #tpu.memory_space<hbm>>
          %dma_wait3A_704 = tpu.memref_squeeze %dma_wait3A_703 : memref<1x200x64xf32, #tpu.memory_space<hbm>> -> memref<200x64xf32, #tpu.memory_space<hbm>>
          %dma_wait3A_705 = arith.constant 0 : i32
          %dma_wait3A_706 = arith.constant 0 : i32
          %dma_wait3A_707 = tpu.memref_slice %arg5[%add3A_697, %dma_wait3A_705, %dma_wait3A_706] : memref<4096x200x64xf32, #tpu.memory_space<hbm>> -> memref<1x200x64xf32, #tpu.memory_space<hbm>>
          %dma_wait3A_708 = tpu.memref_squeeze %dma_wait3A_707 : memref<1x200x64xf32, #tpu.memory_space<hbm>> -> memref<200x64xf32, #tpu.memory_space<hbm>>
          %dma_wait3A_709 = arith.constant 0 : i32
          %dma_wait3A_710 = arith.constant 0 : i32
          %dma_wait3A_711 = tpu.memref_slice %arg12[%dma_wait3A_709, %dma_wait3A_710] : memref<400x64xf32, #tpu.memory_space<vmem>> -> memref<200x64xf32, #tpu.memory_space<vmem>>
          tpu.wait_dma2 semaphore(%arg21 : memref<!tpu.dma_semaphore, #tpu.memory_space<semaphore_mem>>) src(%dma_wait3A_711 : memref<200x64xf32, #tpu.memory_space<vmem>>) dst(%dma_wait3A_708 : memref<200x64xf32, #tpu.memory_space<hbm>>)
          %add3A_712 = arith.constant 1 : i32
          %add3A_713 = arith.addi %add3A_695, %add3A_712 : i32
          %dma_wait3A_714 = arith.constant 200 : i32
          %dma_wait3A_715 = arith.constant 0 : i32
          %dma_wait3A_716 = tpu.memref_slice %arg12[%dma_wait3A_714, %dma_wait3A_715] : memref<400x64xf32, #tpu.memory_space<vmem>> -> memref<200x64xf32, #tpu.memory_space<vmem>>
          %dma_wait3A_717 = arith.constant 0 : i32
          %dma_wait3A_718 = arith.constant 0 : i32
          %dma_wait3A_719 = tpu.memref_slice %arg5[%add3A_713, %dma_wait3A_717, %dma_wait3A_718] : memref<4096x200x64xf32, #tpu.memory_space<hbm>> -> memref<1x200x64xf32, #tpu.memory_space<hbm>>
          %dma_wait3A_720 = tpu.memref_squeeze %dma_wait3A_719 : memref<1x200x64xf32, #tpu.memory_space<hbm>> -> memref<200x64xf32, #tpu.memory_space<hbm>>
          %dma_wait3A_721 = arith.constant 0 : i32
          %dma_wait3A_722 = arith.constant 0 : i32
          %dma_wait3A_723 = tpu.memref_slice %arg5[%add3A_713, %dma_wait3A_721, %dma_wait3A_722] : memref<4096x200x64xf32, #tpu.memory_space<hbm>> -> memref<1x200x64xf32, #tpu.memory_space<hbm>>
          %dma_wait3A_724 = tpu.memref_squeeze %dma_wait3A_723 : memref<1x200x64xf32, #tpu.memory_space<hbm>> -> memref<200x64xf32, #tpu.memory_space<hbm>>
          %dma_wait3A_725 = arith.constant 200 : i32
          %dma_wait3A_726 = arith.constant 0 : i32
          %dma_wait3A_727 = tpu.memref_slice %arg12[%dma_wait3A_725, %dma_wait3A_726] : memref<400x64xf32, #tpu.memory_space<vmem>> -> memref<200x64xf32, #tpu.memory_space<vmem>>
          tpu.wait_dma2 semaphore(%arg21 : memref<!tpu.dma_semaphore, #tpu.memory_space<semaphore_mem>>) src(%dma_wait3A_727 : memref<200x64xf32, #tpu.memory_space<vmem>>) dst(%dma_wait3A_724 : memref<200x64xf32, #tpu.memory_space<hbm>>)
        } else {
        }
        %add3A_641 = arith.constant 3 : i32
        %add3A_642 = arith.addi %add3A_271, %add3A_641 : i32
        %add3A_643 = arith.constant 3 : i32
        %add3A_644 = arith.addi %add3A_642, %add3A_643 : i32
        %mul3A_645 = arith.constant 2 : i32
        %mul3A_646 = arith.muli %add3A_644, %mul3A_645 : i32
        %add3A_647 = arith.addi %mul3A_2, %mul3A_646 : i32
        "tpu.region"() ({
          %run_scoped3A = tpu.sem_alloc : memref<!tpu.dma_semaphore, #tpu.memory_space<semaphore_mem>>
          %dma_start3A_688 = arith.constant 0 : i32
          %dma_start3A_689 = tpu.memref_slice %arg2[%add3A_647, %dma_start3A_688] : memref<4096x200xi32, #tpu.memory_space<hbm>> -> memref<2x200xi32, #tpu.memory_space<hbm>>
          %dma_start3A_690 = arith.constant 0 : i32
          %dma_start3A_691 = tpu.memref_slice %arg2[%add3A_647, %dma_start3A_690] : memref<4096x200xi32, #tpu.memory_space<hbm>> -> memref<2x200xi32, #tpu.memory_space<hbm>>
          tpu.enqueue_dma source(%dma_start3A_691 : memref<2x200xi32, #tpu.memory_space<hbm>>) target(%arg8 : memref<2x200xi32, #tpu.memory_space<vmem>>) target_semaphore(%run_scoped3A : memref<!tpu.dma_semaphore, #tpu.memory_space<semaphore_mem>>)
          %dma_wait3A_692 = arith.constant 0 : i32
          %dma_wait3A_693 = tpu.memref_slice %arg2[%add3A_647, %dma_wait3A_692] : memref<4096x200xi32, #tpu.memory_space<hbm>> -> memref<2x200xi32, #tpu.memory_space<hbm>>
          %dma_wait3A_694 = arith.constant 0 : i32
          %dma_wait3A_695 = tpu.memref_slice %arg2[%add3A_647, %dma_wait3A_694] : memref<4096x200xi32, #tpu.memory_space<hbm>> -> memref<2x200xi32, #tpu.memory_space<hbm>>
          tpu.wait_dma2 semaphore(%run_scoped3A : memref<!tpu.dma_semaphore, #tpu.memory_space<semaphore_mem>>) src(%dma_wait3A_695 : memref<2x200xi32, #tpu.memory_space<hbm>>) dst(%arg8 : memref<2x200xi32, #tpu.memory_space<vmem>>)
          tpu.yield
        }) : () -> ()
        %dma_start3A_648 = arith.constant 0 : i32
        %dma_start3A_649 = arith.constant 0 : i32
        %dma_start3A_650 = arith.constant 0 : i32
        %dma_start3A_651 = tpu.memref_slice %arg12[%dma_start3A_649, %dma_start3A_650] : memref<400x64xf32, #tpu.memory_space<vmem>> -> memref<128x64xf32, #tpu.memory_space<vmem>>
        %dma_start3A_652 = arith.constant 0 : i32
        %dma_start3A_653 = tpu.memref_slice %arg8[%dma_start3A_648, %dma_start3A_652] : memref<2x200xi32, #tpu.memory_space<vmem>> -> memref<1x128xi32, #tpu.memory_space<vmem>>
        %dma_start3A_654 = tpu.memref_squeeze %dma_start3A_653 : memref<1x128xi32, #tpu.memory_space<vmem>> -> memref<128xi32, #tpu.memory_space<vmem>>
        %dma_start3A_655 = arith.constant 0 : i32
        %dma_start3A_656 = arith.constant 0 : i32
        %dma_start3A_657 = tpu.memref_slice %arg3[%dma_start3A_655, %dma_start3A_656] : memref<1000000x64xf32, #tpu.memory_space<hbm>> -> memref<1000000x64xf32, #tpu.memory_space<hbm>>
        tpu.enqueue_indirect_dma source(%dma_start3A_657 : memref<1000000x64xf32, #tpu.memory_space<hbm>>) target(%dma_start3A_651 : memref<128x64xf32, #tpu.memory_space<vmem>>) offsets(%dma_start3A_654 : memref<128xi32, #tpu.memory_space<vmem>>) semaphore(%arg17 : memref<!tpu.dma_semaphore, #tpu.memory_space<semaphore_mem>>)
        %dma_start3A_658 = arith.constant 0 : i32
        %dma_start3A_659 = arith.constant 128 : i32
        %dma_start3A_660 = arith.constant 0 : i32
        %dma_start3A_661 = tpu.memref_slice %arg12[%dma_start3A_659, %dma_start3A_660] : memref<400x64xf32, #tpu.memory_space<vmem>> -> memref<72x64xf32, #tpu.memory_space<vmem>>
        %dma_start3A_662 = arith.constant 128 : i32
        %dma_start3A_663 = tpu.memref_slice %arg8[%dma_start3A_658, %dma_start3A_662] : memref<2x200xi32, #tpu.memory_space<vmem>> -> memref<1x72xi32, #tpu.memory_space<vmem>>
        %dma_start3A_664 = tpu.memref_squeeze %dma_start3A_663 : memref<1x72xi32, #tpu.memory_space<vmem>> -> memref<72xi32, #tpu.memory_space<vmem>>
        %dma_start3A_665 = arith.constant 0 : i32
        %dma_start3A_666 = arith.constant 0 : i32
        %dma_start3A_667 = tpu.memref_slice %arg3[%dma_start3A_665, %dma_start3A_666] : memref<1000000x64xf32, #tpu.memory_space<hbm>> -> memref<1000000x64xf32, #tpu.memory_space<hbm>>
        tpu.enqueue_indirect_dma source(%dma_start3A_667 : memref<1000000x64xf32, #tpu.memory_space<hbm>>) target(%dma_start3A_661 : memref<72x64xf32, #tpu.memory_space<vmem>>) offsets(%dma_start3A_664 : memref<72xi32, #tpu.memory_space<vmem>>) semaphore(%arg17 : memref<!tpu.dma_semaphore, #tpu.memory_space<semaphore_mem>>)
        %dma_start3A_668 = arith.constant 1 : i32
        %dma_start3A_669 = arith.constant 200 : i32
        %dma_start3A_670 = arith.constant 0 : i32
        %dma_start3A_671 = tpu.memref_slice %arg12[%dma_start3A_669, %dma_start3A_670] : memref<400x64xf32, #tpu.memory_space<vmem>> -> memref<128x64xf32, #tpu.memory_space<vmem>>
        %dma_start3A_672 = arith.constant 0 : i32
        %dma_start3A_673 = tpu.memref_slice %arg8[%dma_start3A_668, %dma_start3A_672] : memref<2x200xi32, #tpu.memory_space<vmem>> -> memref<1x128xi32, #tpu.memory_space<vmem>>
        %dma_start3A_674 = tpu.memref_squeeze %dma_start3A_673 : memref<1x128xi32, #tpu.memory_space<vmem>> -> memref<128xi32, #tpu.memory_space<vmem>>
        %dma_start3A_675 = arith.constant 0 : i32
        %dma_start3A_676 = arith.constant 0 : i32
        %dma_start3A_677 = tpu.memref_slice %arg3[%dma_start3A_675, %dma_start3A_676] : memref<1000000x64xf32, #tpu.memory_space<hbm>> -> memref<1000000x64xf32, #tpu.memory_space<hbm>>
        tpu.enqueue_indirect_dma source(%dma_start3A_677 : memref<1000000x64xf32, #tpu.memory_space<hbm>>) target(%dma_start3A_671 : memref<128x64xf32, #tpu.memory_space<vmem>>) offsets(%dma_start3A_674 : memref<128xi32, #tpu.memory_space<vmem>>) semaphore(%arg17 : memref<!tpu.dma_semaphore, #tpu.memory_space<semaphore_mem>>)
        %dma_start3A_678 = arith.constant 1 : i32
        %dma_start3A_679 = arith.constant 328 : i32
        %dma_start3A_680 = arith.constant 0 : i32
        %dma_start3A_681 = tpu.memref_slice %arg12[%dma_start3A_679, %dma_start3A_680] : memref<400x64xf32, #tpu.memory_space<vmem>> -> memref<72x64xf32, #tpu.memory_space<vmem>>
        %dma_start3A_682 = arith.constant 128 : i32
        %dma_start3A_683 = tpu.memref_slice %arg8[%dma_start3A_678, %dma_start3A_682] : memref<2x200xi32, #tpu.memory_space<vmem>> -> memref<1x72xi32, #tpu.memory_space<vmem>>
        %dma_start3A_684 = tpu.memref_squeeze %dma_start3A_683 : memref<1x72xi32, #tpu.memory_space<vmem>> -> memref<72xi32, #tpu.memory_space<vmem>>
        %dma_start3A_685 = arith.constant 0 : i32
        %dma_start3A_686 = arith.constant 0 : i32
        %dma_start3A_687 = tpu.memref_slice %arg3[%dma_start3A_685, %dma_start3A_686] : memref<1000000x64xf32, #tpu.memory_space<hbm>> -> memref<1000000x64xf32, #tpu.memory_space<hbm>>
        tpu.enqueue_indirect_dma source(%dma_start3A_687 : memref<1000000x64xf32, #tpu.memory_space<hbm>>) target(%dma_start3A_681 : memref<72x64xf32, #tpu.memory_space<vmem>>) offsets(%dma_start3A_684 : memref<72xi32, #tpu.memory_space<vmem>>) semaphore(%arg17 : memref<!tpu.dma_semaphore, #tpu.memory_space<semaphore_mem>>)
      } else {
      }
    }
    %scan3A_131 = arith.constant 16 : i32
    %add3A_132 = arith.constant 120 : i32
    %add3A_133 = arith.addi %mul3A_2, %add3A_132 : i32
    %add3A_134 = arith.constant 0 : i32
    %add3A_135 = arith.addi %add3A_133, %add3A_134 : i32
    %dma_wait3A = arith.constant 0 : i32
    %dma_wait3A_136 = arith.constant 0 : i32
    %dma_wait3A_137 = tpu.memref_slice %arg10[%dma_wait3A, %dma_wait3A_136] : memref<400x64xf32, #tpu.memory_space<vmem>> -> memref<200x64xf32, #tpu.memory_space<vmem>>
    %dma_wait3A_138 = arith.constant 0 : i32
    %dma_wait3A_139 = arith.constant 0 : i32
    %dma_wait3A_140 = tpu.memref_slice %arg5[%add3A_135, %dma_wait3A_138, %dma_wait3A_139] : memref<4096x200x64xf32, #tpu.memory_space<hbm>> -> memref<1x200x64xf32, #tpu.memory_space<hbm>>
    %dma_wait3A_141 = tpu.memref_squeeze %dma_wait3A_140 : memref<1x200x64xf32, #tpu.memory_space<hbm>> -> memref<200x64xf32, #tpu.memory_space<hbm>>
    %dma_wait3A_142 = arith.constant 0 : i32
    %dma_wait3A_143 = arith.constant 0 : i32
    %dma_wait3A_144 = tpu.memref_slice %arg5[%add3A_135, %dma_wait3A_142, %dma_wait3A_143] : memref<4096x200x64xf32, #tpu.memory_space<hbm>> -> memref<1x200x64xf32, #tpu.memory_space<hbm>>
    %dma_wait3A_145 = tpu.memref_squeeze %dma_wait3A_144 : memref<1x200x64xf32, #tpu.memory_space<hbm>> -> memref<200x64xf32, #tpu.memory_space<hbm>>
    %dma_wait3A_146 = arith.constant 0 : i32
    %dma_wait3A_147 = arith.constant 0 : i32
    %dma_wait3A_148 = tpu.memref_slice %arg10[%dma_wait3A_146, %dma_wait3A_147] : memref<400x64xf32, #tpu.memory_space<vmem>> -> memref<200x64xf32, #tpu.memory_space<vmem>>
    tpu.wait_dma2 semaphore(%arg19 : memref<!tpu.dma_semaphore, #tpu.memory_space<semaphore_mem>>) src(%dma_wait3A_148 : memref<200x64xf32, #tpu.memory_space<vmem>>) dst(%dma_wait3A_145 : memref<200x64xf32, #tpu.memory_space<hbm>>)
    %add3A_149 = arith.constant 1 : i32
    %add3A_150 = arith.addi %add3A_133, %add3A_149 : i32
    %dma_wait3A_151 = arith.constant 200 : i32
    %dma_wait3A_152 = arith.constant 0 : i32
    %dma_wait3A_153 = tpu.memref_slice %arg10[%dma_wait3A_151, %dma_wait3A_152] : memref<400x64xf32, #tpu.memory_space<vmem>> -> memref<200x64xf32, #tpu.memory_space<vmem>>
    %dma_wait3A_154 = arith.constant 0 : i32
    %dma_wait3A_155 = arith.constant 0 : i32
    %dma_wait3A_156 = tpu.memref_slice %arg5[%add3A_150, %dma_wait3A_154, %dma_wait3A_155] : memref<4096x200x64xf32, #tpu.memory_space<hbm>> -> memref<1x200x64xf32, #tpu.memory_space<hbm>>
    %dma_wait3A_157 = tpu.memref_squeeze %dma_wait3A_156 : memref<1x200x64xf32, #tpu.memory_space<hbm>> -> memref<200x64xf32, #tpu.memory_space<hbm>>
    %dma_wait3A_158 = arith.constant 0 : i32
    %dma_wait3A_159 = arith.constant 0 : i32
    %dma_wait3A_160 = tpu.memref_slice %arg5[%add3A_150, %dma_wait3A_158, %dma_wait3A_159] : memref<4096x200x64xf32, #tpu.memory_space<hbm>> -> memref<1x200x64xf32, #tpu.memory_space<hbm>>
    %dma_wait3A_161 = tpu.memref_squeeze %dma_wait3A_160 : memref<1x200x64xf32, #tpu.memory_space<hbm>> -> memref<200x64xf32, #tpu.memory_space<hbm>>
    %dma_wait3A_162 = arith.constant 200 : i32
    %dma_wait3A_163 = arith.constant 0 : i32
    %dma_wait3A_164 = tpu.memref_slice %arg10[%dma_wait3A_162, %dma_wait3A_163] : memref<400x64xf32, #tpu.memory_space<vmem>> -> memref<200x64xf32, #tpu.memory_space<vmem>>
    tpu.wait_dma2 semaphore(%arg19 : memref<!tpu.dma_semaphore, #tpu.memory_space<semaphore_mem>>) src(%dma_wait3A_164 : memref<200x64xf32, #tpu.memory_space<vmem>>) dst(%dma_wait3A_161 : memref<200x64xf32, #tpu.memory_space<hbm>>)
    %add3A_165 = arith.constant 122 : i32
    %add3A_166 = arith.addi %mul3A_2, %add3A_165 : i32
    %add3A_167 = arith.constant 0 : i32
    %add3A_168 = arith.addi %add3A_166, %add3A_167 : i32
    %dma_wait3A_169 = arith.constant 0 : i32
    %dma_wait3A_170 = arith.constant 0 : i32
    %dma_wait3A_171 = tpu.memref_slice %arg11[%dma_wait3A_169, %dma_wait3A_170] : memref<400x64xf32, #tpu.memory_space<vmem>> -> memref<200x64xf32, #tpu.memory_space<vmem>>
    %dma_wait3A_172 = arith.constant 0 : i32
    %dma_wait3A_173 = arith.constant 0 : i32
    %dma_wait3A_174 = tpu.memref_slice %arg5[%add3A_168, %dma_wait3A_172, %dma_wait3A_173] : memref<4096x200x64xf32, #tpu.memory_space<hbm>> -> memref<1x200x64xf32, #tpu.memory_space<hbm>>
    %dma_wait3A_175 = tpu.memref_squeeze %dma_wait3A_174 : memref<1x200x64xf32, #tpu.memory_space<hbm>> -> memref<200x64xf32, #tpu.memory_space<hbm>>
    %dma_wait3A_176 = arith.constant 0 : i32
    %dma_wait3A_177 = arith.constant 0 : i32
    %dma_wait3A_178 = tpu.memref_slice %arg5[%add3A_168, %dma_wait3A_176, %dma_wait3A_177] : memref<4096x200x64xf32, #tpu.memory_space<hbm>> -> memref<1x200x64xf32, #tpu.memory_space<hbm>>
    %dma_wait3A_179 = tpu.memref_squeeze %dma_wait3A_178 : memref<1x200x64xf32, #tpu.memory_space<hbm>> -> memref<200x64xf32, #tpu.memory_space<hbm>>
    %dma_wait3A_180 = arith.constant 0 : i32
    %dma_wait3A_181 = arith.constant 0 : i32
    %dma_wait3A_182 = tpu.memref_slice %arg11[%dma_wait3A_180, %dma_wait3A_181] : memref<400x64xf32, #tpu.memory_space<vmem>> -> memref<200x64xf32, #tpu.memory_space<vmem>>
    tpu.wait_dma2 semaphore(%arg20 : memref<!tpu.dma_semaphore, #tpu.memory_space<semaphore_mem>>) src(%dma_wait3A_182 : memref<200x64xf32, #tpu.memory_space<vmem>>) dst(%dma_wait3A_179 : memref<200x64xf32, #tpu.memory_space<hbm>>)
    %add3A_183 = arith.constant 1 : i32
    %add3A_184 = arith.addi %add3A_166, %add3A_183 : i32
    %dma_wait3A_185 = arith.constant 200 : i32
    %dma_wait3A_186 = arith.constant 0 : i32
    %dma_wait3A_187 = tpu.memref_slice %arg11[%dma_wait3A_185, %dma_wait3A_186] : memref<400x64xf32, #tpu.memory_space<vmem>> -> memref<200x64xf32, #tpu.memory_space<vmem>>
    %dma_wait3A_188 = arith.constant 0 : i32
    %dma_wait3A_189 = arith.constant 0 : i32
    %dma_wait3A_190 = tpu.memref_slice %arg5[%add3A_184, %dma_wait3A_188, %dma_wait3A_189] : memref<4096x200x64xf32, #tpu.memory_space<hbm>> -> memref<1x200x64xf32, #tpu.memory_space<hbm>>
    %dma_wait3A_191 = tpu.memref_squeeze %dma_wait3A_190 : memref<1x200x64xf32, #tpu.memory_space<hbm>> -> memref<200x64xf32, #tpu.memory_space<hbm>>
    %dma_wait3A_192 = arith.constant 0 : i32
    %dma_wait3A_193 = arith.constant 0 : i32
    %dma_wait3A_194 = tpu.memref_slice %arg5[%add3A_184, %dma_wait3A_192, %dma_wait3A_193] : memref<4096x200x64xf32, #tpu.memory_space<hbm>> -> memref<1x200x64xf32, #tpu.memory_space<hbm>>
    %dma_wait3A_195 = tpu.memref_squeeze %dma_wait3A_194 : memref<1x200x64xf32, #tpu.memory_space<hbm>> -> memref<200x64xf32, #tpu.memory_space<hbm>>
    %dma_wait3A_196 = arith.constant 200 : i32
    %dma_wait3A_197 = arith.constant 0 : i32
    %dma_wait3A_198 = tpu.memref_slice %arg11[%dma_wait3A_196, %dma_wait3A_197] : memref<400x64xf32, #tpu.memory_space<vmem>> -> memref<200x64xf32, #tpu.memory_space<vmem>>
    tpu.wait_dma2 semaphore(%arg20 : memref<!tpu.dma_semaphore, #tpu.memory_space<semaphore_mem>>) src(%dma_wait3A_198 : memref<200x64xf32, #tpu.memory_space<vmem>>) dst(%dma_wait3A_195 : memref<200x64xf32, #tpu.memory_space<hbm>>)
    %add3A_199 = arith.constant 124 : i32
    %add3A_200 = arith.addi %mul3A_2, %add3A_199 : i32
    %add3A_201 = arith.constant 0 : i32
    %add3A_202 = arith.addi %add3A_200, %add3A_201 : i32
    %dma_wait3A_203 = arith.constant 0 : i32
    %dma_wait3A_204 = arith.constant 0 : i32
    %dma_wait3A_205 = tpu.memref_slice %arg12[%dma_wait3A_203, %dma_wait3A_204] : memref<400x64xf32, #tpu.memory_space<vmem>> -> memref<200x64xf32, #tpu.memory_space<vmem>>
    %dma_wait3A_206 = arith.constant 0 : i32
    %dma_wait3A_207 = arith.constant 0 : i32
    %dma_wait3A_208 = tpu.memref_slice %arg5[%add3A_202, %dma_wait3A_206, %dma_wait3A_207] : memref<4096x200x64xf32, #tpu.memory_space<hbm>> -> memref<1x200x64xf32, #tpu.memory_space<hbm>>
    %dma_wait3A_209 = tpu.memref_squeeze %dma_wait3A_208 : memref<1x200x64xf32, #tpu.memory_space<hbm>> -> memref<200x64xf32, #tpu.memory_space<hbm>>
    %dma_wait3A_210 = arith.constant 0 : i32
    %dma_wait3A_211 = arith.constant 0 : i32
    %dma_wait3A_212 = tpu.memref_slice %arg5[%add3A_202, %dma_wait3A_210, %dma_wait3A_211] : memref<4096x200x64xf32, #tpu.memory_space<hbm>> -> memref<1x200x64xf32, #tpu.memory_space<hbm>>
    %dma_wait3A_213 = tpu.memref_squeeze %dma_wait3A_212 : memref<1x200x64xf32, #tpu.memory_space<hbm>> -> memref<200x64xf32, #tpu.memory_space<hbm>>
    %dma_wait3A_214 = arith.constant 0 : i32
    %dma_wait3A_215 = arith.constant 0 : i32
    %dma_wait3A_216 = tpu.memref_slice %arg12[%dma_wait3A_214, %dma_wait3A_215] : memref<400x64xf32, #tpu.memory_space<vmem>> -> memref<200x64xf32, #tpu.memory_space<vmem>>
    tpu.wait_dma2 semaphore(%arg21 : memref<!tpu.dma_semaphore, #tpu.memory_space<semaphore_mem>>) src(%dma_wait3A_216 : memref<200x64xf32, #tpu.memory_space<vmem>>) dst(%dma_wait3A_213 : memref<200x64xf32, #tpu.memory_space<hbm>>)
    %add3A_217 = arith.constant 1 : i32
    %add3A_218 = arith.addi %add3A_200, %add3A_217 : i32
    %dma_wait3A_219 = arith.constant 200 : i32
    %dma_wait3A_220 = arith.constant 0 : i32
    %dma_wait3A_221 = tpu.memref_slice %arg12[%dma_wait3A_219, %dma_wait3A_220] : memref<400x64xf32, #tpu.memory_space<vmem>> -> memref<200x64xf32, #tpu.memory_space<vmem>>
    %dma_wait3A_222 = arith.constant 0 : i32
    %dma_wait3A_223 = arith.constant 0 : i32
    %dma_wait3A_224 = tpu.memref_slice %arg5[%add3A_218, %dma_wait3A_222, %dma_wait3A_223] : memref<4096x200x64xf32, #tpu.memory_space<hbm>> -> memref<1x200x64xf32, #tpu.memory_space<hbm>>
    %dma_wait3A_225 = tpu.memref_squeeze %dma_wait3A_224 : memref<1x200x64xf32, #tpu.memory_space<hbm>> -> memref<200x64xf32, #tpu.memory_space<hbm>>
    %dma_wait3A_226 = arith.constant 0 : i32
    %dma_wait3A_227 = arith.constant 0 : i32
    %dma_wait3A_228 = tpu.memref_slice %arg5[%add3A_218, %dma_wait3A_226, %dma_wait3A_227] : memref<4096x200x64xf32, #tpu.memory_space<hbm>> -> memref<1x200x64xf32, #tpu.memory_space<hbm>>
    %dma_wait3A_229 = tpu.memref_squeeze %dma_wait3A_228 : memref<1x200x64xf32, #tpu.memory_space<hbm>> -> memref<200x64xf32, #tpu.memory_space<hbm>>
    %dma_wait3A_230 = arith.constant 200 : i32
    %dma_wait3A_231 = arith.constant 0 : i32
    %dma_wait3A_232 = tpu.memref_slice %arg12[%dma_wait3A_230, %dma_wait3A_231] : memref<400x64xf32, #tpu.memory_space<vmem>> -> memref<200x64xf32, #tpu.memory_space<vmem>>
    tpu.wait_dma2 semaphore(%arg21 : memref<!tpu.dma_semaphore, #tpu.memory_space<semaphore_mem>>) src(%dma_wait3A_232 : memref<200x64xf32, #tpu.memory_space<vmem>>) dst(%dma_wait3A_229 : memref<200x64xf32, #tpu.memory_space<hbm>>)
    %add3A_233 = arith.constant 126 : i32
    %add3A_234 = arith.addi %mul3A_2, %add3A_233 : i32
    %add3A_235 = arith.constant 0 : i32
    %add3A_236 = arith.addi %add3A_234, %add3A_235 : i32
    %dma_wait3A_237 = arith.constant 0 : i32
    %dma_wait3A_238 = arith.constant 0 : i32
    %dma_wait3A_239 = tpu.memref_slice %arg13[%dma_wait3A_237, %dma_wait3A_238] : memref<400x64xf32, #tpu.memory_space<vmem>> -> memref<200x64xf32, #tpu.memory_space<vmem>>
    %dma_wait3A_240 = arith.constant 0 : i32
    %dma_wait3A_241 = arith.constant 0 : i32
    %dma_wait3A_242 = tpu.memref_slice %arg5[%add3A_236, %dma_wait3A_240, %dma_wait3A_241] : memref<4096x200x64xf32, #tpu.memory_space<hbm>> -> memref<1x200x64xf32, #tpu.memory_space<hbm>>
    %dma_wait3A_243 = tpu.memref_squeeze %dma_wait3A_242 : memref<1x200x64xf32, #tpu.memory_space<hbm>> -> memref<200x64xf32, #tpu.memory_space<hbm>>
    %dma_wait3A_244 = arith.constant 0 : i32
    %dma_wait3A_245 = arith.constant 0 : i32
    %dma_wait3A_246 = tpu.memref_slice %arg5[%add3A_236, %dma_wait3A_244, %dma_wait3A_245] : memref<4096x200x64xf32, #tpu.memory_space<hbm>> -> memref<1x200x64xf32, #tpu.memory_space<hbm>>
    %dma_wait3A_247 = tpu.memref_squeeze %dma_wait3A_246 : memref<1x200x64xf32, #tpu.memory_space<hbm>> -> memref<200x64xf32, #tpu.memory_space<hbm>>
    %dma_wait3A_248 = arith.constant 0 : i32
    %dma_wait3A_249 = arith.constant 0 : i32
    %dma_wait3A_250 = tpu.memref_slice %arg13[%dma_wait3A_248, %dma_wait3A_249] : memref<400x64xf32, #tpu.memory_space<vmem>> -> memref<200x64xf32, #tpu.memory_space<vmem>>
    tpu.wait_dma2 semaphore(%arg22 : memref<!tpu.dma_semaphore, #tpu.memory_space<semaphore_mem>>) src(%dma_wait3A_250 : memref<200x64xf32, #tpu.memory_space<vmem>>) dst(%dma_wait3A_247 : memref<200x64xf32, #tpu.memory_space<hbm>>)
    %add3A_251 = arith.constant 1 : i32
    %add3A_252 = arith.addi %add3A_234, %add3A_251 : i32
    %dma_wait3A_253 = arith.constant 200 : i32
    %dma_wait3A_254 = arith.constant 0 : i32
    %dma_wait3A_255 = tpu.memref_slice %arg13[%dma_wait3A_253, %dma_wait3A_254] : memref<400x64xf32, #tpu.memory_space<vmem>> -> memref<200x64xf32, #tpu.memory_space<vmem>>
    %dma_wait3A_256 = arith.constant 0 : i32
    %dma_wait3A_257 = arith.constant 0 : i32
    %dma_wait3A_258 = tpu.memref_slice %arg5[%add3A_252, %dma_wait3A_256, %dma_wait3A_257] : memref<4096x200x64xf32, #tpu.memory_space<hbm>> -> memref<1x200x64xf32, #tpu.memory_space<hbm>>
    %dma_wait3A_259 = tpu.memref_squeeze %dma_wait3A_258 : memref<1x200x64xf32, #tpu.memory_space<hbm>> -> memref<200x64xf32, #tpu.memory_space<hbm>>
    %dma_wait3A_260 = arith.constant 0 : i32
    %dma_wait3A_261 = arith.constant 0 : i32
    %dma_wait3A_262 = tpu.memref_slice %arg5[%add3A_252, %dma_wait3A_260, %dma_wait3A_261] : memref<4096x200x64xf32, #tpu.memory_space<hbm>> -> memref<1x200x64xf32, #tpu.memory_space<hbm>>
    %dma_wait3A_263 = tpu.memref_squeeze %dma_wait3A_262 : memref<1x200x64xf32, #tpu.memory_space<hbm>> -> memref<200x64xf32, #tpu.memory_space<hbm>>
    %dma_wait3A_264 = arith.constant 200 : i32
    %dma_wait3A_265 = arith.constant 0 : i32
    %dma_wait3A_266 = tpu.memref_slice %arg13[%dma_wait3A_264, %dma_wait3A_265] : memref<400x64xf32, #tpu.memory_space<vmem>> -> memref<200x64xf32, #tpu.memory_space<vmem>>
    tpu.wait_dma2 semaphore(%arg22 : memref<!tpu.dma_semaphore, #tpu.memory_space<semaphore_mem>>) src(%dma_wait3A_266 : memref<200x64xf32, #tpu.memory_space<vmem>>) dst(%dma_wait3A_263 : memref<200x64xf32, #tpu.memory_space<hbm>>)
    return
  }
}

</mosaic_0001>

<sc_bundles>
// kernel: _run.3.cloned.1.call-start
scs
__scs_entry_jumppad:
0x0: {  	(pc) =	sbr.rel $0x88, $3  }
0x1: {  	(tag) =	ssettag $0x0;
	lr =	simm.s32 $0x1  }
0x2: {  	[smem:$0x3F9E] =	sst lr;
	_ =	strace $0xD0000000  }
0x3: {  	_ = 	snop  }
0x4: {  	_ = 	snop  }
0x5: {  	_ = 	snop  }
0x6: {  	_ = 	snop  }
0x7: {  	_ = 	snop  }
__scs_overlays_trampoline_lowered:
0x8: {  	[smem:$0x3FAD] =	sst s0  }
0x9: {  	[smem:$0x3FAE] =	sst s1  }
0xa: {  	[smem:$0x3FAF] =	sst s2  }
0xb: {  	[smem:$0x3FB0] =	sst s3  }
0xc: {  	[smem:$0x3FB1] =	sst s4  }
0xd: {  	[smem:$0x3FB2] =	sst s5  }
0xe: {  	[smem:$0x3FB3] =	sst s6  }
0xf: {  	[smem:$0x3FB4] =	sst s7  }
0x10: {  	[smem:$0x3FB5] =	sst s8  }
0x11: {  	[smem:$0x3FB6] =	sst s9;
	s0 =	simm.s32 @!p0 $0x0  }
0x12: {  	s1 =	sld [smem:$0x3F9C];
	s0 =	simm.s32 @p0 $0x1  }
0x13: {  	[smem:$0x3FB7] =	sst s0;
	s0 =	simm.s32 @!p1 $0x0  }
0x14: {  	s2 =	sld [smem:$0x3F9B];
	s0 =	simm.s32 @p1 $0x1  }
0x15: {  	[smem:$0x3FB8] =	sst s0;
	s0 =	simm.s32 @!p2 $0x0  }
0x16: {  	s3 =	sld [smem:$0x3FDB];
	s0 =	simm.s32 @p2 $0x1  }
0x17: {  	s4 =	simm.s32 $0x1BF5;
	[smem:$0x3FBA] =	sst s0  }
0x18: {  	s0 =	sld [smem:$0x3F9D];
	_ =	swait.ge [sflag:s4], $0x0  }
0x19: {  	s7 =	sld [smem:$0x3F9E]  }
0x1a: {  	s8 =	sadd.s32 $0xFFFFE003, lr  }
0x1b: {  	s9 =	sadd.s32 $0xFFFFFEF7, lr;
	s5 =	simm.s32 $0xFFFFFFFF;
	p2 =	slt.u32 s8, $0xFFFFF086  }
0x1c: {  	p1 =	slt.u32 s9, $0xF7A;
	s5 =	simm.s32 @!p2 $0x0  }
0x1d: {  	s5 =	simm.s32 @p1 $0x1;
	p0 =	seq.s32 s7, s2  }
0x1e: {  	s7 =	smul.u32 @!p0 $0xF7A, s2;
	p2 =	seq.s32 @!p0 s5, $0x0  }
0x1f: {  	s9 =	smul.u32 $0xF7A, s1;
	s8 =	simm.s32 @!p0 $0x1BF5;
	p2 =	por !p2, p0  }
0x20: {  	[sflag:s8] =	ssyncset.s32 @!p0 $0xFFFFF086;
	s6 =	sadd.s32 @!p0 s3, s7;
	s7 =	simm.s32 @!p0 $0x108  }
0x21: {  	s3 =	sadd.s32 s3, s9;
	s6 =	sadd.s32 @!p0 $0x88, s6;
	s7 =	simm.s32 @p2 $0x1082  }
0x22: {  	[simem:s7], [sflag:s8] =	dma.local @!p0 [hbm:s6], $0xF7A  }
0x23: {  	s9 =	sor.u32 $0xD0000000, s2;
	s6 =	simm.s32 $0x108;
	_ =	swait.ge @!p0 [sflag:s8], $0x0  }
0x24: {  	s3 =	sadd.s32 $0x88, s3;
	s6 =	simm.s32 @!p1 $0x1082;
	[sflag:s4] =	ssyncset.s32 $0xFFFFF086  }
0x25: {  	[simem:s6], [sflag:s4] =	dma.local [hbm:s3], $0xF7A  }
0x26: {  	[smem:$0x3F9E] =	sst s1;
	(tag) =	ssettag s2;
	_ =	strace s9  }
0x27: {  	s1 =	sld [smem:$0x3FAE]  }
0x28: {  	s2 =	sld [smem:$0x3FAF]  }
0x29: {  	s4 =	sld [smem:$0x3FB1]  }
0x2a: {  	p0 =	seq.s32 s5, $0x0;
	s5 =	sld [smem:$0x3FB2]  }
0x2b: {  	s6 =	sld [smem:$0x3FB3]  }
0x2c: {  	s7 =	sld [smem:$0x3FB4]  }
0x2d: {  	s3 =	simm.s32 $0x108;
	s8 =	sld [smem:$0x3FB5]  }
0x2e: {  	s3 =	simm.s32 @!p0 $0x1082;
	s9 =	sld [smem:$0x3FB6]  }
0x2f: {  	lr =	sadd.s32 s0, s3;
	s0 =	sld [smem:$0x3FAD]  }
0x30: {  	s3 =	sld [smem:$0x3FB0]  }
0x31: {  	[smem:$0x3FB9] =	sst s10  }
0x32: {  	s10 =	sld [smem:$0x3FB7];
	_ =	sdelay $0x3  }
0x33: {  	p0 =	seq.s32 s10, $0x1;
	s10 =	sld [smem:$0x3FB9];
	_ =	sdelay $0x3  }
0x34: {  	[smem:$0x3FB9] =	sst s10  }
0x35: {  	s10 =	sld [smem:$0x3FB8];
	_ =	sdelay $0x3  }
0x36: {  	p1 =	seq.s32 s10, $0x1;
	s10 =	sld [smem:$0x3FB9];
	_ =	sdelay $0x3  }
0x37: {  	[smem:$0x3FB9] =	sst s10  }
0x38: {  	s10 =	sld [smem:$0x3FBA]  }
0x39: {  	_ = 	snop;
	(pc) =	sbr.ind lr, $3  }
0x3a: {  	_ = 	snop  }
0x3b: {  	_ = 	snop  }
0x3c: {  	p2 =	seq.s32 s10, $0x1;
	s10 =	sld [smem:$0x3FB9]  }
0x3d: {  	_ =	shalt  }
0x3e: {  	_ =	shalt  }
0x3f: {  	_ =	shalt  }
0x40: {  	_ =	shalt  }
0x41: {  	_ =	shalt  }
0x42: {  	_ =	shalt  }
0x43: {  	_ =	shalt  }
0x44: {  	_ =	shalt  }
0x45: {  	_ =	shalt  }
0x46: {  	_ =	shalt  }
0x47: {  	_ =	shalt  }
0x48: {  	_ =	shalt  }
0x49: {  	_ =	shalt  }
0x4a: {  	_ =	shalt  }
0x4b: {  	_ =	shalt  }
0x4c: {  	_ =	shalt  }
0x4d: {  	_ =	shalt  }
0x4e: {  	_ =	shalt  }
0x4f: {  	_ =	shalt  }
0x50: {  	_ =	shalt  }
0x51: {  	_ =	shalt  }
0x52: {  	_ =	shalt  }
0x53: {  	_ =	shalt  }
0x54: {  	_ =	shalt  }
0x55: {  	_ =	shalt  }
0x56: {  	_ =	shalt  }
0x57: {  	_ =	shalt  }
0x58: {  	_ =	shalt  }
0x59: {  	_ =	shalt  }
0x5a: {  	_ =	shalt  }
0x5b: {  	_ =	shalt  }
0x5c: {  	_ =	shalt  }
0x5d: {  	_ =	shalt  }
0x5e: {  	_ =	shalt  }
0x5f: {  	_ =	shalt  }
0x60: {  	_ =	shalt  }
0x61: {  	_ =	shalt  }
0x62: {  	_ =	shalt  }
0x63: {  	_ =	shalt  }
0x64: {  	_ =	shalt  }
0x65: {  	_ =	shalt  }
0x66: {  	_ =	shalt  }
0x67: {  	_ =	shalt  }
0x68: {  	_ =	shalt  }
0x69: {  	_ =	shalt  }
0x6a: {  	_ =	shalt  }
0x6b: {  	_ =	shalt  }
0x6c: {  	_ =	shalt  }
0x6d: {  	_ =	shalt  }
0x6e: {  	_ =	shalt  }
0x6f: {  	_ =	shalt  }
0x70: {  	_ =	shalt  }
0x71: {  	_ =	shalt  }
0x72: {  	_ =	shalt  }
0x73: {  	_ =	shalt  }
0x74: {  	_ =	shalt  }
0x75: {  	_ =	shalt  }
0x76: {  	_ =	shalt  }
0x77: {  	_ =	shalt  }
0x78: {  	_ =	shalt  }
0x79: {  	_ =	shalt  }
0x7a: {  	_ =	shalt  }
0x7b: {  	_ =	shalt  }
0x7c: {  	_ =	shalt  }
0x7d: {  	_ =	shalt  }
0x7e: {  	_ =	shalt  }
0x7f: {  	_ =	shalt  }
0x80: {  	_ =	shalt  }
0x81: {  	_ =	shalt  }
0x82: {  	_ =	shalt  }
0x83: {  	_ =	shalt  }
0x84: {  	_ =	shalt  }
0x85: {  	_ =	shalt  }
0x86: {  	_ =	shalt  }
0x87: {  	_ =	shalt  }
.Lfunc_end0:
.L_simem_size_0:
called_computation.1_lowered:
.L_overlay_start_0:
0x88: {  	s2 =	sld [smem:$0x3FD9]  }
0x89: {  	s3 =	sld [smem:$0x3FFE];
	_ =	sdelay $0x1  }
0x8a: {  	s1 =	srdreg.scid  }
0x8b: {  	s0 =	sand.u32 $0x1, s1  }
0x8c: {  	s17 =	sshll.u32 s0, $0xA;
	s2 =	sadd.s32 s3, s2  }
0x8d: {  	s2 =	sadd.s32 s2, s17  }
0x8e: {  	[smem:$0x3FC5] =	sst s2  }
0x8f: {  	_ = 	snop  }
0x90: {  	s2 =	sld [smem:$0x3FD0];
	(tm) =	ssettm $0x1  }
0x91: {  	s18 =	sld [smem:$0x3FFB];
	_ =	sdelay $0x3  }
0x92: {  	_ =	strace s18  }
0x93: {  	s3 =	sld [smem:$0x3FFC];
	_ =	sdelay $0x3  }
0x94: {  	_ =	strace s3  }
0x95: {  	s3 =	sld [smem:$0x3FFD];
	_ =	sdelay $0x3  }
0x96: {  	_ =	strace s3  }
0x97: {  	_ =	strace $0x8FFFFFFF  }
0x98: {  	s19 =	sld [smem:$0x3FDB];
	_ =	sdelay $0x1  }
0x99: {  	s4 =	simm.s32 $_scs_section_size  }
0x9a: {  	s5 =	simm.s32 $_size__tile_overlayer_lowered;
	s6 =	simm.s32 $_tile_overlayer_lowered  }
0x9b: {  	s22 =	simm.s32 $0x1BFF;
	s21 =	sshll.u32 s6, $0x1;
	s3 =	sadd.s32 s4, s19  }
0x9c: {  	s7 =	simm.s32 $0x0;
	s20 =	sshll.u32 s5, $0x1;
	s5 =	sadd.s32 s21, s3  }
0x9d: {  	[timem:s7], [sflag:s22] =	dma.local [hbm:s5], s20  }
0x9e: {  	_ =	swait.ge [sflag:s22], s20  }
0x9f: {  	s4 =	ssub.s32 $0x0, s20;
	[sflag:s22] =	ssyncset.done $0x0  }
0xa0: {  	[sflag:s22] =	ssyncadd.s32 s4;
	_ =	sdelay $0x1  }
0xa1: {  	s23 =	simm.s32 $0x1B8B  }
0xa2: {  	_ =	swait.ge [sflag:s23], $0x1  }
0xa3: {  	[sflag:s23] =	ssyncset.done $0x0  }
0xa4: {  	s25 =	simm.s32 $0x1B8E;
	s24 =	sld [smem:$0x3FFE];
	[sflag:s23] =	ssyncadd.s32 $0xFFFFFFFF  }
0xa5: {  	s26 =	simm.s32 $execute0_lowered;
	[smem:$0x3FD2] =	sst s25  }
0xa6: {  	s5 =	sshll.u32 s26, $0x1;
	_ =	strace $0x80000046;
	[dreg:$0x1] =	wrdreg $0xFFFFFFFF  }
0xa7: {  	s28 =	simm.s32 $_size_execute0_lowered;
	s3 =	sadd.s32 s3, s5;
	[dreg:$0x0] =	wrdreg $0x0  }
0xa8: {  	s5 =	sshll.u32 s28, $0x1;
	[dreg:$0x2] =	wrdreg s3  }
0xa9: {  	[dreg:$0x3] =	wrdreg s5  }
0xaa: {  	[dreg:$0x4] =	wrdreg $0xC0  }
0xab: {  	_ =	task [dreg:s7], $0x5FFFF  }
0xac: {  	[dreg:$0x1] =	wrdreg $0xFFFFFFFF  }
0xad: {  	[dreg:$0x0] =	wrdreg $0x60  }
0xae: {  	[dreg:$0x2] =	wrdreg s24  }
0xaf: {  	[dreg:$0x3] =	wrdreg s2  }
0xb0: {  	[dreg:$0x4] =	wrdreg $0x9  }
0xb1: {  	_ =	task.clear_ibuf [dreg:s7], $0x5FFFF;
	_ =	strace $0x90000046  }
0xb2: {  	s29 =	simm.s32 $0x9;
	_ =	strace $0x80000048  }
0xb3: {  	_ =	swait.ge [sflag:s29], $0x1  }
0xb4: {  	[sflag:s29] =	ssyncadd.s32 $0xFFFFFFFF  }
0xb5: {  	_ =	strace $0x90000048  }
0xb6: {  	_ =	sfence  }
0xb7: {  	s30 =	sld [smem:$0x0];
	_ =	sdelay $0x2  }
0xb8: {  	s31 =	sshll.u32 s1, $0xD;
	s1 =	sshrl.u32 s1, $0x2  }
0xb9: {  	s3 =	sand.u32 $0x4000, s31;
	s1 =	sadd.s32 s1, s30  }
0xba: {  	s0 =	sor.u32 s3, s0;
	s1 =	sshll.u32 s1, $0x11  }
0xbb: {  	s0 =	sor.u32 s1, s0  }
0xbc: {  	s0 =	sadd.s32 $0x8F2B, s0  }
0xbd: {  	[sflag:s0] =	ssyncadd.remote.s32 $0x1  }
0xbe: {  	_ =	sfence.sel $0xFFFF  }
0xbf: {  	[dreg:$0x0] =	wrdreg $0xFFFFFFFF;
	(pc) =	sbr.abs _section_cstart, $3  }
0xc0: {  	[dreg:$0x1] =	wrdreg $0xFFFFFFFF  }
0xc1: {  	_ =	task.clear_ibuf [dreg:s7], $0x2FFFF;
	_ =	strace $0x9FFFFFFF  }
0xc2: {  	(tm) =	ssettm $0x7FFFFFFF  }
0xc3: {  	_ =	shalt  }
tec
execute0_lowered:
.L_overlay_start_1:
0x0: {  	(tag) =	ssettag $0x1  }
0x1: {  	s0 =	rddreg [dreg:$0x0]  }
0x2: {  	s2 =	rddreg [dreg:$0x1]  }
0x3: {  	s1 =	srdreg.scid;
	s4 =	stileid.u32;
	s3 =	simm.s32 $0x0  }
0x4: {  	s17 =	simm.s32 $0x9;
	s18 =	simm.s32 $0x80;
	s20 =	simm.s32 $0x48  }
0x5: {  	s21 =	simm.s32 $0x320;
	s22 =	simm.s32 $0xCE40;
	s30 =	simm.s32 $0x10040  }
0x6: {  	s16 =	simm.s32 $0x1;
	s9 =	simm.s32 $0x13240;
	s8 =	simm.s32 $0x16440  }
0x7: {  	s29 =	simm.s32 $0x2;
	s19 =	simm.s32 $0x3;
	s31 =	simm.s32 $0x4  }
0x8: {  	s15 =	simm.s32 $0x0;
	s1 =	sand.u32 $0x1, s1;
	s4 =	sshll.u32 s4, $0x8  }
0x9: {  	[smem:$0x7FF] =	sst s3;
	s6 =	sadd.s32 $0xF43000, s0;
	s5 =	sshll.u32 s1, $0x7  }
0xa: {  	_ =	strace $0x80000047;
	s1 =	ssub.s32 $0x2, s1;
	s4 =	sor.u32 s5, s4  }
0xb: {  	s5 =	sadd.s32 $0xC00, s0;
	s0 =	sadd.s32 $0x19C00, s0;
	s25 =	sshrl.u32 s1, $0x1  }
0xc: {  	s7 =	smul.u32 $0x19, s4;
	[dreg:$0x3] =	wrdreg s0;
	s0 =	ssub.s32 s1, s25  }
.Ltmp0:
0xd: {  	s11 =	sor.u32 $0x6, s4;
	s0 =	smax.u32 s0, $0x1;
	(pc) =	sbr.rel .LBB2_1-.Ltmp0, $4  }
0xe: {  	s12 =	sor.u32 $0x8, s4;
	s7 =	sadd.s32 s5, s7;
	[dreg:$0x7] =	wrdreg s0  }
0xf: {  	s13 =	sor.u32 $0xA, s4;
	s26 =	sadd.s32 $0x32, s7;
	[dreg:$0x4] =	wrdreg s7  }
0x10: {  	s14 =	sor.u32 $0xC, s4;
	s28 =	sadd.s32 $0x64, s7;
	[dreg:$0x5] =	wrdreg s26  }
0x11: {  	s1 =	simm.s32 $0x7;
	s7 =	simm.s32 $0x4B0;
	[dreg:$0x6] =	wrdreg s28  }
.LBB2_12:
0x12: {  	s0 =	simm.s32 $0x5  }
0x13: {  	_ =	swait.ge [sflag:s0], $0x3200  }
0x14: {  	[sflag:s0] =	ssyncset.done $0x0  }
0x15: {  	[sflag:s0] =	ssyncadd.s32 $0xFFFFCE00  }
0x16: {  	_ =	swait.ge [sflag:s0], $0x3200  }
0x17: {  	[sflag:s0] =	ssyncset.done $0x0  }
0x18: {  	s26 =	simm.s32 $0x6;
	[sflag:s0] =	ssyncadd.s32 $0xFFFFCE00  }
0x19: {  	_ =	swait.ge [sflag:s26], $0x3200  }
0x1a: {  	[sflag:s26] =	ssyncset.done $0x0  }
0x1b: {  	[sflag:s26] =	ssyncadd.s32 $0xFFFFCE00  }
0x1c: {  	_ =	swait.ge [sflag:s26], $0x3200  }
0x1d: {  	[sflag:s26] =	ssyncset.done $0x0  }
0x1e: {  	[sflag:s26] =	ssyncadd.s32 $0xFFFFCE00  }
0x1f: {  	_ =	swait.ge [sflag:s1], $0x3200  }
0x20: {  	[sflag:s1] =	ssyncset.done $0x0  }
0x21: {  	[sflag:s1] =	ssyncadd.s32 $0xFFFFCE00  }
0x22: {  	_ =	swait.ge [sflag:s1], $0x3200  }
0x23: {  	[sflag:s1] =	ssyncset.done $0x0  }
0x24: {  	s10 =	simm.s32 $0x8;
	[sflag:s1] =	ssyncadd.s32 $0xFFFFCE00  }
0x25: {  	_ =	swait.ge [sflag:s10], $0x3200  }
0x26: {  	[sflag:s10] =	ssyncset.done $0x0  }
0x27: {  	[sflag:s10] =	ssyncadd.s32 $0xFFFFCE00  }
0x28: {  	_ =	swait.ge [sflag:s10], $0x3200  }
0x29: {  	s15 =	rddreg [dreg:$0x8]  }
0x2a: {  	s28 =	rddreg [dreg:$0x7];
	s15 =	sadd.s32 $0x1, s15  }
0x2b: {  	p0 =	sne.s32 s15, s28  }
.Ltmp1:
0x2c: {  	_ = 	snop;
	(pc) =	sbr.rel @!p0 .LBB2_13-.Ltmp1, $3  }
0x2d: {  	_ =	sdelay $0x1  }
0x2e: {  	[sflag:s10] =	ssyncset.done $0x0  }
0x2f: {  	[sflag:s10] =	ssyncadd.s32 $0xFFFFCE00  }
.LBB2_1:
0x30: {  	[dreg:$0x8] =	wrdreg s15  }
0x31: {  	s0 =	rddreg [dreg:$0x3];
	s10 =	simm.s32 $0x19640  }
0x32: {  	[tilespmem:s10], [sflag:$0x9] =	stream.linear.gather [hbm4b:s0+s3], $0x3200, $0x38;
	[tilespmem:$0x1C840] =	vst v63  }
0x33: {  	_ =	swait.ge [sflag:s17], $0x3200  }
0x34: {  	[sflag:s17] =	ssyncset.done $0x0  }
0x35: {  	s25 =	rddreg [dreg:$0x4];
	[sflag:s17] =	ssyncadd.s32 $0xFFFFCE00  }
0x36: {  	[tilespmem:s3], [sflag:$0x9] =	stream.linear.gather [hbm4b:s25+s3], $0x190, $0x38;
	[tilespmem:$0x1C840] =	vst v63  }
0x37: {  	_ =	swait.ge [sflag:s17], $0x190  }
0x38: {  	[sflag:s17] =	ssyncset.done $0x0  }
0x39: {  	s26 =	simm.s32 $0x640;
	[sflag:s17] =	ssyncadd.s32 $0xFFFFFE70  }
0x3a: {  	[tilespmem:s26], [sflag:$0x1] =	stream.indirect.gather [hbm4b:s6+s18], $0x40, s3, s18, $0xb8;
	[tilespmem:$0x1C840] =	vst v63  }
0x3b: {  	s28 =	simm.s32 $0x2640  }
0x3c: {  	[tilespmem:s28], [sflag:$0x1] =	stream.indirect.gather [hbm4b:s6+s20], $0x40, s18, s20, $0xb8;
	[tilespmem:$0x1C840] =	vst v63  }
0x3d: {  	s15 =	simm.s32 $0x3840;
	s10 =	simm.s32 $0xC8  }
0x3e: {  	[tilespmem:s15], [sflag:$0x1] =	stream.indirect.gather [hbm4b:s6+s18], $0x40, s10, s18, $0xb8;
	[tilespmem:$0x1C840] =	vst v63  }
0x3f: {  	s23 =	simm.s32 $0x148;
	s24 =	simm.s32 $0x5840  }
0x40: {  	[tilespmem:s24], [sflag:$0x1] =	stream.indirect.gather [hbm4b:s6+s20], $0x40, s23, s20, $0xb8;
	[tilespmem:$0x1C840] =	vst v63  }
0x41: {  	s25 =	rddreg [dreg:$0x5];
	s26 =	simm.s32 $0x190  }
0x42: {  	[tilespmem:s26], [sflag:$0x9] =	stream.linear.gather [hbm4b:s25+s3], $0x190, $0x38;
	[tilespmem:$0x1C840] =	vst v63  }
0x43: {  	_ =	swait.ge [sflag:s17], $0x190  }
0x44: {  	[sflag:s17] =	ssyncset.done $0x0  }
0x45: {  	s28 =	simm.s32 $0x6A40;
	[sflag:s17] =	ssyncadd.s32 $0xFFFFFE70  }
0x46: {  	[tilespmem:s28], [sflag:$0x2] =	stream.indirect.gather [hbm4b:s6+s18], $0x40, s26, s18, $0xb8;
	[tilespmem:$0x1C840] =	vst v63  }
0x47: {  	s15 =	simm.s32 $0x210;
	s23 =	simm.s32 $0x8A40  }
0x48: {  	[tilespmem:s23], [sflag:$0x2] =	stream.indirect.gather [hbm4b:s6+s20], $0x40, s15, s20, $0xb8;
	[tilespmem:$0x1C840] =	vst v63  }
0x49: {  	s24 =	simm.s32 $0x258;
	s25 =	simm.s32 $0x9C40  }
0x4a: {  	[tilespmem:s25], [sflag:$0x2] =	stream.indirect.gather [hbm4b:s6+s18], $0x40, s24, s18, $0xb8;
	[tilespmem:$0x1C840] =	vst v63  }
0x4b: {  	s26 =	simm.s32 $0x2D8;
	s28 =	simm.s32 $0xBC40  }
0x4c: {  	[tilespmem:s28], [sflag:$0x2] =	stream.indirect.gather [hbm4b:s6+s20], $0x40, s26, s20, $0xb8;
	[tilespmem:$0x1C840] =	vst v63  }
0x4d: {  	s15 =	rddreg [dreg:$0x6]  }
0x4e: {  	[tilespmem:s21], [sflag:$0x9] =	stream.linear.gather [hbm4b:s15+s3], $0x190, $0x38;
	[tilespmem:$0x1C840] =	vst v63  }
0x4f: {  	_ =	swait.ge [sflag:s17], $0x190  }
0x50: {  	[sflag:s17] =	ssyncset.done $0x0  }
0x51: {  	[sflag:s17] =	ssyncadd.s32 $0xFFFFFE70  }
0x52: {  	[tilespmem:s22], [sflag:$0x3] =	stream.indirect.gather [hbm4b:s6+s18], $0x40, s21, s18, $0xb8;
	[tilespmem:$0x1C840] =	vst v63  }
0x53: {  	s23 =	simm.s32 $0x3A0;
	s24 =	simm.s32 $0xEE40  }
0x54: {  	[tilespmem:s24], [sflag:$0x3] =	stream.indirect.gather [hbm4b:s6+s20], $0x40, s23, s20, $0xb8;
	[tilespmem:$0x1C840] =	vst v63  }
0x55: {  	s25 =	simm.s32 $0x3E8  }
0x56: {  	[tilespmem:s30], [sflag:$0x3] =	stream.indirect.gather [hbm4b:s6+s18], $0x40, s25, s18, $0xb8;
	[tilespmem:$0x1C840] =	vst v63  }
0x57: {  	s26 =	simm.s32 $0x468;
	s28 =	simm.s32 $0x12040;
	s23 =	simm.s32 $0x0  }
0x58: {  	[tilespmem:s28], [sflag:$0x3] =	stream.indirect.gather [hbm4b:s6+s20], $0x40, s26, s20, $0xb8;
	[tilespmem:$0x1C840] =	vst v63  }
.LBB2_2:
0x59: {  	_ =	swait.ge [sflag:s16], $0x2000  }
0x5a: {  	[sflag:s16] =	ssyncset.done $0x0  }
0x5b: {  	[sflag:s16] =	ssyncadd.s32 $0xFFFFE000  }
0x5c: {  	_ =	swait.ge [sflag:s16], $0x1200  }
0x5d: {  	[sflag:s16] =	ssyncset.done $0x0  }
0x5e: {  	[sflag:s16] =	ssyncadd.s32 $0xFFFFEE00  }
0x5f: {  	_ =	swait.ge [sflag:s16], $0x2000  }
0x60: {  	[sflag:s16] =	ssyncset.done $0x0  }
0x61: {  	[sflag:s16] =	ssyncadd.s32 $0xFFFFE000  }
0x62: {  	_ =	swait.ge [sflag:s16], $0x1200  }
0x63: {  	[sflag:s16] =	ssyncset.done $0x0  }
0x64: {  	s15 =	simm.s32 $0x0;
	[sflag:s16] =	ssyncadd.s32 $0xFFFFEE00  }
0x65: {  	v3 =	vld [tilespmem:s15+$0x19640]  }
0x66: {  	v2 =	vld [tilespmem:s15+$0x19650]  }
0x67: {  	v1 =	vld [tilespmem:s15+$0x19660]  }
0x68: {  	v0 =	vld [tilespmem:s15+$0x19670]  }
0x69: {  	v4 =	vld [tilespmem:s15+$0x640]  }
0x6a: {  	v9 =	vld [tilespmem:s15+$0x650]  }
0x6b: {  	v8 =	vld [tilespmem:s15+$0x660]  }
0x6c: {  	v7 =	vld [tilespmem:s15+$0x670]  }
0x6d: {  	v6 =	vld [tilespmem:s15+$0x3840]  }
0x6e: {  	v5 =	vld [tilespmem:s15+$0x3850];
	v10 =	vadd.f32 v4, v3  }
0x6f: {  	s10 =	simm.s32 $0x100;
	v9 =	vadd.f32 v9, v2;
	v4 =	vld [tilespmem:s15+$0x3860]  }
.LBB2_3:
0x70: {  	s24 =	sshra.s32 s10, $0x2;
	p0 =	sne.s32 s10, $0xC700;
	[tilespmem:s15+$0x640] =	vst v10;
	v8 =	vadd.f32 v8, v1;
	v10 =	vld [tilespmem:s15+$0x3870]  }
0x71: {  	v11 =	vld [tilespmem:s24+$0x19640];
	[tilespmem:s15+$0x650] =	vst v9;
	v7 =	vadd.f32 v7, v0  }
0x72: {  	v9 =	vld [tilespmem:s24+$0x19650];
	[tilespmem:s15+$0x660] =	vst v8;
	v3 =	vadd.f32 v6, v3  }
0x73: {  	v6 =	vld [tilespmem:s24+$0x19660];
	[tilespmem:s15+$0x670] =	vst v7;
	v2 =	vadd.f32 v5, v2  }
0x74: {  	v5 =	vld [tilespmem:s24+$0x19670];
	[tilespmem:s15+$0x3840] =	vst v3;
	v1 =	vadd.f32 v4, v1  }
0x75: {  	v4 =	vld [tilespmem:s24+$0x640];
	[tilespmem:s15+$0x3850] =	vst v2;
	v0 =	vadd.f32 v10, v0  }
0x76: {  	v12 =	vld [tilespmem:s24+$0x650];
	[tilespmem:s15+$0x3860] =	vst v1;
	v3 =	vmov v11  }
.Ltmp2:
0x77: {  	v8 =	vld [tilespmem:s24+$0x660];
	[tilespmem:s15+$0x3870] =	vst v0;
	v2 =	vmov v9;
	s15 =	smov.u32 s24;
	(pc) =	sbr.rel @p0 .LBB2_3-.Ltmp2, $4  }
0x78: {  	v7 =	vld [tilespmem:s15+$0x670];
	v1 =	vmov v6  }
0x79: {  	v6 =	vld [tilespmem:s15+$0x3840];
	v0 =	vmov v5  }
0x7a: {  	v10 =	vadd.f32 v4, v3;
	v5 =	vld [tilespmem:s15+$0x3850]  }
0x7b: {  	s10 =	sadd.s32 $0x100, s10;
	v9 =	vadd.f32 v12, v2;
	v4 =	vld [tilespmem:s15+$0x3860]  }
0x7c: {  	[tilespmem:s15+$0x640] =	vst v10;
	v8 =	vadd.f32 v8, v1;
	v10 =	vld [tilespmem:s15+$0x3870]  }
0x7d: {  	s10 =	sshll.u32 s23, $0x3;
	[tilespmem:s15+$0x650] =	vst v9;
	v7 =	vadd.f32 v7, v0  }
0x7e: {  	s28 =	sor.u32 s4, s10;
	[tilespmem:s15+$0x660] =	vst v8;
	v3 =	vadd.f32 v6, v3  }
0x7f: {  	s24 =	smul.u32 $0x640, s28;
	[tilespmem:s15+$0x670] =	vst v7;
	v2 =	vadd.f32 v5, v2  }
0x80: {  	s26 =	smul.u32 $0x3200, s28;
	[tilespmem:s15+$0x3840] =	vst v3;
	v1 =	vadd.f32 v4, v1  }
0x81: {  	[tilespmem:s15+$0x3850] =	vst v2;
	v0 =	vadd.f32 v10, v0  }
0x82: {  	s25 =	sadd.s32 s2, s24;
	s24 =	sshrl.u32 s26, $0x3;
	[tilespmem:s15+$0x3860] =	vst v1  }
0x83: {  	s0 =	simm.s32 $0x640;
	p0 =	seq.s32 s23, $0x0;
	[tilespmem:s15+$0x3870] =	vst v0;
	s15 =	sadd.s32 s2, s24  }
0x84: {  	[hbm4b:s25+s3] =	stream.linear.scatter [tilespmem:s0], [sflag:$0x5], $0x3200, $0x38;
	[tilespmem:$0x1C840] =	vst v63  }
0x85: {  	s24 =	simm.s32 @!p0 $0x8;
	s15 =	sadd.s32 $0x640, s15;
	s25 =	simm.s32 $0x3840  }
0x86: {  	[hbm4b:s15+s3] =	stream.linear.scatter [tilespmem:s25], [sflag:$0x5], $0x3200, $0x38;
	[tilespmem:$0x1C840] =	vst v63  }
0x87: {  	_ =	swait.ge @!p0 [sflag:s24], $0x3200  }
0x88: {  	[sflag:s24] =	ssyncset.done @!p0 $0x0  }
0x89: {  	s15 =	sadd.s32 s11, s10;
	[sflag:s24] =	ssyncadd.s32 @!p0 $0xFFFFCE00  }
0x8a: {  	s26 =	smul.u32 $0x19, s15;
	_ =	swait.ge @!p0 [sflag:s24], $0x3200  }
0x8b: {  	[sflag:s24] =	ssyncset.done @!p0 $0x0  }
0x8c: {  	s0 =	simm.s32 $0x0;
	s26 =	sadd.s32 s5, s26;
	[sflag:s24] =	ssyncadd.s32 @!p0 $0xFFFFCE00  }
0x8d: {  	[tilespmem:s7], [sflag:$0x9] =	stream.linear.gather [hbm4b:s26+s0], $0x190, $0x38;
	[tilespmem:$0x1C840] =	vst v63  }
0x8e: {  	_ =	swait.ge [sflag:s17], $0x190  }
0x8f: {  	[sflag:s17] =	ssyncset.done $0x0  }
0x90: {  	[sflag:s17] =	ssyncadd.s32 $0xFFFFFE70  }
0x91: {  	[tilespmem:s9], [sflag:$0x4] =	stream.indirect.gather [hbm4b:s6+s18], $0x40, s7, s18, $0xb8;
	[tilespmem:$0x1C840] =	vst v63  }
0x92: {  	s25 =	simm.s32 $0x530;
	s26 =	simm.s32 $0x15240  }
0x93: {  	[tilespmem:s26], [sflag:$0x4] =	stream.indirect.gather [hbm4b:s6+s20], $0x40, s25, s20, $0xb8;
	[tilespmem:$0x1C840] =	vst v63  }
0x94: {  	s24 =	simm.s32 $0x578  }
0x95: {  	[tilespmem:s8], [sflag:$0x4] =	stream.indirect.gather [hbm4b:s6+s18], $0x40, s24, s18, $0xb8;
	[tilespmem:$0x1C840] =	vst v63  }
0x96: {  	s25 =	simm.s32 $0x5F8;
	s26 =	simm.s32 $0x18440  }
0x97: {  	[tilespmem:s26], [sflag:$0x4] =	stream.indirect.gather [hbm4b:s6+s20], $0x40, s25, s20, $0xb8;
	[tilespmem:$0x1C840] =	vst v63  }
0x98: {  	_ =	swait.ge [sflag:s29], $0x2000  }
0x99: {  	[sflag:s29] =	ssyncset.done $0x0  }
0x9a: {  	[sflag:s29] =	ssyncadd.s32 $0xFFFFE000  }
0x9b: {  	_ =	swait.ge [sflag:s29], $0x1200  }
0x9c: {  	[sflag:s29] =	ssyncset.done $0x0  }
0x9d: {  	[sflag:s29] =	ssyncadd.s32 $0xFFFFEE00  }
0x9e: {  	_ =	swait.ge [sflag:s29], $0x2000  }
0x9f: {  	[sflag:s29] =	ssyncset.done $0x0  }
0xa0: {  	[sflag:s29] =	ssyncadd.s32 $0xFFFFE000  }
0xa1: {  	_ =	swait.ge [sflag:s29], $0x1200  }
0xa2: {  	[sflag:s29] =	ssyncset.done $0x0  }
0xa3: {  	s26 =	simm.s32 $0x0;
	[sflag:s29] =	ssyncadd.s32 $0xFFFFEE00  }
0xa4: {  	v3 =	vld [tilespmem:s26+$0x19640]  }
0xa5: {  	v2 =	vld [tilespmem:s26+$0x19650]  }
0xa6: {  	v1 =	vld [tilespmem:s26+$0x19660]  }
0xa7: {  	v0 =	vld [tilespmem:s26+$0x19670]  }
0xa8: {  	v5 =	vld [tilespmem:s26+$0x6A40]  }
0xa9: {  	v9 =	vld [tilespmem:s26+$0x6A50]  }
0xaa: {  	v8 =	vld [tilespmem:s26+$0x6A60]  }
0xab: {  	v7 =	vld [tilespmem:s26+$0x6A70]  }
0xac: {  	v6 =	vld [tilespmem:s26+$0x9C40]  }
0xad: {  	v4 =	vld [tilespmem:s26+$0x9C50];
	v10 =	vadd.f32 v5, v3  }
0xae: {  	s24 =	simm.s32 $0x100;
	v9 =	vadd.f32 v9, v2;
	v5 =	vld [tilespmem:s26+$0x9C60]  }
.LBB2_5:
0xaf: {  	s0 =	sshra.s32 s24, $0x2;
	p0 =	sne.s32 s24, $0xC700;
	[tilespmem:s26+$0x6A40] =	vst v10;
	v8 =	vadd.f32 v8, v1;
	v10 =	vld [tilespmem:s26+$0x9C70]  }
0xb0: {  	v11 =	vld [tilespmem:s0+$0x19640];
	[tilespmem:s26+$0x6A50] =	vst v9;
	v7 =	vadd.f32 v7, v0  }
0xb1: {  	v9 =	vld [tilespmem:s0+$0x19650];
	[tilespmem:s26+$0x6A60] =	vst v8;
	v3 =	vadd.f32 v6, v3  }
0xb2: {  	v6 =	vld [tilespmem:s0+$0x19660];
	[tilespmem:s26+$0x6A70] =	vst v7;
	v2 =	vadd.f32 v4, v2  }
0xb3: {  	v4 =	vld [tilespmem:s0+$0x19670];
	[tilespmem:s26+$0x9C40] =	vst v3;
	v1 =	vadd.f32 v5, v1  }
0xb4: {  	v5 =	vld [tilespmem:s0+$0x6A40];
	[tilespmem:s26+$0x9C50] =	vst v2;
	v0 =	vadd.f32 v10, v0  }
0xb5: {  	v12 =	vld [tilespmem:s0+$0x6A50];
	[tilespmem:s26+$0x9C60] =	vst v1;
	v3 =	vmov v11  }
.Ltmp3:
0xb6: {  	v8 =	vld [tilespmem:s0+$0x6A60];
	[tilespmem:s26+$0x9C70] =	vst v0;
	v2 =	vmov v9;
	s26 =	smov.u32 s0;
	(pc) =	sbr.rel @p0 .LBB2_5-.Ltmp3, $4  }
0xb7: {  	v7 =	vld [tilespmem:s26+$0x6A70];
	v1 =	vmov v6  }
0xb8: {  	v6 =	vld [tilespmem:s26+$0x9C40];
	v0 =	vmov v4  }
0xb9: {  	v10 =	vadd.f32 v5, v3;
	v4 =	vld [tilespmem:s26+$0x9C50]  }
0xba: {  	s24 =	sadd.s32 $0x100, s24;
	v9 =	vadd.f32 v12, v2;
	v5 =	vld [tilespmem:s26+$0x9C60]  }
0xbb: {  	[tilespmem:s26+$0x6A40] =	vst v10;
	v8 =	vadd.f32 v8, v1;
	v10 =	vld [tilespmem:s26+$0x9C70]  }
0xbc: {  	[tilespmem:s26+$0x6A50] =	vst v9;
	v7 =	vadd.f32 v7, v0  }
0xbd: {  	s0 =	sor.u32 $0x2, s28;
	[tilespmem:s26+$0x6A60] =	vst v8;
	v3 =	vadd.f32 v6, v3  }
0xbe: {  	s24 =	smul.u32 $0x640, s0;
	[tilespmem:s26+$0x6A70] =	vst v7;
	v2 =	vadd.f32 v4, v2  }
0xbf: {  	s0 =	smul.u32 $0x3200, s0;
	[tilespmem:s26+$0x9C40] =	vst v3;
	v1 =	vadd.f32 v5, v1  }
0xc0: {  	[tilespmem:s26+$0x9C50] =	vst v2;
	v0 =	vadd.f32 v10, v0  }
0xc1: {  	s0 =	sshrl.u32 s0, $0x3;
	[tilespmem:s26+$0x9C60] =	vst v1  }
0xc2: {  	s25 =	simm.s32 $0x6A40;
	s24 =	sadd.s32 s2, s24;
	s0 =	sadd.s32 s2, s0;
	[tilespmem:s26+$0x9C70] =	vst v0  }
0xc3: {  	[hbm4b:s24+s3] =	stream.linear.scatter [tilespmem:s25], [sflag:$0x6], $0x3200, $0x38;
	[tilespmem:$0x1C840] =	vst v63  }
0xc4: {  	p0 =	seq.s32 s23, $0xF;
	s0 =	sadd.s32 $0x640, s0;
	s26 =	simm.s32 $0x9C40  }
0xc5: {  	[hbm4b:s0+s3] =	stream.linear.scatter [tilespmem:s26], [sflag:$0x6], $0x3200, $0x38;
	[tilespmem:$0x1C840] =	vst v63  }
0xc6: {  	s0 =	simm.s32 @!p0 $0x5  }
0xc7: {  	_ =	swait.ge @!p0 [sflag:s0], $0x3200  }
0xc8: {  	[sflag:s0] =	ssyncset.done @!p0 $0x0  }
0xc9: {  	s24 =	sadd.s32 @!p0 s10, s12;
	[sflag:s0] =	ssyncadd.s32 @!p0 $0xFFFFCE00  }
0xca: {  	s24 =	smul.u32 @!p0 $0x19, s24;
	_ =	swait.ge @!p0 [sflag:s0], $0x3200  }
0xcb: {  	[sflag:s0] =	ssyncset.done @!p0 $0x0  }
0xcc: {  	[sflag:s0] =	ssyncadd.s32 @!p0 $0xFFFFCE00;
	s0 =	sadd.s32 @!p0 s5, s24;
	s24 =	simm.s32 @!p0 $0x0  }
0xcd: {  	[tilespmem:s24], [sflag:$0x9] =	stream.linear.gather @!p0 [hbm4b:s0+s24], $0x190, $0x38;
	[tilespmem:$0x1C840] =	vst v63  }
0xce: {  	s0 =	simm.s32 @!p0 $0x9  }
0xcf: {  	_ =	swait.ge @!p0 [sflag:s0], $0x190  }
0xd0: {  	[sflag:s0] =	ssyncset.done @!p0 $0x0  }
0xd1: {  	s26 =	simm.s32 @!p0 $0x640;
	[sflag:s0] =	ssyncadd.s32 @!p0 $0xFFFFFE70;
	s0 =	simm.s32 @!p0 $0x80  }
0xd2: {  	[tilespmem:s26], [sflag:$0x1] =	stream.indirect.gather @!p0 [hbm4b:s6+s0], $0x40, s24, s0, $0xb8;
	[tilespmem:$0x1C840] =	vst v63  }
0xd3: {  	s24 =	simm.s32 @!p0 $0x48;
	s26 =	simm.s32 @!p0 $0x2640  }
0xd4: {  	[tilespmem:s26], [sflag:$0x1] =	stream.indirect.gather @!p0 [hbm4b:s6+s24], $0x40, s0, s24, $0xb8;
	[tilespmem:$0x1C840] =	vst v63  }
0xd5: {  	s25 =	simm.s32 @!p0 $0x3840;
	s26 =	simm.s32 @!p0 $0xC8  }
0xd6: {  	[tilespmem:s25], [sflag:$0x1] =	stream.indirect.gather @!p0 [hbm4b:s6+s0], $0x40, s26, s0, $0xb8;
	[tilespmem:$0x1C840] =	vst v63  }
0xd7: {  	s0 =	simm.s32 @!p0 $0x148;
	s25 =	simm.s32 @!p0 $0x5840  }
0xd8: {  	[tilespmem:s25], [sflag:$0x1] =	stream.indirect.gather @!p0 [hbm4b:s6+s24], $0x40, s0, s24, $0xb8;
	[tilespmem:$0x1C840] =	vst v63  }
0xd9: {  	_ =	swait.ge [sflag:s19], $0x2000  }
0xda: {  	[sflag:s19] =	ssyncset.done $0x0  }
0xdb: {  	[sflag:s19] =	ssyncadd.s32 $0xFFFFE000  }
0xdc: {  	_ =	swait.ge [sflag:s19], $0x1200  }
0xdd: {  	[sflag:s19] =	ssyncset.done $0x0  }
0xde: {  	[sflag:s19] =	ssyncadd.s32 $0xFFFFEE00  }
0xdf: {  	_ =	swait.ge [sflag:s19], $0x2000  }
0xe0: {  	[sflag:s19] =	ssyncset.done $0x0  }
0xe1: {  	[sflag:s19] =	ssyncadd.s32 $0xFFFFE000  }
0xe2: {  	_ =	swait.ge [sflag:s19], $0x1200  }
0xe3: {  	[sflag:s19] =	ssyncset.done $0x0  }
0xe4: {  	s26 =	simm.s32 $0x0;
	[sflag:s19] =	ssyncadd.s32 $0xFFFFEE00  }
0xe5: {  	v3 =	vld [tilespmem:s26+$0x19640]  }
0xe6: {  	v2 =	vld [tilespmem:s26+$0x19650]  }
0xe7: {  	v1 =	vld [tilespmem:s26+$0x19660]  }
0xe8: {  	v0 =	vld [tilespmem:s26+$0x19670]  }
0xe9: {  	v5 =	vld [tilespmem:s26+$0xCE40]  }
0xea: {  	v9 =	vld [tilespmem:s26+$0xCE50]  }
0xeb: {  	v8 =	vld [tilespmem:s26+$0xCE60]  }
0xec: {  	v7 =	vld [tilespmem:s26+$0xCE70]  }
0xed: {  	v6 =	vld [tilespmem:s26+$0x10040]  }
0xee: {  	v4 =	vld [tilespmem:s26+$0x10050];
	v10 =	vadd.f32 v5, v3  }
0xef: {  	s24 =	simm.s32 $0x100;
	v9 =	vadd.f32 v9, v2;
	v5 =	vld [tilespmem:s26+$0x10060]  }
.LBB2_7:
0xf0: {  	s0 =	sshra.s32 s24, $0x2;
	p1 =	sne.s32 s24, $0xC700;
	[tilespmem:s26+$0xCE40] =	vst v10;
	v8 =	vadd.f32 v8, v1;
	v10 =	vld [tilespmem:s26+$0x10070]  }
0xf1: {  	v11 =	vld [tilespmem:s0+$0x19640];
	[tilespmem:s26+$0xCE50] =	vst v9;
	v7 =	vadd.f32 v7, v0  }
0xf2: {  	v9 =	vld [tilespmem:s0+$0x19650];
	[tilespmem:s26+$0xCE60] =	vst v8;
	v3 =	vadd.f32 v6, v3  }
0xf3: {  	v6 =	vld [tilespmem:s0+$0x19660];
	[tilespmem:s26+$0xCE70] =	vst v7;
	v2 =	vadd.f32 v4, v2  }
0xf4: {  	v4 =	vld [tilespmem:s0+$0x19670];
	[tilespmem:s26+$0x10040] =	vst v3;
	v1 =	vadd.f32 v5, v1  }
0xf5: {  	v5 =	vld [tilespmem:s0+$0xCE40];
	[tilespmem:s26+$0x10050] =	vst v2;
	v0 =	vadd.f32 v10, v0  }
0xf6: {  	v12 =	vld [tilespmem:s0+$0xCE50];
	[tilespmem:s26+$0x10060] =	vst v1;
	v3 =	vmov v11  }
.Ltmp4:
0xf7: {  	v8 =	vld [tilespmem:s0+$0xCE60];
	[tilespmem:s26+$0x10070] =	vst v0;
	v2 =	vmov v9;
	s26 =	smov.u32 s0;
	(pc) =	sbr.rel @p1 .LBB2_7-.Ltmp4, $4  }
0xf8: {  	v7 =	vld [tilespmem:s26+$0xCE70];
	v1 =	vmov v6  }
0xf9: {  	v6 =	vld [tilespmem:s26+$0x10040];
	v0 =	vmov v4  }
0xfa: {  	v10 =	vadd.f32 v5, v3;
	v4 =	vld [tilespmem:s26+$0x10050]  }
0xfb: {  	s24 =	sadd.s32 $0x100, s24;
	v9 =	vadd.f32 v12, v2;
	v5 =	vld [tilespmem:s26+$0x10060]  }
0xfc: {  	[tilespmem:s26+$0xCE40] =	vst v10;
	v8 =	vadd.f32 v8, v1;
	v10 =	vld [tilespmem:s26+$0x10070]  }
0xfd: {  	[tilespmem:s26+$0xCE50] =	vst v9;
	v7 =	vadd.f32 v7, v0  }
0xfe: {  	s0 =	sor.u32 $0x4, s28;
	[tilespmem:s26+$0xCE60] =	vst v8;
	v3 =	vadd.f32 v6, v3  }
0xff: {  	s24 =	smul.u32 $0x640, s0;
	[tilespmem:s26+$0xCE70] =	vst v7;
	v2 =	vadd.f32 v4, v2  }
0x100: {  	s0 =	smul.u32 $0x3200, s0;
	[tilespmem:s26+$0x10040] =	vst v3;
	v1 =	vadd.f32 v5, v1  }
0x101: {  	[tilespmem:s26+$0x10050] =	vst v2;
	v0 =	vadd.f32 v10, v0  }
0x102: {  	s0 =	sshrl.u32 s0, $0x3;
	[tilespmem:s26+$0x10060] =	vst v1  }
0x103: {  	s24 =	sadd.s32 s2, s24;
	s0 =	sadd.s32 s2, s0;
	[tilespmem:s26+$0x10070] =	vst v0  }
0x104: {  	[hbm4b:s24+s3] =	stream.linear.scatter [tilespmem:s22], [sflag:$0x7], $0x3200, $0x38;
	[tilespmem:$0x1C840] =	vst v63  }
0x105: {  	s0 =	sadd.s32 $0x640, s0  }
0x106: {  	[hbm4b:s0+s3] =	stream.linear.scatter [tilespmem:s30], [sflag:$0x7], $0x3200, $0x38;
	[tilespmem:$0x1C840] =	vst v63  }
0x107: {  	s0 =	simm.s32 @!p0 $0x6  }
0x108: {  	_ =	swait.ge @!p0 [sflag:s0], $0x3200  }
0x109: {  	[sflag:s0] =	ssyncset.done @!p0 $0x0  }
0x10a: {  	s24 =	sadd.s32 @!p0 s10, s13;
	[sflag:s0] =	ssyncadd.s32 @!p0 $0xFFFFCE00  }
0x10b: {  	s24 =	smul.u32 @!p0 $0x19, s24;
	_ =	swait.ge @!p0 [sflag:s0], $0x3200  }
0x10c: {  	s25 =	simm.s32 @!p0 $0x190;
	[sflag:s0] =	ssyncset.done @!p0 $0x0  }
0x10d: {  	[sflag:s0] =	ssyncadd.s32 @!p0 $0xFFFFCE00;
	s0 =	sadd.s32 @!p0 s5, s24;
	s24 =	simm.s32 @!p0 $0x0  }
0x10e: {  	[tilespmem:s25], [sflag:$0x9] =	stream.linear.gather @!p0 [hbm4b:s0+s24], $0x190, $0x38;
	[tilespmem:$0x1C840] =	vst v63  }
0x10f: {  	s0 =	simm.s32 @!p0 $0x9  }
0x110: {  	_ =	swait.ge @!p0 [sflag:s0], $0x190  }
0x111: {  	[sflag:s0] =	ssyncset.done @!p0 $0x0  }
0x112: {  	s24 =	simm.s32 @!p0 $0x6A40;
	[sflag:s0] =	ssyncadd.s32 @!p0 $0xFFFFFE70;
	s0 =	simm.s32 @!p0 $0x80  }
0x113: {  	[tilespmem:s24], [sflag:$0x2] =	stream.indirect.gather @!p0 [hbm4b:s6+s0], $0x40, s25, s0, $0xb8;
	[tilespmem:$0x1C840] =	vst v63  }
0x114: {  	s26 =	simm.s32 @!p0 $0x8A40;
	s24 =	simm.s32 @!p0 $0x48;
	s25 =	simm.s32 @!p0 $0x210  }
0x115: {  	[tilespmem:s26], [sflag:$0x2] =	stream.indirect.gather @!p0 [hbm4b:s6+s24], $0x40, s25, s24, $0xb8;
	[tilespmem:$0x1C840] =	vst v63  }
0x116: {  	s25 =	simm.s32 @!p0 $0x258;
	s26 =	simm.s32 @!p0 $0x9C40  }
0x117: {  	[tilespmem:s26], [sflag:$0x2] =	stream.indirect.gather @!p0 [hbm4b:s6+s0], $0x40, s25, s0, $0xb8;
	[tilespmem:$0x1C840] =	vst v63  }
0x118: {  	s0 =	simm.s32 @!p0 $0x2D8;
	s25 =	simm.s32 @!p0 $0xBC40  }
0x119: {  	[tilespmem:s25], [sflag:$0x2] =	stream.indirect.gather @!p0 [hbm4b:s6+s24], $0x40, s0, s24, $0xb8;
	[tilespmem:$0x1C840] =	vst v63  }
0x11a: {  	_ =	swait.ge [sflag:s31], $0x2000  }
0x11b: {  	[sflag:s31] =	ssyncset.done $0x0  }
0x11c: {  	[sflag:s31] =	ssyncadd.s32 $0xFFFFE000  }
0x11d: {  	_ =	swait.ge [sflag:s31], $0x1200  }
0x11e: {  	[sflag:s31] =	ssyncset.done $0x0  }
0x11f: {  	[sflag:s31] =	ssyncadd.s32 $0xFFFFEE00  }
0x120: {  	_ =	swait.ge [sflag:s31], $0x2000  }
0x121: {  	[sflag:s31] =	ssyncset.done $0x0  }
0x122: {  	[sflag:s31] =	ssyncadd.s32 $0xFFFFE000  }
0x123: {  	_ =	swait.ge [sflag:s31], $0x1200  }
0x124: {  	[sflag:s31] =	ssyncset.done $0x0  }
0x125: {  	s26 =	simm.s32 $0x0;
	[sflag:s31] =	ssyncadd.s32 $0xFFFFEE00  }
0x126: {  	v3 =	vld [tilespmem:s26+$0x19640]  }
0x127: {  	v2 =	vld [tilespmem:s26+$0x19650]  }
0x128: {  	v1 =	vld [tilespmem:s26+$0x19660]  }
0x129: {  	v0 =	vld [tilespmem:s26+$0x19670]  }
0x12a: {  	v5 =	vld [tilespmem:s26+$0x13240]  }
0x12b: {  	v9 =	vld [tilespmem:s26+$0x13250]  }
0x12c: {  	v8 =	vld [tilespmem:s26+$0x13260]  }
0x12d: {  	v7 =	vld [tilespmem:s26+$0x13270]  }
0x12e: {  	v6 =	vld [tilespmem:s26+$0x16440]  }
0x12f: {  	v4 =	vld [tilespmem:s26+$0x16450];
	v10 =	vadd.f32 v5, v3  }
0x130: {  	s24 =	simm.s32 $0x100;
	v9 =	vadd.f32 v9, v2;
	v5 =	vld [tilespmem:s26+$0x16460]  }
.LBB2_9:
0x131: {  	s0 =	sshra.s32 s24, $0x2;
	p1 =	sne.s32 s24, $0xC700;
	[tilespmem:s26+$0x13240] =	vst v10;
	v8 =	vadd.f32 v8, v1;
	v10 =	vld [tilespmem:s26+$0x16470]  }
0x132: {  	v11 =	vld [tilespmem:s0+$0x19640];
	[tilespmem:s26+$0x13250] =	vst v9;
	v7 =	vadd.f32 v7, v0  }
0x133: {  	v9 =	vld [tilespmem:s0+$0x19650];
	[tilespmem:s26+$0x13260] =	vst v8;
	v3 =	vadd.f32 v6, v3  }
0x134: {  	v6 =	vld [tilespmem:s0+$0x19660];
	[tilespmem:s26+$0x13270] =	vst v7;
	v2 =	vadd.f32 v4, v2  }
0x135: {  	v4 =	vld [tilespmem:s0+$0x19670];
	[tilespmem:s26+$0x16440] =	vst v3;
	v1 =	vadd.f32 v5, v1  }
0x136: {  	v5 =	vld [tilespmem:s0+$0x13240];
	[tilespmem:s26+$0x16450] =	vst v2;
	v0 =	vadd.f32 v10, v0  }
0x137: {  	v12 =	vld [tilespmem:s0+$0x13250];
	[tilespmem:s26+$0x16460] =	vst v1;
	v3 =	vmov v11  }
.Ltmp5:
0x138: {  	v8 =	vld [tilespmem:s0+$0x13260];
	[tilespmem:s26+$0x16470] =	vst v0;
	v2 =	vmov v9;
	s26 =	smov.u32 s0;
	(pc) =	sbr.rel @p1 .LBB2_9-.Ltmp5, $4  }
0x139: {  	v7 =	vld [tilespmem:s26+$0x13270];
	v1 =	vmov v6  }
0x13a: {  	v6 =	vld [tilespmem:s26+$0x16440];
	v0 =	vmov v4  }
0x13b: {  	v10 =	vadd.f32 v5, v3;
	v4 =	vld [tilespmem:s26+$0x16450]  }
0x13c: {  	s24 =	sadd.s32 $0x100, s24;
	v9 =	vadd.f32 v12, v2;
	v5 =	vld [tilespmem:s26+$0x16460]  }
0x13d: {  	[tilespmem:s26+$0x13240] =	vst v10;
	v8 =	vadd.f32 v8, v1;
	v61 =	vld [tilespmem:s26+$0x16470]  }
0x13e: {  	[tilespmem:s26+$0x13250] =	vst v9;
	v7 =	vadd.f32 v7, v0  }
0x13f: {  	[tilespmem:s26+$0x13260] =	vst v8;
	v3 =	vadd.f32 v6, v3  }
0x140: {  	[tilespmem:s26+$0x13270] =	vst v7;
	v2 =	vadd.f32 v4, v2  }
0x141: {  	[tilespmem:s26+$0x16440] =	vst v3;
	v62 =	vadd.f32 v5, v1  }
0x142: {  	s0 =	smul.u32 $0x640, s15;
	[tilespmem:s26+$0x16450] =	vst v2;
	v63 =	vadd.f32 v61, v0  }
0x143: {  	[tilespmem:s26+$0x16460] =	vst v62  }
0x144: {  	s0 =	sadd.s32 s2, s0;
	[tilespmem:s26+$0x16470] =	vst v63;
	s26 =	smul.u32 $0x3200, s15  }
0x145: {  	[hbm4b:s0+s3] =	stream.linear.scatter [tilespmem:s9], [sflag:$0x8], $0x3200, $0x38;
	[tilespmem:$0x1C840] =	vst v63  }
.Ltmp6:
0x146: {  	_ = 	snop;
	(pc) =	sbr.rel @p0 .LBB2_12-.Ltmp6, $4  }
0x147: {  	s28 =	sshrl.u32 s26, $0x3  }
0x148: {  	s0 =	sadd.s32 s2, s28  }
0x149: {  	s0 =	sadd.s32 $0x640, s0  }
0x14a: {  	[hbm4b:s0+s3] =	stream.linear.scatter [tilespmem:s8], [sflag:$0x8], $0x3200, $0x38;
	[tilespmem:$0x1C840] =	vst v63  }
0x14b: {  	_ =	swait.ge [sflag:s1], $0x3200  }
0x14c: {  	[sflag:s1] =	ssyncset.done $0x0  }
0x14d: {  	s0 =	sadd.s32 s10, s14;
	[sflag:s1] =	ssyncadd.s32 $0xFFFFCE00  }
0x14e: {  	s0 =	smul.u32 $0x19, s0;
	_ =	swait.ge [sflag:s1], $0x3200  }
0x14f: {  	[sflag:s1] =	ssyncset.done $0x0  }
0x150: {  	s0 =	sadd.s32 s5, s0;
	[sflag:s1] =	ssyncadd.s32 $0xFFFFCE00  }
0x151: {  	[tilespmem:s21], [sflag:$0x9] =	stream.linear.gather [hbm4b:s0+s3], $0x190, $0x38;
	[tilespmem:$0x1C840] =	vst v63  }
0x152: {  	_ =	swait.ge [sflag:s17], $0x190  }
0x153: {  	[sflag:s17] =	ssyncset.done $0x0  }
0x154: {  	[sflag:s17] =	ssyncadd.s32 $0xFFFFFE70  }
0x155: {  	[tilespmem:s22], [sflag:$0x3] =	stream.indirect.gather [hbm4b:s6+s18], $0x40, s21, s18, $0xb8;
	[tilespmem:$0x1C840] =	vst v63  }
0x156: {  	s15 =	simm.s32 $0x3A0;
	s24 =	simm.s32 $0xEE40  }
0x157: {  	[tilespmem:s24], [sflag:$0x3] =	stream.indirect.gather [hbm4b:s6+s20], $0x40, s15, s20, $0xb8;
	[tilespmem:$0x1C840] =	vst v63  }
.Ltmp7:
0x158: {  	_ = 	snop;
	(pc) =	sbr.rel .LBB2_2-.Ltmp7, $4  }
0x159: {  	s25 =	simm.s32 $0x3E8  }
0x15a: {  	[tilespmem:s30], [sflag:$0x3] =	stream.indirect.gather [hbm4b:s6+s18], $0x40, s25, s18, $0xb8;
	[tilespmem:$0x1C840] =	vst v63  }
0x15b: {  	s26 =	simm.s32 $0x468;
	s28 =	simm.s32 $0x12040;
	s23 =	sadd.s32 $0x1, s23  }
0x15c: {  	[tilespmem:s28], [sflag:$0x3] =	stream.indirect.gather [hbm4b:s6+s20], $0x40, s26, s20, $0xb8;
	[tilespmem:$0x1C840] =	vst v63  }
.LBB2_13:
0x15d: {  	_ =	sfence.sel $0x180000  }
0x15e: {  	[bflag:$0x0] =	sbarrier.arrive $0xFFFF  }
0x15f: {  	_ =	strace $0x90000047  }
0x160: {  	s0 =	stileid.u32;
	[bflag:$0x2] =	sbarrier.arrive $0xFFFF  }
0x161: {  	p0 =	sne.s32 s0, $0x0;
	s0 =	rddreg [dreg:$0x2]  }
0x162: {  	s0 =	sadd.s32 @!p0 $0x100000, s0  }
0x163: {  	[sflag:s0] =	ssyncadd.tile.s32 @!p0 $0x1;
	_ =	shalt  }
.Lfunc_end2:
_tile_overlayer_lowered:
.L_overlay_start_2:
0x164: {  	(tag) =	ssettag $0x2  }
0x165: {  	s0 =	rddreg [dreg:$0x0];
	s2 =	stileid.u32  }
0x166: {  	s1 =	rddreg [dreg:$0x1];
	p0 =	sne.s32 s2, $0x0  }
0x167: {  	s3 =	rddreg [dreg:$0x2];
	[bflag:$0x3] =	sbarrier.arrive $0xFFFF;
	s2 =	simm.s32 @!p0 $0x1C09  }
0x168: {  	[timem:s3], [sflag:s2] =	dma.local @!p0 [hbm:s0], s1  }
0x169: {  	s0 =	simm.s32 @!p0 $0x9  }
0x16a: {  	_ =	swait.ge @!p0 [sflag:s0], s1  }
0x16b: {  	s1 =	ssub.s32 @!p0 $0x0, s1;
	[sflag:s0] =	ssyncset.done @!p0 $0x0  }
0x16c: {  	[sflag:s0] =	ssyncadd.s32 @!p0 s1  }
0x16d: {  	[bflag:$0x3] =	sbarrier.arrive $0xFFFF  }
0x16e: {  	_ =	shalt  }

// kernel: sparse-core-data-format-call.cloned.1.call-start
scs
called_computation_lowered:
.L_overlay_start_0:
0x0: {  	s2 =	sld [smem:$0x3FD9]  }
0x1: {  	s3 =	sld [smem:$0x3FFE];
	_ =	sdelay $0x1  }
0x2: {  	s1 =	srdreg.scid  }
0x3: {  	s0 =	sand.u32 $0x1, s1  }
0x4: {  	s18 =	sshll.u32 s0, $0xA;
	s2 =	sadd.s32 s3, s2  }
0x5: {  	s2 =	sadd.s32 s2, s18  }
0x6: {  	[smem:$0x3FC5] =	sst s2  }
0x7: {  	_ = 	snop  }
0x8: {  	s2 =	sld [smem:$0x3FD0];
	(tm) =	ssettm $0x1  }
0x9: {  	s19 =	sld [smem:$0x3FFB];
	_ =	sdelay $0x3  }
0xa: {  	_ =	strace s19  }
0xb: {  	s3 =	sld [smem:$0x3FFC];
	_ =	sdelay $0x3  }
0xc: {  	_ =	strace s3  }
0xd: {  	s3 =	sld [smem:$0x3FFD];
	_ =	sdelay $0x3  }
0xe: {  	_ =	strace s3  }
0xf: {  	_ =	strace $0x8FFFFFFF  }
0x10: {  	s20 =	sld [smem:$0x3FDB];
	_ =	sdelay $0x1  }
0x11: {  	s4 =	simm.s32 $_scs_section_size  }
0x12: {  	s5 =	simm.s32 $_size__tile_overlayer_lowered;
	s6 =	simm.s32 $_tile_overlayer_lowered  }
0x13: {  	s23 =	simm.s32 $0x1BFF;
	s22 =	sshll.u32 s6, $0x1;
	s3 =	sadd.s32 s4, s20  }
0x14: {  	s7 =	simm.s32 $0x0;
	s21 =	sshll.u32 s5, $0x1;
	s5 =	sadd.s32 s22, s3  }
0x15: {  	[timem:s7], [sflag:s23] =	dma.local [hbm:s5], s21  }
0x16: {  	_ =	swait.ge [sflag:s23], s21  }
0x17: {  	s4 =	ssub.s32 $0x0, s21;
	[sflag:s23] =	ssyncset.done $0x0  }
0x18: {  	[sflag:s23] =	ssyncadd.s32 s4;
	_ =	sdelay $0x1  }
0x19: {  	s24 =	simm.s32 $0x1B8B  }
0x1a: {  	_ =	swait.ge [sflag:s24], $0x1  }
0x1b: {  	[sflag:s24] =	ssyncset.done $0x0  }
0x1c: {  	s26 =	simm.s32 $0x1B8E;
	s25 =	sld [smem:$0x3FFE];
	[sflag:s24] =	ssyncadd.s32 $0xFFFFFFFF  }
0x1d: {  	s27 =	simm.s32 $execute0_lowered;
	[smem:$0x3FD2] =	sst s26  }
0x1e: {  	s5 =	sshll.u32 s27, $0x1;
	_ =	strace $0x80000049;
	[dreg:$0x1] =	wrdreg $0xFFFFFFFF  }
0x1f: {  	s28 =	simm.s32 $_size_execute0_lowered;
	s3 =	sadd.s32 s3, s5;
	[dreg:$0x0] =	wrdreg $0x0  }
0x20: {  	s5 =	sshll.u32 s28, $0x1;
	[dreg:$0x2] =	wrdreg s3  }
0x21: {  	[dreg:$0x3] =	wrdreg s5  }
0x22: {  	[dreg:$0x4] =	wrdreg $0xC0  }
0x23: {  	_ =	task [dreg:s7], $0x5FFFF  }
0x24: {  	[dreg:$0x1] =	wrdreg $0xFFFFFFFF  }
0x25: {  	[dreg:$0x0] =	wrdreg $0x60  }
0x26: {  	[dreg:$0x2] =	wrdreg s25  }
0x27: {  	[dreg:$0x3] =	wrdreg s2  }
0x28: {  	[dreg:$0x4] =	wrdreg $0x9  }
0x29: {  	_ =	task.clear_ibuf [dreg:s7], $0x5FFFF;
	_ =	strace $0x90000049  }
0x2a: {  	s29 =	simm.s32 $0x9;
	_ =	strace $0x8000004B  }
0x2b: {  	_ =	swait.ge [sflag:s29], $0x1  }
0x2c: {  	[sflag:s29] =	ssyncadd.s32 $0xFFFFFFFF  }
0x2d: {  	_ =	strace $0x9000004B  }
0x2e: {  	_ =	sfence  }
0x2f: {  	s30 =	sld [smem:$0x0];
	_ =	sdelay $0x2  }
0x30: {  	s31 =	sshll.u32 s1, $0xD;
	s1 =	sshrl.u32 s1, $0x2  }
0x31: {  	s3 =	sand.u32 $0x4000, s31;
	s1 =	sadd.s32 s1, s30  }
0x32: {  	s0 =	sor.u32 s3, s0;
	s1 =	sshll.u32 s1, $0x11  }
0x33: {  	s0 =	sor.u32 s1, s0  }
0x34: {  	s0 =	sadd.s32 $0x8F2B, s0  }
0x35: {  	[sflag:s0] =	ssyncadd.remote.s32 $0x1  }
0x36: {  	_ =	sfence.sel $0xFFFF  }
0x37: {  	[dreg:$0x0] =	wrdreg $0xFFFFFFFF;
	(pc) =	sbr.abs _section_cstart, $3  }
0x38: {  	[dreg:$0x1] =	wrdreg $0xFFFFFFFF  }
0x39: {  	_ =	task.clear_ibuf [dreg:s7], $0x2FFFF;
	_ =	strace $0x9FFFFFFF  }
0x3a: {  	(tm) =	ssettm $0x7FFFFFFF  }
0x3b: {  	_ =	shalt  }
tec
execute0_lowered:
.L_overlay_start_1:
0x0: {  	(tag) =	ssettag $0x1  }
0x1: {  	s0 =	srdreg.scid  }
0x2: {  	s1 =	sshll.u32 s0, $0x4  }
0x3: {  	s0 =	stileid.u32;
	s1 =	sand.u32 $0x10, s1  }
0x4: {  	s1 =	sor.u32 s0, s1  }
0x5: {  	s6 =	rddreg [dreg:$0x0];
	s4 =	simm.s32 $0x1;
	s2 =	sshll.u32 s1, $0x7  }
0x6: {  	s7 =	simm.s32 $0x2;
	s12 =	simm.s32 $0x0;
	s1 =	ssub.s32 $0x1000, s2  }
0x7: {  	s8 =	simm.s32 $0x8000;
	s13 =	simm.s32 $0x0;
	s3 =	sand.u32 $0xF80, s1  }
0x8: {  	s9 =	simm.s32 $0x0;
	s5 =	sshrl.u32 s1, $0xC;
	p0 =	sne.s32 s3, $0x0  }
.Ltmp0:
0x9: {  	s1 =	rddreg [dreg:$0x2];
	s4 =	simm.s32 @!p0 $0x0;
	(pc) =	sbr.rel .LBB1_1-.Ltmp0, $4  }
0xa: {  	s11 =	simm.s32 $0x0;
	s3 =	rddreg [dreg:$0x1];
	s5 =	sadd.s32 s4, s5  }
0xb: {  	_ =	strace $0x8000004A;
	s4 =	simm.s32 $0x1;
	s5 =	smul.u32 $0xC8, s5  }
0xc: {  	s6 =	sadd.s32 $0xC00, s6;
	s10 =	smov.u32 s2;
	[sflag:s4] =	ssyncpa.u1 $0x0  }
0xd: {  	p0 =	por $0x0, $0x0;
	[sflag:s7] =	ssyncpa.u1 $0x0;
	s7 =	sor.u32 $0x1, s5  }
.LBB1_4:
0xe: {  	s16 =	sshll.u32 s13, $0x3;
	s17 =	sand.u32 $0x78, s13  }
0xf: {  	s30 =	sand.u32 $0x7E00, s13;
	s12 =	sshll.u32 s12, $0xF;
	s16 =	sand.u32 $0xC00, s16  }
0x10: {  	[tilespmem:s15+$0x810 ss:$0x81] =	vst.msk $0xffff, v2;
	s31 =	sand.u32 $0x7, s13;
	s16 =	sor.u32 s17, s16;
	s17 =	sadd.s32 s3, s30  }
0x11: {  	[tilespmem:s15+$0x1020 ss:$0x81] =	vst.msk $0xffff, v0;
	s13 =	sshll.u32 s31, $0x12;
	s12 =	sadd.s32 s12, s17;
	s16 =	sshrl.u32 s16, $0x3  }
0x12: {  	[tilespmem:s15+$0x0 ss:$0x81] =	vst.msk $0xffff, v1;
	s13 =	sor.u32 $0x400, s13;
	s12 =	sadd.s32 s16, s12  }
0x13: {  	[hbm4b:s12+s13] =	stream.strided.scatter [tilespmem:s14], [sflag:$0x2], $0x2000, s8, s13, $0x20;
	[tilespmem:$0x8080] =	vst v63  }
.LBB1_5:
0x14: {  	s14 =	sadd.s32 $0x1, s9  }
0x15: {  	s12 =	sadd.s32 $0x1000, s10;
	s16 =	smov.u32 s10;
	p2 =	sgt.s32 s14, $0xC7  }
0x16: {  	s16 =	smov.u32 @p2 s12  }
0x17: {  	s14 =	simm.s32 @p2 $0x0;
	p2 =	sgt.s32 s16, $0xFFF  }
0x18: {  	s16 =	smov.u32 @p2 s2;
	p2 =	sne.s32 s11, s7  }
.Ltmp1:
0x19: {  	p1 =	slt.u32 s11, $0x2;
	(pc) =	sbr.rel @!p2 .LBB1_6-.Ltmp1, $4  }
0x1a: {  	s15 =	simm.s32 @!p1 $0x2  }
0x1b: {  	s13 =	smov.u32 s10;
	p0 =	por !p0, !p0;
	_ =	swait.ge @!p1 [sflag:s15], $0x2000  }
0x1c: {  	s12 =	smov.u32 s9;
	[sflag:s15] =	ssyncset.done @!p1 $0x0;
	s9 =	smov.u32 s14  }
0x1d: {  	s11 =	sadd.s32 $0x1, s11;
	[sflag:s15] =	ssyncadd.s32 @!p1 $0xFFFFE000;
	s10 =	smov.u32 s16  }
.LBB1_1:
0x1e: {  	p1 =	sge.u32 s11, s5  }
0x1f: {  	s14 =	sand.u32 @!p1 $0x1FFFFFF, s9  }
0x20: {  	s15 =	smulhi.u32 @!p1 $0x147AE15, s14;
	_ =	sdelay $0x1  }
0x21: {  	s15 =	smul.u32 @!p1 $0xC8, s15  }
0x22: {  	s16 =	sxor.u32 @!p1 $0xFFFFFFFF, s11;
	s17 =	smul.u32 @!p1 $0xC80, s10  }
0x23: {  	s31 =	sadd.s32 $0xFFFFFFFF, s11;
	s16 =	sshll.u32 @!p1 s16, $0xD;
	s14 =	ssub.s32 @!p1 s14, s15  }
0x24: {  	s15 =	sand.u32 @!p1 $0x2000, s16;
	s16 =	sadd.s32 @!p1 s6, s17;
	s14 =	sshll.u32 @!p1 s14, $0x4  }
0x25: {  	s17 =	simm.s32 @!p1 $0x6400;
	s14 =	sadd.s32 @!p1 s14, s16;
	s16 =	simm.s32 @!p1 $0x40  }
0x26: {  	[tilespmem:s15], [sflag:$0x1] =	stream.strided.gather @!p1 [hbm4b:s14+s16], $0x2000, s17, s16, $0x38;
	[tilespmem:$0x8080] =	vst v63  }
0x27: {  	p1 =	sge.u32 s31, s5  }
.Ltmp2:
0x28: {  	_ = 	snop;
	(pc) =	sbr.rel @p1 .LBB1_5-.Ltmp2, $1  }
0x29: {  	_ =	sdelay $0x3  }
0x2a: {  	s14 =	simm.s32 $0x1  }
0x2b: {  	_ =	swait.ge [sflag:s4], $0x2000;
	s14 =	simm.s32 @!p0 $0x0  }
0x2c: {  	[sflag:s4] =	ssyncset.done $0x0;
	s15 =	sshll.u32 s14, $0xD  }
0x2d: {  	[sflag:s4] =	ssyncadd.s32 $0xFFFFE000;
	s18 =	sor.u32 $0x20, s15  }
0x2e: {  	s14 =	smul.u32 $0x8100, s14;
	v3 =	vld [tilespmem:s18+$0x10]  }
0x2f: {  	s30 =	sand.u32 $0x1, s11;
	v2 =	vld [tilespmem:s18+$0xFFFFFFF0]  }
0x30: {  	s15 =	smul.u32 $0x8100, s30;
	s14 =	sshrl.u32 s14, $0x2;
	v0 =	vld [tilespmem:s18+$0x0]  }
0x31: {  	v1 =	vld [tilespmem:s18+$0xFFFFFFE0];
	s16 =	sor.u32 $0x4000, s14  }
0x32: {  	s31 =	sshrl.u32 s15, $0x2;
	s15 =	sadd.s32 $0x0, s16  }
0x33: {  	s17 =	simm.s32 $0x4;
	s18 =	sadd.s32 $0x40, s18;
	s14 =	sor.u32 $0x4000, s31;
	[tilespmem:s15+$0x1830 ss:$0x81] =	vst.msk $0xffff, v3  }
.LBB1_3:
0x34: {  	v3 =	vld [tilespmem:s18+$0x10];
	p1 =	sne.s32 s17, $0x1FC;
	[tilespmem:s15+$0x810 ss:$0x81] =	vst.msk $0xffff, v2;
	s19 =	smov.u32 s17;
	s17 =	sadd.s32 $0x4, s17  }
.Ltmp3:
0x35: {  	v2 =	vld [tilespmem:s18+$0xFFFFFFF0];
	[tilespmem:s15+$0x1020 ss:$0x81] =	vst.msk $0xffff, v0;
	(pc) =	sbr.rel @p1 .LBB1_3-.Ltmp3, $4  }
0x36: {  	v0 =	vld [tilespmem:s18+$0x0];
	[tilespmem:s15+$0x0 ss:$0x81] =	vst.msk $0xffff, v1  }
0x37: {  	s15 =	sshra.s32 s19, $0x2;
	v1 =	vld [tilespmem:s18+$0xFFFFFFE0]  }
0x38: {  	s15 =	sadd.s32 s15, s16  }
0x39: {  	s18 =	sadd.s32 $0x40, s18;
	[tilespmem:s15+$0x1830 ss:$0x81] =	vst.msk $0xffff, v3  }
.Ltmp4:
0x3a: {  	_ = 	snop;
	(pc) =	sbr.rel .LBB1_4-.Ltmp4, $1  }
0x3b: {  	_ =	sdelay $0x3  }
.LBB1_6:
0x3c: {  	_ =	sfence.sel $0x180000  }
0x3d: {  	s2 =	simm.s32 $0x1;
	[bflag:$0x0] =	sbarrier.arrive $0xFFFF  }
0x3e: {  	s31 =	simm.s32 $0x2;
	[sflag:s2] =	ssyncpa.u1 $0x1  }
0x3f: {  	[sflag:s31] =	ssyncpa.u1 $0x1  }
0x40: {  	p0 =	sne.s32 s0, $0x0;
	_ =	strace $0x9000004A  }
0x41: {  	s0 =	sadd.s32 @!p0 $0x100000, s1;
	[bflag:$0x2] =	sbarrier.arrive $0xFFFF  }
0x42: {  	[sflag:s0] =	ssyncadd.tile.s32 @!p0 $0x1;
	_ =	shalt  }
.Lfunc_end1:
_tile_overlayer_lowered:
.L_overlay_start_2:
0x43: {  	(tag) =	ssettag $0x2  }
0x44: {  	s0 =	rddreg [dreg:$0x0];
	s2 =	stileid.u32  }
0x45: {  	s1 =	rddreg [dreg:$0x1];
	p0 =	sne.s32 s2, $0x0  }
0x46: {  	s3 =	rddreg [dreg:$0x2];
	[bflag:$0x3] =	sbarrier.arrive $0xFFFF;
	s2 =	simm.s32 @!p0 $0x1C01  }
0x47: {  	[timem:s3], [sflag:s2] =	dma.local @!p0 [hbm:s0], s1  }
0x48: {  	s0 =	simm.s32 @!p0 $0x1  }
0x49: {  	_ =	swait.ge @!p0 [sflag:s0], s1  }
0x4a: {  	s1 =	ssub.s32 @!p0 $0x0, s1;
	[sflag:s0] =	ssyncset.done @!p0 $0x0  }
0x4b: {  	[sflag:s0] =	ssyncadd.s32 @!p0 s1  }
0x4c: {  	[bflag:$0x3] =	sbarrier.arrive $0xFFFF  }
0x4d: {  	_ =	shalt  }

</sc_bundles>
